<compile_context>
chip_gen: v7x
topology: tpu7x:2x2x1
jax: 0.10.2.dev20260603
libtpu: 0.0.44.dev20260713+nightly
codegen_flags: <defaults>
</compile_context>

<pallas_src>
import jax
import jax.numpy as jnp
from jax import lax
from jax.experimental import pallas as pl
from jax.experimental.pallas import tpu as pltpu
from jax.experimental.pallas import tpu_sc as plsc

N = 10000
E = 320000
D = 128
H = 128
Z = 64
G = 64

NC, NS, L = 2, 16, 16
NTILES = NC * NS
CW = 128
RPT = 80
EP = NTILES * RPT * CW
NP = 10240
NACC = 10112
SEG = NACC // NS
CHI = 16
A0 = 8
A1 = 2
NU = N + 16

_mesh = plsc.VectorSubcoreMesh(
    core_axis_name="c", subcore_axis_name="s", num_cores=NC, num_subcores=NS)


def _deg_body(dst_hbm, out_hbm, dst_v, deg_v):
    c = lax.axis_index("c")
    s = lax.axis_index("s")
    wid = c * NS + s
    pltpu.sync_copy(dst_hbm.at[pl.ds(wid * RPT, RPT)], dst_v)
    zeros16 = jnp.zeros((L,), jnp.float32)

    def zero_body(i, carry):
        deg_v[pl.ds(i * L, L)] = zeros16
        return carry

    lax.fori_loop(0, NP // L, zero_body, 0)
    ones16 = jnp.ones((L,), jnp.float32)

    def edge_body(j, carry):
        for k in range(CW // L):
            idx = dst_v[j, pl.ds(k * L, L)]
            plsc.addupdate_scatter(deg_v, [idx], ones16)
        return carry

    lax.fori_loop(0, RPT, edge_body, 0)
    pltpu.sync_copy(deg_v, out_hbm.at[wid])


_deg_kernel = pl.kernel(
    _deg_body,
    out_type=jax.ShapeDtypeStruct((NTILES, NP), jnp.float32),
    mesh=_mesh,
    scratch_types=[
        pltpu.VMEM((RPT, CW), jnp.int32),
        pltpu.VMEM((NP,), jnp.float32),
    ],
    compiler_params=pltpu.CompilerParams(needs_layout_passes=False),
)


def _agg_body(u_hbm, src_hbm, dst_hbm, out_hbm,
              src_v, dst_v, bufa, bufb, acc_sh, sema, semb):
    c = lax.axis_index("c")
    s = lax.axis_index("s")
    zeros16 = jnp.zeros((L,), jnp.float32)

    def zb(r, carry):
        for k in range(H // L):
            bufa[r, pl.ds(k * L, L)] = zeros16
        return carry

    lax.fori_loop(0, CW, zb, 0)
    for k in range(SEG // CW):
        pltpu.sync_copy(bufa, acc_sh.at[pl.ds(s * SEG + k * CW, CW)])
    rem = SEG - (SEG // CW) * CW
    if rem:
        pltpu.sync_copy(bufa.at[pl.ds(0, rem)],
                        acc_sh.at[pl.ds(s * SEG + (SEG // CW) * CW, rem)])
    plsc.subcore_barrier()

    def step(j, buf, sem):
        pltpu.make_async_copy(u_hbm.at[src_v.at[j]], buf, sem).wait()
        pltpu.sync_copy(buf, acc_sh.at[dst_v.at[j]], add=True)

    nchunks = jnp.where(c == 0, A0, A1)
    base_chunk = jnp.where(c == 0, s * A0, NS * A0 + s * A1)

    def chunk_body(ci, carry):
        row0 = (base_chunk + ci) * CHI
        pltpu.sync_copy(src_hbm.at[pl.ds(row0, CHI)], src_v)
        pltpu.sync_copy(dst_hbm.at[pl.ds(row0, CHI)], dst_v)
        pltpu.async_copy(u_hbm.at[src_v.at[0]], bufa, sema)

        def body(jj, carry2):
            j0 = 2 * jj
            pltpu.async_copy(u_hbm.at[src_v.at[j0 + 1]], bufb, semb)
            step(j0, bufa, sema)
            pltpu.async_copy(u_hbm.at[src_v.at[j0 + 2]], bufa, sema)
            step(j0 + 1, bufb, semb)
            return carry2

        lax.fori_loop(0, CHI // 2 - 1, body, 0)
        pltpu.async_copy(u_hbm.at[src_v.at[CHI - 1]], bufb, semb)
        step(CHI - 2, bufa, sema)
        step(CHI - 1, bufb, semb)
        return carry

    lax.fori_loop(0, nchunks, chunk_body, 0)
    plsc.subcore_barrier()
    pltpu.sync_copy(acc_sh.at[pl.ds(s * SEG, SEG)],
                    out_hbm.at[c, pl.ds(s * SEG, SEG)])


_agg_kernel = pl.kernel(
    _agg_body,
    out_type=jax.ShapeDtypeStruct((NC, NACC, H), jnp.float32),
    mesh=_mesh,
    scratch_types=[
        pltpu.VMEM((CHI, CW), jnp.int32),
        pltpu.VMEM((CHI, CW), jnp.int32),
        pltpu.VMEM((CW, H), jnp.float32),
        pltpu.VMEM((CW, H), jnp.float32),
        pltpu.VMEM_SHARED((NACC, H), jnp.float32),
        pltpu.SemaphoreType.DMA,
        pltpu.SemaphoreType.DMA,
    ],
    compiler_params=pltpu.CompilerParams(needs_layout_passes=False),
)

_PREC = lax.Precision.HIGHEST


def _tc1_body(degT, x, w1, u1_o, dinv_o):
    deg = jnp.sum(degT[...], axis=1, keepdims=True) + 1.0
    dinv = 1.0 / jnp.sqrt(deg)
    dinv_o[...] = dinv
    u1_o[...] = jnp.dot(x[...] * dinv, w1[...],
                        preferred_element_type=jnp.float32, precision=_PREC)


_tc1 = pl.pallas_call(
    _tc1_body,
    out_shape=[jax.ShapeDtypeStruct((N, H), jnp.float32),
               jax.ShapeDtypeStruct((N, 1), jnp.float32)],
)


def _tc2_body(parts, u1, dinv, b1, w2, u2_o):
    agg = parts[0, :N, :] + parts[1, :N, :] + u1[...]
    h1 = jnp.maximum(dinv[...] * agg + b1[...], 0.0)
    u2_o[...] = jnp.dot(h1 * dinv[...], w2[...],
                        preferred_element_type=jnp.float32, precision=_PREC)


_tc2 = pl.pallas_call(
    _tc2_body,
    out_shape=jax.ShapeDtypeStruct((N, H), jnp.float32),
)


def _tc3_body(parts, u2, dinv, b2, batch_row, eps,
              wmu, bmu, wlv, blv, wd1, bd1, wd2, bd2,
              recon_o, mu_o, lv_o):
    agg = parts[0, :N, :] + parts[1, :N, :] + u2[...]
    h2 = jnp.maximum(dinv[...] * agg + b2[...], 0.0)
    oh = (batch_row[...] == lax.broadcasted_iota(jnp.int32, (G, N), 0)
          ).astype(jnp.float32)
    S = lax.dot_general(oh, h2, (((1,), (0,)), ((), ())),
                        preferred_element_type=jnp.float32, precision=_PREC)
    cnt = jnp.sum(oh, axis=1, keepdims=True)
    g = S / jnp.maximum(cnt, 1.0)
    mu = jnp.dot(g, wmu[...], preferred_element_type=jnp.float32,
                 precision=_PREC) + bmu[...]
    lv = jnp.dot(g, wlv[...], preferred_element_type=jnp.float32,
                 precision=_PREC) + blv[...]
    std = jnp.exp(0.5 * lv)
    z = mu + eps[...] * std
    hr = jnp.maximum(jnp.dot(z, wd1[...], preferred_element_type=jnp.float32,
                             precision=_PREC) + bd1[...], 0.0)
    recon_o[...] = jnp.dot(hr, wd2[...], preferred_element_type=jnp.float32,
                           precision=_PREC) + bd2[...]
    mu_o[...] = mu
    lv_o[...] = lv


_tc3 = pl.pallas_call(
    _tc3_body,
    out_shape=[jax.ShapeDtypeStruct((G, D), jnp.float32),
               jax.ShapeDtypeStruct((G, Z), jnp.float32),
               jax.ShapeDtypeStruct((G, Z), jnp.float32)],
)


def kernel(x, edge_index, batch, eps, W1, b1, W2, b2,
           Wmu, bmu, Wlv, blv, Wd1, bd1, Wd2, bd2):
    src = edge_index[0].astype(jnp.int32)
    dst = edge_index[1].astype(jnp.int32)
    padn = jnp.full((EP - E,), N, jnp.int32)
    srcp = jnp.concatenate([src, padn]).reshape(EP // CW, CW)
    dstp = jnp.concatenate([dst, padn]).reshape(EP // CW, CW)

    deg_parts = _deg_kernel(dstp)
    degT = deg_parts.T[:N]
    u1, dinv = _tc1(degT, x, W1)

    zpad = jnp.zeros((NU - N, H), jnp.float32)
    agg1 = _agg_kernel(jnp.concatenate([u1, zpad]), srcp, dstp)
    u2 = _tc2(agg1, u1, dinv, b1.reshape(1, H), W2)
    agg2 = _agg_kernel(jnp.concatenate([u2, zpad]), srcp, dstp)

    recon, mu, lv = _tc3(
        agg2, u2, dinv, b2.reshape(1, H),
        batch.astype(jnp.int32).reshape(1, N), eps,
        Wmu, bmu.reshape(1, Z), Wlv, blv.reshape(1, Z),
        Wd1, bd1.reshape(1, H), Wd2, bd2.reshape(1, D))
    return (recon, mu, lv)

# --- scband reference (transcript-rebuilt; emitter-appended) ---
"""Pipeline reference for scband-graph-vae-70935679861346 (READ-ONLY COPY).

The authoritative reference and input builder live on the scoring server;
editing this copy changes nothing except your own understanding.
"""

import jax, jax.numpy as jnp
import numpy as np

N = 10000
E = 320000
D = 128
H = 128
Z = 64
G = 64


def setup_inputs(seed: int = 0) -> dict:
    key = jax.random.key(seed)
    ks = jax.random.split(key, 16)
    x = jax.random.normal(ks[0], (N, D), dtype=jnp.float32)
    edge_index = jax.random.randint(ks[1], (2, E), 0, N)
    batch = jnp.sort(jax.random.randint(ks[2], (N,), 0, G))
    eps = jax.random.normal(ks[3], (G, Z), dtype=jnp.float32)
    W1 = jax.random.normal(ks[4], (D, H), dtype=jnp.float32) * 0.05
    b1 = jnp.zeros((H,), dtype=jnp.float32)
    W2 = jax.random.normal(ks[5], (H, H), dtype=jnp.float32) * 0.05
    b2 = jnp.zeros((H,), dtype=jnp.float32)
    Wmu = jax.random.normal(ks[6], (H, Z), dtype=jnp.float32) * 0.05
    bmu = jnp.zeros((Z,), dtype=jnp.float32)
    Wlv = jax.random.normal(ks[7], (H, Z), dtype=jnp.float32) * 0.05
    blv = jnp.zeros((Z,), dtype=jnp.float32)
    Wd1 = jax.random.normal(ks[8], (Z, H), dtype=jnp.float32) * 0.05
    bd1 = jnp.zeros((H,), dtype=jnp.float32)
    Wd2 = jax.random.normal(ks[9], (H, D), dtype=jnp.float32) * 0.05
    bd2 = jnp.zeros((D,), dtype=jnp.float32)
    return {"x": x, "edge_index": edge_index, "batch": batch, "eps": eps,
            "W1": W1, "b1": b1, "W2": W2, "b2": b2,
            "Wmu": Wmu, "bmu": bmu, "Wlv": Wlv, "blv": blv,
            "Wd1": Wd1, "bd1": bd1, "Wd2": Wd2, "bd2": bd2}


def gcn_conv(x, edge_index, W, b):
    n = x.shape[0]
    loop = jnp.arange(n)
    src = jnp.concatenate([edge_index[0], loop])
    dst = jnp.concatenate([edge_index[1], loop])
    deg = jnp.zeros((n,), dtype=x.dtype).at[dst].add(1.0)
    dinv = jnp.where(deg > 0, 1.0 / jnp.sqrt(deg), 0.0)
    norm = dinv[src] * dinv[dst]
    h = x @ W
    msg = h[src] * norm[:, None]
    out = jnp.zeros((n, W.shape[1]), dtype=x.dtype).at[dst].add(msg)
    return out + b


def global_mean_pool(x, batch, num_graphs):
    sums = jax.ops.segment_sum(x, batch, num_segments=num_graphs)
    cnt = jax.ops.segment_sum(jnp.ones((x.shape[0],), dtype=x.dtype), batch, num_segments=num_graphs)
    return sums / jnp.maximum(cnt, 1.0)[:, None]


def reference(x, edge_index, batch, eps, W1, b1, W2, b2, Wmu, bmu, Wlv, blv, Wd1, bd1, Wd2, bd2):
    h = jax.nn.relu(gcn_conv(x, edge_index, W1, b1))
    h = jax.nn.relu(gcn_conv(h, edge_index, W2, b2))
    g = global_mean_pool(h, batch, G)
    mu = g @ Wmu + bmu
    logvar = g @ Wlv + blv
    std = jnp.exp(0.5 * logvar)
    z = mu + eps * std
    recon = jax.nn.relu(z @ Wd1 + bd1) @ Wd2 + bd2
    return (recon, mu, logvar)

if __name__ == "__main__":
    import jax
    _d = setup_inputs()
    print(jax.jit(kernel)(*tuple(_d.values())))

</pallas_src>

<mosaic_0001>
#map = affine_map<(d0, d1) -> (0, 0)>
module attributes {stable_mosaic.version = 14 : i64} {
  func.func @_deg_body(%arg0: i32, %arg1: i32, %arg2: memref<2560x128xi32, #tpu.memory_space<hbm>>, %arg3: memref<32x10240xf32, #tpu.memory_space<hbm>>, %arg4: memref<80x128xi32, #tpu.memory_space<vmem>>, %arg5: memref<10240xf32, #tpu.memory_space<vmem>>) attributes {dimension_semantics = [#tpu.dimension_semantics<core_parallel>, #tpu.dimension_semantics<subcore_parallel>], iteration_bounds = array<i64: 2, 16>, scalar_prefetch = 0 : i64, scratch_operands = 2 : i64, tpu.core_type = #tpu.core_type<sc_vector_subcore>, window_params = [{transform_indices = #map}, {transform_indices = #map}]} {
    %mul3A = arith.constant 16 : i32
    %mul3A_0 = arith.muli %arg0, %mul3A : i32
    %add3A = arith.addi %mul3A_0, %arg1 : i32
    %mul3A_1 = arith.constant 80 : i32
    %mul3A_2 = arith.muli %add3A, %mul3A_1 : i32
    "tpu.region"() ({
      %run_scoped3A = tpu.sem_alloc : memref<!tpu.dma_semaphore, #tpu.memory_space<semaphore_mem>>
      %dma_start3A = arith.constant 0 : i32
      %dma_start3A_17 = tpu.memref_slice %arg2[%mul3A_2, %dma_start3A] : memref<2560x128xi32, #tpu.memory_space<hbm>> -> memref<80x128xi32, #tpu.memory_space<hbm>>
      %dma_start3A_18 = arith.constant 0 : i32
      %dma_start3A_19 = tpu.memref_slice %arg2[%mul3A_2, %dma_start3A_18] : memref<2560x128xi32, #tpu.memory_space<hbm>> -> memref<80x128xi32, #tpu.memory_space<hbm>>
      tpu.enqueue_dma source(%dma_start3A_19 : memref<80x128xi32, #tpu.memory_space<hbm>>) target(%arg4 : memref<80x128xi32, #tpu.memory_space<vmem>>) target_semaphore(%run_scoped3A : memref<!tpu.dma_semaphore, #tpu.memory_space<semaphore_mem>>)
      %dma_wait3A = arith.constant 0 : i32
      %dma_wait3A_20 = tpu.memref_slice %arg2[%mul3A_2, %dma_wait3A] : memref<2560x128xi32, #tpu.memory_space<hbm>> -> memref<80x128xi32, #tpu.memory_space<hbm>>
      %dma_wait3A_21 = arith.constant 0 : i32
      %dma_wait3A_22 = tpu.memref_slice %arg2[%mul3A_2, %dma_wait3A_21] : memref<2560x128xi32, #tpu.memory_space<hbm>> -> memref<80x128xi32, #tpu.memory_space<hbm>>
      tpu.wait_dma2 semaphore(%run_scoped3A : memref<!tpu.dma_semaphore, #tpu.memory_space<semaphore_mem>>) src(%dma_wait3A_22 : memref<80x128xi32, #tpu.memory_space<hbm>>) dst(%arg4 : memref<80x128xi32, #tpu.memory_space<vmem>>)
      tpu.yield
    }) : () -> ()
    %broadcast_in_dim3A = arith.constant 0.000000e+00 : f32
    %broadcast_in_dim3A_3 = vector.broadcast %broadcast_in_dim3A : f32 to vector<16xf32>
    %scan3A = arith.constant 0 : i32
    %scan3A_4 = arith.constant 0 : i32
    %scan3A_5 = arith.constant 640 : i32
    %scan3A_6 = arith.addi %scan3A_4, %scan3A_5 : i32
    %scan3A_7 = arith.constant 1 : i32
    scf.for %scan3A_17 = %scan3A_4 to %scan3A_6 step %scan3A_7  : i32 {
      %mul3A_18 = arith.constant 16 : i32
      %mul3A_19 = arith.muli %scan3A_17, %mul3A_18 : i32
      %swap3A = arith.index_cast %mul3A_19 : i32 to index
      %swap3A_20 = tpu.vector_load %arg5[%swap3A] {strides = array<i32>} : memref<10240xf32, #tpu.memory_space<vmem>>, vector<16xf32>,
      tpu.vector_store %arg5[%swap3A], %broadcast_in_dim3A_3 {strides = array<i32>} : memref<10240xf32, #tpu.memory_space<vmem>>, vector<16xf32>,
    }
    %scan3A_8 = arith.constant 640 : i32
    %broadcast_in_dim3A_9 = arith.constant 1.000000e+00 : f32
    %broadcast_in_dim3A_10 = vector.broadcast %broadcast_in_dim3A_9 : f32 to vector<16xf32>
    %scan3A_11 = arith.constant 0 : i32
    %scan3A_12 = arith.constant 0 : i32
    %scan3A_13 = arith.constant 80 : i32
    %scan3A_14 = arith.addi %scan3A_12, %scan3A_13 : i32
    %scan3A_15 = arith.constant 1 : i32
    scf.for %scan3A_17 = %scan3A_12 to %scan3A_14 step %scan3A_15  : i32 {
      %get3A = arith.index_cast %scan3A_17 : i32 to index
      %get3A_18 = arith.constant 0 : index
      %get3A_19 = tpu.vector_load %arg4[%get3A, %get3A_18] {strides = array<i32>} : memref<80x128xi32, #tpu.memory_space<vmem>>, vector<16xi32>,
      tpu.vector_store_idx %arg5[%get3A_19], %broadcast_in_dim3A_10 {add = true} : memref<10240xf32, #tpu.memory_space<vmem>>[vector<16xi32>], vector<16xf32>,
      %get3A_20 = arith.index_cast %scan3A_17 : i32 to index
      %get3A_21 = arith.constant 16 : index
      %get3A_22 = tpu.vector_load %arg4[%get3A_20, %get3A_21] {strides = array<i32>} : memref<80x128xi32, #tpu.memory_space<vmem>>, vector<16xi32>,
      tpu.vector_store_idx %arg5[%get3A_22], %broadcast_in_dim3A_10 {add = true} : memref<10240xf32, #tpu.memory_space<vmem>>[vector<16xi32>], vector<16xf32>,
      %get3A_23 = arith.index_cast %scan3A_17 : i32 to index
      %get3A_24 = arith.constant 32 : index
      %get3A_25 = tpu.vector_load %arg4[%get3A_23, %get3A_24] {strides = array<i32>} : memref<80x128xi32, #tpu.memory_space<vmem>>, vector<16xi32>,
      tpu.vector_store_idx %arg5[%get3A_25], %broadcast_in_dim3A_10 {add = true} : memref<10240xf32, #tpu.memory_space<vmem>>[vector<16xi32>], vector<16xf32>,
      %get3A_26 = arith.index_cast %scan3A_17 : i32 to index
      %get3A_27 = arith.constant 48 : index
      %get3A_28 = tpu.vector_load %arg4[%get3A_26, %get3A_27] {strides = array<i32>} : memref<80x128xi32, #tpu.memory_space<vmem>>, vector<16xi32>,
      tpu.vector_store_idx %arg5[%get3A_28], %broadcast_in_dim3A_10 {add = true} : memref<10240xf32, #tpu.memory_space<vmem>>[vector<16xi32>], vector<16xf32>,
      %get3A_29 = arith.index_cast %scan3A_17 : i32 to index
      %get3A_30 = arith.constant 64 : index
      %get3A_31 = tpu.vector_load %arg4[%get3A_29, %get3A_30] {strides = array<i32>} : memref<80x128xi32, #tpu.memory_space<vmem>>, vector<16xi32>,
      tpu.vector_store_idx %arg5[%get3A_31], %broadcast_in_dim3A_10 {add = true} : memref<10240xf32, #tpu.memory_space<vmem>>[vector<16xi32>], vector<16xf32>,
      %get3A_32 = arith.index_cast %scan3A_17 : i32 to index
      %get3A_33 = arith.constant 80 : index
      %get3A_34 = tpu.vector_load %arg4[%get3A_32, %get3A_33] {strides = array<i32>} : memref<80x128xi32, #tpu.memory_space<vmem>>, vector<16xi32>,
      tpu.vector_store_idx %arg5[%get3A_34], %broadcast_in_dim3A_10 {add = true} : memref<10240xf32, #tpu.memory_space<vmem>>[vector<16xi32>], vector<16xf32>,
      %get3A_35 = arith.index_cast %scan3A_17 : i32 to index
      %get3A_36 = arith.constant 96 : index
      %get3A_37 = tpu.vector_load %arg4[%get3A_35, %get3A_36] {strides = array<i32>} : memref<80x128xi32, #tpu.memory_space<vmem>>, vector<16xi32>,
      tpu.vector_store_idx %arg5[%get3A_37], %broadcast_in_dim3A_10 {add = true} : memref<10240xf32, #tpu.memory_space<vmem>>[vector<16xi32>], vector<16xf32>,
      %get3A_38 = arith.index_cast %scan3A_17 : i32 to index
      %get3A_39 = arith.constant 112 : index
      %get3A_40 = tpu.vector_load %arg4[%get3A_38, %get3A_39] {strides = array<i32>} : memref<80x128xi32, #tpu.memory_space<vmem>>, vector<16xi32>,
      tpu.vector_store_idx %arg5[%get3A_40], %broadcast_in_dim3A_10 {add = true} : memref<10240xf32, #tpu.memory_space<vmem>>[vector<16xi32>], vector<16xf32>,
    }
    %scan3A_16 = arith.constant 80 : i32
    "tpu.region"() ({
      %run_scoped3A = tpu.sem_alloc : memref<!tpu.dma_semaphore, #tpu.memory_space<semaphore_mem>>
      %dma_start3A = arith.constant 0 : i32
      %dma_start3A_17 = tpu.memref_slice %arg3[%add3A, %dma_start3A] : memref<32x10240xf32, #tpu.memory_space<hbm>> -> memref<1x10240xf32, #tpu.memory_space<hbm>>
      %dma_start3A_18 = tpu.memref_squeeze %dma_start3A_17 : memref<1x10240xf32, #tpu.memory_space<hbm>> -> memref<10240xf32, #tpu.memory_space<hbm>>
      %dma_start3A_19 = arith.constant 0 : i32
      %dma_start3A_20 = tpu.memref_slice %arg3[%add3A, %dma_start3A_19] : memref<32x10240xf32, #tpu.memory_space<hbm>> -> memref<1x10240xf32, #tpu.memory_space<hbm>>
      %dma_start3A_21 = tpu.memref_squeeze %dma_start3A_20 : memref<1x10240xf32, #tpu.memory_space<hbm>> -> memref<10240xf32, #tpu.memory_space<hbm>>
      tpu.enqueue_dma source(%arg5 : memref<10240xf32, #tpu.memory_space<vmem>>) target(%dma_start3A_21 : memref<10240xf32, #tpu.memory_space<hbm>>) target_semaphore(%run_scoped3A : memref<!tpu.dma_semaphore, #tpu.memory_space<semaphore_mem>>)
      %dma_wait3A = arith.constant 0 : i32
      %dma_wait3A_22 = tpu.memref_slice %arg3[%add3A, %dma_wait3A] : memref<32x10240xf32, #tpu.memory_space<hbm>> -> memref<1x10240xf32, #tpu.memory_space<hbm>>
      %dma_wait3A_23 = tpu.memref_squeeze %dma_wait3A_22 : memref<1x10240xf32, #tpu.memory_space<hbm>> -> memref<10240xf32, #tpu.memory_space<hbm>>
      %dma_wait3A_24 = arith.constant 0 : i32
      %dma_wait3A_25 = tpu.memref_slice %arg3[%add3A, %dma_wait3A_24] : memref<32x10240xf32, #tpu.memory_space<hbm>> -> memref<1x10240xf32, #tpu.memory_space<hbm>>
      %dma_wait3A_26 = tpu.memref_squeeze %dma_wait3A_25 : memref<1x10240xf32, #tpu.memory_space<hbm>> -> memref<10240xf32, #tpu.memory_space<hbm>>
      tpu.wait_dma2 semaphore(%run_scoped3A : memref<!tpu.dma_semaphore, #tpu.memory_space<semaphore_mem>>) src(%arg5 : memref<10240xf32, #tpu.memory_space<vmem>>) dst(%dma_wait3A_26 : memref<10240xf32, #tpu.memory_space<hbm>>)
      tpu.yield
    }) : () -> ()
    return
  }
}

#map = affine_map<(d0, d1) -> (0, 0)>
#map1 = affine_map<(d0, d1) -> (0, 0, 0)>
module attributes {stable_mosaic.version = 14 : i64} {
  func.func @_agg_body(%arg0: i32, %arg1: i32, %arg2: memref<10016x128xf32, #tpu.memory_space<hbm>>, %arg3: memref<2560x128xi32, #tpu.memory_space<hbm>>, %arg4: memref<2560x128xi32, #tpu.memory_space<hbm>>, %arg5: memref<2x10112x128xf32, #tpu.memory_space<hbm>>, %arg6: memref<16x128xi32, #tpu.memory_space<vmem>>, %arg7: memref<16x128xi32, #tpu.memory_space<vmem>>, %arg8: memref<128x128xf32, #tpu.memory_space<vmem>>, %arg9: memref<128x128xf32, #tpu.memory_space<vmem>>, %arg10: memref<10112x128xf32, #tpu.memory_space<vmem_shared>>, %arg11: memref<!tpu.dma_semaphore, #tpu.memory_space<semaphore_mem>>, %arg12: memref<!tpu.dma_semaphore, #tpu.memory_space<semaphore_mem>>) attributes {dimension_semantics = [#tpu.dimension_semantics<core_parallel>, #tpu.dimension_semantics<subcore_parallel>], iteration_bounds = array<i64: 2, 16>, scalar_prefetch = 0 : i64, scratch_operands = 7 : i64, tpu.core_type = #tpu.core_type<sc_vector_subcore>, window_params = [{transform_indices = #map}, {transform_indices = #map}, {transform_indices = #map}, {transform_indices = #map1}]} {
    %broadcast_in_dim3A = arith.constant 0.000000e+00 : f32
    %broadcast_in_dim3A_0 = vector.broadcast %broadcast_in_dim3A : f32 to vector<16xf32>
    %scan3A = arith.constant 0 : i32
    %scan3A_1 = arith.constant 0 : i32
    %scan3A_2 = arith.constant 128 : i32
    %scan3A_3 = arith.addi %scan3A_1, %scan3A_2 : i32
    %scan3A_4 = arith.constant 1 : i32
    scf.for %scan3A_49 = %scan3A_1 to %scan3A_3 step %scan3A_4  : i32 {
      %swap3A = arith.index_cast %scan3A_49 : i32 to index
      %swap3A_50 = arith.constant 0 : index
      %swap3A_51 = tpu.vector_load %arg8[%swap3A, %swap3A_50] {strides = array<i32>} : memref<128x128xf32, #tpu.memory_space<vmem>>, vector<16xf32>,
      tpu.vector_store %arg8[%swap3A, %swap3A_50], %broadcast_in_dim3A_0 {strides = array<i32>} : memref<128x128xf32, #tpu.memory_space<vmem>>, vector<16xf32>,
      %swap3A_52 = arith.index_cast %scan3A_49 : i32 to index
      %swap3A_53 = arith.constant 16 : index
      %swap3A_54 = tpu.vector_load %arg8[%swap3A_52, %swap3A_53] {strides = array<i32>} : memref<128x128xf32, #tpu.memory_space<vmem>>, vector<16xf32>,
      tpu.vector_store %arg8[%swap3A_52, %swap3A_53], %broadcast_in_dim3A_0 {strides = array<i32>} : memref<128x128xf32, #tpu.memory_space<vmem>>, vector<16xf32>,
      %swap3A_55 = arith.index_cast %scan3A_49 : i32 to index
      %swap3A_56 = arith.constant 32 : index
      %swap3A_57 = tpu.vector_load %arg8[%swap3A_55, %swap3A_56] {strides = array<i32>} : memref<128x128xf32, #tpu.memory_space<vmem>>, vector<16xf32>,
      tpu.vector_store %arg8[%swap3A_55, %swap3A_56], %broadcast_in_dim3A_0 {strides = array<i32>} : memref<128x128xf32, #tpu.memory_space<vmem>>, vector<16xf32>,
      %swap3A_58 = arith.index_cast %scan3A_49 : i32 to index
      %swap3A_59 = arith.constant 48 : index
      %swap3A_60 = tpu.vector_load %arg8[%swap3A_58, %swap3A_59] {strides = array<i32>} : memref<128x128xf32, #tpu.memory_space<vmem>>, vector<16xf32>,
      tpu.vector_store %arg8[%swap3A_58, %swap3A_59], %broadcast_in_dim3A_0 {strides = array<i32>} : memref<128x128xf32, #tpu.memory_space<vmem>>, vector<16xf32>,
      %swap3A_61 = arith.index_cast %scan3A_49 : i32 to index
      %swap3A_62 = arith.constant 64 : index
      %swap3A_63 = tpu.vector_load %arg8[%swap3A_61, %swap3A_62] {strides = array<i32>} : memref<128x128xf32, #tpu.memory_space<vmem>>, vector<16xf32>,
      tpu.vector_store %arg8[%swap3A_61, %swap3A_62], %broadcast_in_dim3A_0 {strides = array<i32>} : memref<128x128xf32, #tpu.memory_space<vmem>>, vector<16xf32>,
      %swap3A_64 = arith.index_cast %scan3A_49 : i32 to index
      %swap3A_65 = arith.constant 80 : index
      %swap3A_66 = tpu.vector_load %arg8[%swap3A_64, %swap3A_65] {strides = array<i32>} : memref<128x128xf32, #tpu.memory_space<vmem>>, vector<16xf32>,
      tpu.vector_store %arg8[%swap3A_64, %swap3A_65], %broadcast_in_dim3A_0 {strides = array<i32>} : memref<128x128xf32, #tpu.memory_space<vmem>>, vector<16xf32>,
      %swap3A_67 = arith.index_cast %scan3A_49 : i32 to index
      %swap3A_68 = arith.constant 96 : index
      %swap3A_69 = tpu.vector_load %arg8[%swap3A_67, %swap3A_68] {strides = array<i32>} : memref<128x128xf32, #tpu.memory_space<vmem>>, vector<16xf32>,
      tpu.vector_store %arg8[%swap3A_67, %swap3A_68], %broadcast_in_dim3A_0 {strides = array<i32>} : memref<128x128xf32, #tpu.memory_space<vmem>>, vector<16xf32>,
      %swap3A_70 = arith.index_cast %scan3A_49 : i32 to index
      %swap3A_71 = arith.constant 112 : index
      %swap3A_72 = tpu.vector_load %arg8[%swap3A_70, %swap3A_71] {strides = array<i32>} : memref<128x128xf32, #tpu.memory_space<vmem>>, vector<16xf32>,
      tpu.vector_store %arg8[%swap3A_70, %swap3A_71], %broadcast_in_dim3A_0 {strides = array<i32>} : memref<128x128xf32, #tpu.memory_space<vmem>>, vector<16xf32>,
    }
    %scan3A_5 = arith.constant 128 : i32
    %mul3A = arith.constant 632 : i32
    %mul3A_6 = arith.muli %arg1, %mul3A : i32
    %add3A = arith.constant 0 : i32
    %add3A_7 = arith.addi %mul3A_6, %add3A : i32
    "tpu.region"() ({
      %run_scoped3A = tpu.sem_alloc : memref<!tpu.dma_semaphore, #tpu.memory_space<semaphore_mem>>
      %dma_start3A = arith.constant 0 : i32
      %dma_start3A_49 = tpu.memref_slice %arg10[%add3A_7, %dma_start3A] : memref<10112x128xf32, #tpu.memory_space<vmem_shared>> -> memref<128x128xf32, #tpu.memory_space<vmem_shared>>
      %dma_start3A_50 = arith.constant 0 : i32
      %dma_start3A_51 = tpu.memref_slice %arg10[%add3A_7, %dma_start3A_50] : memref<10112x128xf32, #tpu.memory_space<vmem_shared>> -> memref<128x128xf32, #tpu.memory_space<vmem_shared>>
      tpu.enqueue_dma source(%arg8 : memref<128x128xf32, #tpu.memory_space<vmem>>) target(%dma_start3A_51 : memref<128x128xf32, #tpu.memory_space<vmem_shared>>) target_semaphore(%run_scoped3A : memref<!tpu.dma_semaphore, #tpu.memory_space<semaphore_mem>>)
      %dma_wait3A = arith.constant 0 : i32
      %dma_wait3A_52 = tpu.memref_slice %arg10[%add3A_7, %dma_wait3A] : memref<10112x128xf32, #tpu.memory_space<vmem_shared>> -> memref<128x128xf32, #tpu.memory_space<vmem_shared>>
      %dma_wait3A_53 = arith.constant 0 : i32
      %dma_wait3A_54 = tpu.memref_slice %arg10[%add3A_7, %dma_wait3A_53] : memref<10112x128xf32, #tpu.memory_space<vmem_shared>> -> memref<128x128xf32, #tpu.memory_space<vmem_shared>>
      tpu.wait_dma2 semaphore(%run_scoped3A : memref<!tpu.dma_semaphore, #tpu.memory_space<semaphore_mem>>) src(%arg8 : memref<128x128xf32, #tpu.memory_space<vmem>>) dst(%dma_wait3A_54 : memref<128x128xf32, #tpu.memory_space<vmem_shared>>)
      tpu.yield
    }) : () -> ()
    %mul3A_8 = arith.constant 632 : i32
    %mul3A_9 = arith.muli %arg1, %mul3A_8 : i32
    %add3A_10 = arith.constant 128 : i32
    %add3A_11 = arith.addi %mul3A_9, %add3A_10 : i32
    "tpu.region"() ({
      %run_scoped3A = tpu.sem_alloc : memref<!tpu.dma_semaphore, #tpu.memory_space<semaphore_mem>>
      %dma_start3A = arith.constant 0 : i32
      %dma_start3A_49 = tpu.memref_slice %arg10[%add3A_11, %dma_start3A] : memref<10112x128xf32, #tpu.memory_space<vmem_shared>> -> memref<128x128xf32, #tpu.memory_space<vmem_shared>>
      %dma_start3A_50 = arith.constant 0 : i32
      %dma_start3A_51 = tpu.memref_slice %arg10[%add3A_11, %dma_start3A_50] : memref<10112x128xf32, #tpu.memory_space<vmem_shared>> -> memref<128x128xf32, #tpu.memory_space<vmem_shared>>
      tpu.enqueue_dma source(%arg8 : memref<128x128xf32, #tpu.memory_space<vmem>>) target(%dma_start3A_51 : memref<128x128xf32, #tpu.memory_space<vmem_shared>>) target_semaphore(%run_scoped3A : memref<!tpu.dma_semaphore, #tpu.memory_space<semaphore_mem>>)
      %dma_wait3A = arith.constant 0 : i32
      %dma_wait3A_52 = tpu.memref_slice %arg10[%add3A_11, %dma_wait3A] : memref<10112x128xf32, #tpu.memory_space<vmem_shared>> -> memref<128x128xf32, #tpu.memory_space<vmem_shared>>
      %dma_wait3A_53 = arith.constant 0 : i32
      %dma_wait3A_54 = tpu.memref_slice %arg10[%add3A_11, %dma_wait3A_53] : memref<10112x128xf32, #tpu.memory_space<vmem_shared>> -> memref<128x128xf32, #tpu.memory_space<vmem_shared>>
      tpu.wait_dma2 semaphore(%run_scoped3A : memref<!tpu.dma_semaphore, #tpu.memory_space<semaphore_mem>>) src(%arg8 : memref<128x128xf32, #tpu.memory_space<vmem>>) dst(%dma_wait3A_54 : memref<128x128xf32, #tpu.memory_space<vmem_shared>>)
      tpu.yield
    }) : () -> ()
    %mul3A_12 = arith.constant 632 : i32
    %mul3A_13 = arith.muli %arg1, %mul3A_12 : i32
    %add3A_14 = arith.constant 256 : i32
    %add3A_15 = arith.addi %mul3A_13, %add3A_14 : i32
    "tpu.region"() ({
      %run_scoped3A = tpu.sem_alloc : memref<!tpu.dma_semaphore, #tpu.memory_space<semaphore_mem>>
      %dma_start3A = arith.constant 0 : i32
      %dma_start3A_49 = tpu.memref_slice %arg10[%add3A_15, %dma_start3A] : memref<10112x128xf32, #tpu.memory_space<vmem_shared>> -> memref<128x128xf32, #tpu.memory_space<vmem_shared>>
      %dma_start3A_50 = arith.constant 0 : i32
      %dma_start3A_51 = tpu.memref_slice %arg10[%add3A_15, %dma_start3A_50] : memref<10112x128xf32, #tpu.memory_space<vmem_shared>> -> memref<128x128xf32, #tpu.memory_space<vmem_shared>>
      tpu.enqueue_dma source(%arg8 : memref<128x128xf32, #tpu.memory_space<vmem>>) target(%dma_start3A_51 : memref<128x128xf32, #tpu.memory_space<vmem_shared>>) target_semaphore(%run_scoped3A : memref<!tpu.dma_semaphore, #tpu.memory_space<semaphore_mem>>)
      %dma_wait3A = arith.constant 0 : i32
      %dma_wait3A_52 = tpu.memref_slice %arg10[%add3A_15, %dma_wait3A] : memref<10112x128xf32, #tpu.memory_space<vmem_shared>> -> memref<128x128xf32, #tpu.memory_space<vmem_shared>>
      %dma_wait3A_53 = arith.constant 0 : i32
      %dma_wait3A_54 = tpu.memref_slice %arg10[%add3A_15, %dma_wait3A_53] : memref<10112x128xf32, #tpu.memory_space<vmem_shared>> -> memref<128x128xf32, #tpu.memory_space<vmem_shared>>
      tpu.wait_dma2 semaphore(%run_scoped3A : memref<!tpu.dma_semaphore, #tpu.memory_space<semaphore_mem>>) src(%arg8 : memref<128x128xf32, #tpu.memory_space<vmem>>) dst(%dma_wait3A_54 : memref<128x128xf32, #tpu.memory_space<vmem_shared>>)
      tpu.yield
    }) : () -> ()
    %mul3A_16 = arith.constant 632 : i32
    %mul3A_17 = arith.muli %arg1, %mul3A_16 : i32
    %add3A_18 = arith.constant 384 : i32
    %add3A_19 = arith.addi %mul3A_17, %add3A_18 : i32
    "tpu.region"() ({
      %run_scoped3A = tpu.sem_alloc : memref<!tpu.dma_semaphore, #tpu.memory_space<semaphore_mem>>
      %dma_start3A = arith.constant 0 : i32
      %dma_start3A_49 = tpu.memref_slice %arg10[%add3A_19, %dma_start3A] : memref<10112x128xf32, #tpu.memory_space<vmem_shared>> -> memref<128x128xf32, #tpu.memory_space<vmem_shared>>
      %dma_start3A_50 = arith.constant 0 : i32
      %dma_start3A_51 = tpu.memref_slice %arg10[%add3A_19, %dma_start3A_50] : memref<10112x128xf32, #tpu.memory_space<vmem_shared>> -> memref<128x128xf32, #tpu.memory_space<vmem_shared>>
      tpu.enqueue_dma source(%arg8 : memref<128x128xf32, #tpu.memory_space<vmem>>) target(%dma_start3A_51 : memref<128x128xf32, #tpu.memory_space<vmem_shared>>) target_semaphore(%run_scoped3A : memref<!tpu.dma_semaphore, #tpu.memory_space<semaphore_mem>>)
      %dma_wait3A = arith.constant 0 : i32
      %dma_wait3A_52 = tpu.memref_slice %arg10[%add3A_19, %dma_wait3A] : memref<10112x128xf32, #tpu.memory_space<vmem_shared>> -> memref<128x128xf32, #tpu.memory_space<vmem_shared>>
      %dma_wait3A_53 = arith.constant 0 : i32
      %dma_wait3A_54 = tpu.memref_slice %arg10[%add3A_19, %dma_wait3A_53] : memref<10112x128xf32, #tpu.memory_space<vmem_shared>> -> memref<128x128xf32, #tpu.memory_space<vmem_shared>>
      tpu.wait_dma2 semaphore(%run_scoped3A : memref<!tpu.dma_semaphore, #tpu.memory_space<semaphore_mem>>) src(%arg8 : memref<128x128xf32, #tpu.memory_space<vmem>>) dst(%dma_wait3A_54 : memref<128x128xf32, #tpu.memory_space<vmem_shared>>)
      tpu.yield
    }) : () -> ()
    %mul3A_20 = arith.constant 632 : i32
    %mul3A_21 = arith.muli %arg1, %mul3A_20 : i32
    %add3A_22 = arith.constant 512 : i32
    %add3A_23 = arith.addi %mul3A_21, %add3A_22 : i32
    "tpu.region"() ({
      %run_scoped3A = tpu.sem_alloc : memref<!tpu.dma_semaphore, #tpu.memory_space<semaphore_mem>>
      %dma_start3A = arith.constant 0 : i32
      %dma_start3A_49 = arith.constant 0 : i32
      %dma_start3A_50 = tpu.memref_slice %arg8[%dma_start3A, %dma_start3A_49] : memref<128x128xf32, #tpu.memory_space<vmem>> -> memref<120x128xf32, #tpu.memory_space<vmem>>
      %dma_start3A_51 = arith.constant 0 : i32
      %dma_start3A_52 = tpu.memref_slice %arg10[%add3A_23, %dma_start3A_51] : memref<10112x128xf32, #tpu.memory_space<vmem_shared>> -> memref<120x128xf32, #tpu.memory_space<vmem_shared>>
      %dma_start3A_53 = arith.constant 0 : i32
      %dma_start3A_54 = tpu.memref_slice %arg10[%add3A_23, %dma_start3A_53] : memref<10112x128xf32, #tpu.memory_space<vmem_shared>> -> memref<120x128xf32, #tpu.memory_space<vmem_shared>>
      %dma_start3A_55 = arith.constant 0 : i32
      %dma_start3A_56 = arith.constant 0 : i32
      %dma_start3A_57 = tpu.memref_slice %arg8[%dma_start3A_55, %dma_start3A_56] : memref<128x128xf32, #tpu.memory_space<vmem>> -> memref<120x128xf32, #tpu.memory_space<vmem>>
      tpu.enqueue_dma source(%dma_start3A_57 : memref<120x128xf32, #tpu.memory_space<vmem>>) target(%dma_start3A_54 : memref<120x128xf32, #tpu.memory_space<vmem_shared>>) target_semaphore(%run_scoped3A : memref<!tpu.dma_semaphore, #tpu.memory_space<semaphore_mem>>)
      %dma_wait3A = arith.constant 0 : i32
      %dma_wait3A_58 = arith.constant 0 : i32
      %dma_wait3A_59 = tpu.memref_slice %arg8[%dma_wait3A, %dma_wait3A_58] : memref<128x128xf32, #tpu.memory_space<vmem>> -> memref<120x128xf32, #tpu.memory_space<vmem>>
      %dma_wait3A_60 = arith.constant 0 : i32
      %dma_wait3A_61 = tpu.memref_slice %arg10[%add3A_23, %dma_wait3A_60] : memref<10112x128xf32, #tpu.memory_space<vmem_shared>> -> memref<120x128xf32, #tpu.memory_space<vmem_shared>>
      %dma_wait3A_62 = arith.constant 0 : i32
      %dma_wait3A_63 = tpu.memref_slice %arg10[%add3A_23, %dma_wait3A_62] : memref<10112x128xf32, #tpu.memory_space<vmem_shared>> -> memref<120x128xf32, #tpu.memory_space<vmem_shared>>
      %dma_wait3A_64 = arith.constant 0 : i32
      %dma_wait3A_65 = arith.constant 0 : i32
      %dma_wait3A_66 = tpu.memref_slice %arg8[%dma_wait3A_64, %dma_wait3A_65] : memref<128x128xf32, #tpu.memory_space<vmem>> -> memref<120x128xf32, #tpu.memory_space<vmem>>
      tpu.wait_dma2 semaphore(%run_scoped3A : memref<!tpu.dma_semaphore, #tpu.memory_space<semaphore_mem>>) src(%dma_wait3A_66 : memref<120x128xf32, #tpu.memory_space<vmem>>) dst(%dma_wait3A_63 : memref<120x128xf32, #tpu.memory_space<vmem_shared>>)
      tpu.yield
    }) : () -> ()
    %barrier3A = arith.constant 0 : index
    tpu.barrier barrier_id(%barrier3A)
    %eq3A = arith.constant 0 : i32
    %eq3A_24 = arith.cmpi eq, %arg0, %eq3A : i32
    %jit3A = arith.constant 8 : i32
    %jit3A_25 = arith.constant 2 : i32
    %select_n3A = arith.select %eq3A_24, %jit3A, %jit3A_25 : i32
    %eq3A_26 = arith.constant 0 : i32
    %eq3A_27 = arith.cmpi eq, %arg0, %eq3A_26 : i32
    %mul3A_28 = arith.constant 8 : i32
    %mul3A_29 = arith.muli %arg1, %mul3A_28 : i32
    %mul3A_30 = arith.constant 2 : i32
    %mul3A_31 = arith.muli %arg1, %mul3A_30 : i32
    %add3A_32 = arith.constant 128 : i32
    %add3A_33 = arith.addi %add3A_32, %mul3A_31 : i32
    %select_n3A_34 = arith.select %eq3A_27, %mul3A_29, %add3A_33 : i32
    %while3A = arith.constant 0 : i32
    %while3A_35 = arith.constant 0 : i32
    %while3A_36 = arith.subi %select_n3A, %while3A_35 : i32
    %while3A_37 = arith.addi %while3A_35, %while3A_36 : i32
    %while3A_38 = arith.constant 1 : i32
    %while3A_39 = arith.divsi %while3A_36, %while3A_38 : i32
    %while3A_40 = arith.muli %while3A_39, %while3A_38 : i32
    %while3A_41 = arith.addi %while3A_35, %while3A_40 : i32
    %while3A_42 = arith.constant 1 : i32
    scf.for %while3A_49 = %while3A_35 to %while3A_41 step %while3A_42  : i32 {
      %add3A_50 = arith.addi %select_n3A_34, %while3A_49 : i32
      %mul3A_51 = arith.constant 16 : i32
      %mul3A_52 = arith.muli %add3A_50, %mul3A_51 : i32
      "tpu.region"() ({
        %run_scoped3A_86 = tpu.sem_alloc : memref<!tpu.dma_semaphore, #tpu.memory_space<semaphore_mem>>
        %dma_start3A_87 = arith.constant 0 : i32
        %dma_start3A_88 = tpu.memref_slice %arg3[%mul3A_52, %dma_start3A_87] : memref<2560x128xi32, #tpu.memory_space<hbm>> -> memref<16x128xi32, #tpu.memory_space<hbm>>
        %dma_start3A_89 = arith.constant 0 : i32
        %dma_start3A_90 = tpu.memref_slice %arg3[%mul3A_52, %dma_start3A_89] : memref<2560x128xi32, #tpu.memory_space<hbm>> -> memref<16x128xi32, #tpu.memory_space<hbm>>
        tpu.enqueue_dma source(%dma_start3A_90 : memref<16x128xi32, #tpu.memory_space<hbm>>) target(%arg6 : memref<16x128xi32, #tpu.memory_space<vmem>>) target_semaphore(%run_scoped3A_86 : memref<!tpu.dma_semaphore, #tpu.memory_space<semaphore_mem>>)
        %dma_wait3A_91 = arith.constant 0 : i32
        %dma_wait3A_92 = tpu.memref_slice %arg3[%mul3A_52, %dma_wait3A_91] : memref<2560x128xi32, #tpu.memory_space<hbm>> -> memref<16x128xi32, #tpu.memory_space<hbm>>
        %dma_wait3A_93 = arith.constant 0 : i32
        %dma_wait3A_94 = tpu.memref_slice %arg3[%mul3A_52, %dma_wait3A_93] : memref<2560x128xi32, #tpu.memory_space<hbm>> -> memref<16x128xi32, #tpu.memory_space<hbm>>
        tpu.wait_dma2 semaphore(%run_scoped3A_86 : memref<!tpu.dma_semaphore, #tpu.memory_space<semaphore_mem>>) src(%dma_wait3A_94 : memref<16x128xi32, #tpu.memory_space<hbm>>) dst(%arg6 : memref<16x128xi32, #tpu.memory_space<vmem>>)
        tpu.yield
      }) : () -> ()
      "tpu.region"() ({
        %run_scoped3A_86 = tpu.sem_alloc : memref<!tpu.dma_semaphore, #tpu.memory_space<semaphore_mem>>
        %dma_start3A_87 = arith.constant 0 : i32
        %dma_start3A_88 = tpu.memref_slice %arg4[%mul3A_52, %dma_start3A_87] : memref<2560x128xi32, #tpu.memory_space<hbm>> -> memref<16x128xi32, #tpu.memory_space<hbm>>
        %dma_start3A_89 = arith.constant 0 : i32
        %dma_start3A_90 = tpu.memref_slice %arg4[%mul3A_52, %dma_start3A_89] : memref<2560x128xi32, #tpu.memory_space<hbm>> -> memref<16x128xi32, #tpu.memory_space<hbm>>
        tpu.enqueue_dma source(%dma_start3A_90 : memref<16x128xi32, #tpu.memory_space<hbm>>) target(%arg7 : memref<16x128xi32, #tpu.memory_space<vmem>>) target_semaphore(%run_scoped3A_86 : memref<!tpu.dma_semaphore, #tpu.memory_space<semaphore_mem>>)
        %dma_wait3A_91 = arith.constant 0 : i32
        %dma_wait3A_92 = tpu.memref_slice %arg4[%mul3A_52, %dma_wait3A_91] : memref<2560x128xi32, #tpu.memory_space<hbm>> -> memref<16x128xi32, #tpu.memory_space<hbm>>
        %dma_wait3A_93 = arith.constant 0 : i32
        %dma_wait3A_94 = tpu.memref_slice %arg4[%mul3A_52, %dma_wait3A_93] : memref<2560x128xi32, #tpu.memory_space<hbm>> -> memref<16x128xi32, #tpu.memory_space<hbm>>
        tpu.wait_dma2 semaphore(%run_scoped3A_86 : memref<!tpu.dma_semaphore, #tpu.memory_space<semaphore_mem>>) src(%dma_wait3A_94 : memref<16x128xi32, #tpu.memory_space<hbm>>) dst(%arg7 : memref<16x128xi32, #tpu.memory_space<vmem>>)
        tpu.yield
      }) : () -> ()
      %dma_start3A = arith.constant 0 : i32
      %dma_start3A_53 = arith.constant 0 : i32
      %dma_start3A_54 = tpu.memref_slice %arg6[%dma_start3A, %dma_start3A_53] : memref<16x128xi32, #tpu.memory_space<vmem>> -> memref<1x128xi32, #tpu.memory_space<vmem>>
      %dma_start3A_55 = tpu.memref_squeeze %dma_start3A_54 : memref<1x128xi32, #tpu.memory_space<vmem>> -> memref<128xi32, #tpu.memory_space<vmem>>
      %dma_start3A_56 = arith.constant 0 : i32
      %dma_start3A_57 = arith.constant 0 : i32
      %dma_start3A_58 = tpu.memref_slice %arg2[%dma_start3A_56, %dma_start3A_57] : memref<10016x128xf32, #tpu.memory_space<hbm>> -> memref<10016x128xf32, #tpu.memory_space<hbm>>
      tpu.enqueue_indirect_dma source(%dma_start3A_58 : memref<10016x128xf32, #tpu.memory_space<hbm>>) target(%arg8 : memref<128x128xf32, #tpu.memory_space<vmem>>) offsets(%dma_start3A_55 : memref<128xi32, #tpu.memory_space<vmem>>) semaphore(%arg11 : memref<!tpu.dma_semaphore, #tpu.memory_space<semaphore_mem>>)
      %scan3A_59 = arith.constant 0 : i32
      %scan3A_60 = arith.constant 0 : i32
      %scan3A_61 = arith.constant 7 : i32
      %scan3A_62 = arith.addi %scan3A_60, %scan3A_61 : i32
      %scan3A_63 = arith.constant 1 : i32
      scf.for %scan3A_86 = %scan3A_60 to %scan3A_62 step %scan3A_63  : i32 {
        %mul3A_87 = arith.constant 2 : i32
        %mul3A_88 = arith.muli %mul3A_87, %scan3A_86 : i32
        %add3A_89 = arith.constant 1 : i32
        %add3A_90 = arith.addi %mul3A_88, %add3A_89 : i32
        %dma_start3A_91 = arith.constant 0 : i32
        %dma_start3A_92 = tpu.memref_slice %arg6[%add3A_90, %dma_start3A_91] : memref<16x128xi32, #tpu.memory_space<vmem>> -> memref<1x128xi32, #tpu.memory_space<vmem>>
        %dma_start3A_93 = tpu.memref_squeeze %dma_start3A_92 : memref<1x128xi32, #tpu.memory_space<vmem>> -> memref<128xi32, #tpu.memory_space<vmem>>
        %dma_start3A_94 = arith.constant 0 : i32
        %dma_start3A_95 = arith.constant 0 : i32
        %dma_start3A_96 = tpu.memref_slice %arg2[%dma_start3A_94, %dma_start3A_95] : memref<10016x128xf32, #tpu.memory_space<hbm>> -> memref<10016x128xf32, #tpu.memory_space<hbm>>
        tpu.enqueue_indirect_dma source(%dma_start3A_96 : memref<10016x128xf32, #tpu.memory_space<hbm>>) target(%arg9 : memref<128x128xf32, #tpu.memory_space<vmem>>) offsets(%dma_start3A_93 : memref<128xi32, #tpu.memory_space<vmem>>) semaphore(%arg12 : memref<!tpu.dma_semaphore, #tpu.memory_space<semaphore_mem>>)
        %dma_wait3A_97 = arith.constant 0 : i32
        %dma_wait3A_98 = tpu.memref_slice %arg6[%mul3A_88, %dma_wait3A_97] : memref<16x128xi32, #tpu.memory_space<vmem>> -> memref<1x128xi32, #tpu.memory_space<vmem>>
        %dma_wait3A_99 = tpu.memref_squeeze %dma_wait3A_98 : memref<1x128xi32, #tpu.memory_space<vmem>> -> memref<128xi32, #tpu.memory_space<vmem>>
        %dma_wait3A_100 = arith.constant 0 : i32
        %dma_wait3A_101 = arith.constant 0 : i32
        %dma_wait3A_102 = tpu.memref_slice %arg2[%dma_wait3A_100, %dma_wait3A_101] : memref<10016x128xf32, #tpu.memory_space<hbm>> -> memref<10016x128xf32, #tpu.memory_space<hbm>>
        tpu.wait_indirect_dma semaphore(%arg11 : memref<!tpu.dma_semaphore, #tpu.memory_space<semaphore_mem>>) src(%dma_wait3A_102 : memref<10016x128xf32, #tpu.memory_space<hbm>>) dst(%arg8 : memref<128x128xf32, #tpu.memory_space<vmem>>)
        "tpu.region"() ({
          %run_scoped3A_119 = tpu.sem_alloc : memref<!tpu.dma_semaphore, #tpu.memory_space<semaphore_mem>>
          %dma_start3A_120 = arith.constant 0 : i32
          %dma_start3A_121 = tpu.memref_slice %arg7[%mul3A_88, %dma_start3A_120] : memref<16x128xi32, #tpu.memory_space<vmem>> -> memref<1x128xi32, #tpu.memory_space<vmem>>
          %dma_start3A_122 = tpu.memref_squeeze %dma_start3A_121 : memref<1x128xi32, #tpu.memory_space<vmem>> -> memref<128xi32, #tpu.memory_space<vmem>>
          %dma_start3A_123 = arith.constant 0 : i32
          %dma_start3A_124 = arith.constant 0 : i32
          %dma_start3A_125 = tpu.memref_slice %arg10[%dma_start3A_123, %dma_start3A_124] : memref<10112x128xf32, #tpu.memory_space<vmem_shared>> -> memref<10112x128xf32, #tpu.memory_space<vmem_shared>>
          tpu.enqueue_indirect_dma source(%arg8 : memref<128x128xf32, #tpu.memory_space<vmem>>) target(%dma_start3A_125 : memref<10112x128xf32, #tpu.memory_space<vmem_shared>>) offsets(%dma_start3A_122 : memref<128xi32, #tpu.memory_space<vmem>>) semaphore(%run_scoped3A_119 : memref<!tpu.dma_semaphore, #tpu.memory_space<semaphore_mem>>) {add = true}
          %dma_wait3A_126 = arith.constant 0 : i32
          %dma_wait3A_127 = tpu.memref_slice %arg7[%mul3A_88, %dma_wait3A_126] : memref<16x128xi32, #tpu.memory_space<vmem>> -> memref<1x128xi32, #tpu.memory_space<vmem>>
          %dma_wait3A_128 = tpu.memref_squeeze %dma_wait3A_127 : memref<1x128xi32, #tpu.memory_space<vmem>> -> memref<128xi32, #tpu.memory_space<vmem>>
          %dma_wait3A_129 = arith.constant 0 : i32
          %dma_wait3A_130 = arith.constant 0 : i32
          %dma_wait3A_131 = tpu.memref_slice %arg10[%dma_wait3A_129, %dma_wait3A_130] : memref<10112x128xf32, #tpu.memory_space<vmem_shared>> -> memref<10112x128xf32, #tpu.memory_space<vmem_shared>>
          tpu.wait_indirect_dma semaphore(%run_scoped3A_119 : memref<!tpu.dma_semaphore, #tpu.memory_space<semaphore_mem>>) src(%arg8 : memref<128x128xf32, #tpu.memory_space<vmem>>) dst(%dma_wait3A_131 : memref<10112x128xf32, #tpu.memory_space<vmem_shared>>)
          tpu.yield
        }) : () -> ()
        %add3A_103 = arith.constant 2 : i32
        %add3A_104 = arith.addi %mul3A_88, %add3A_103 : i32
        %dma_start3A_105 = arith.constant 0 : i32
        %dma_start3A_106 = tpu.memref_slice %arg6[%add3A_104, %dma_start3A_105] : memref<16x128xi32, #tpu.memory_space<vmem>> -> memref<1x128xi32, #tpu.memory_space<vmem>>
        %dma_start3A_107 = tpu.memref_squeeze %dma_start3A_106 : memref<1x128xi32, #tpu.memory_space<vmem>> -> memref<128xi32, #tpu.memory_space<vmem>>
        %dma_start3A_108 = arith.constant 0 : i32
        %dma_start3A_109 = arith.constant 0 : i32
        %dma_start3A_110 = tpu.memref_slice %arg2[%dma_start3A_108, %dma_start3A_109] : memref<10016x128xf32, #tpu.memory_space<hbm>> -> memref<10016x128xf32, #tpu.memory_space<hbm>>
        tpu.enqueue_indirect_dma source(%dma_start3A_110 : memref<10016x128xf32, #tpu.memory_space<hbm>>) target(%arg8 : memref<128x128xf32, #tpu.memory_space<vmem>>) offsets(%dma_start3A_107 : memref<128xi32, #tpu.memory_space<vmem>>) semaphore(%arg11 : memref<!tpu.dma_semaphore, #tpu.memory_space<semaphore_mem>>)
        %add3A_111 = arith.constant 1 : i32
        %add3A_112 = arith.addi %mul3A_88, %add3A_111 : i32
        %dma_wait3A_113 = arith.constant 0 : i32
        %dma_wait3A_114 = tpu.memref_slice %arg6[%add3A_112, %dma_wait3A_113] : memref<16x128xi32, #tpu.memory_space<vmem>> -> memref<1x128xi32, #tpu.memory_space<vmem>>
        %dma_wait3A_115 = tpu.memref_squeeze %dma_wait3A_114 : memref<1x128xi32, #tpu.memory_space<vmem>> -> memref<128xi32, #tpu.memory_space<vmem>>
        %dma_wait3A_116 = arith.constant 0 : i32
        %dma_wait3A_117 = arith.constant 0 : i32
        %dma_wait3A_118 = tpu.memref_slice %arg2[%dma_wait3A_116, %dma_wait3A_117] : memref<10016x128xf32, #tpu.memory_space<hbm>> -> memref<10016x128xf32, #tpu.memory_space<hbm>>
        tpu.wait_indirect_dma semaphore(%arg12 : memref<!tpu.dma_semaphore, #tpu.memory_space<semaphore_mem>>) src(%dma_wait3A_118 : memref<10016x128xf32, #tpu.memory_space<hbm>>) dst(%arg9 : memref<128x128xf32, #tpu.memory_space<vmem>>)
        "tpu.region"() ({
          %run_scoped3A_119 = tpu.sem_alloc : memref<!tpu.dma_semaphore, #tpu.memory_space<semaphore_mem>>
          %dma_start3A_120 = arith.constant 0 : i32
          %dma_start3A_121 = tpu.memref_slice %arg7[%add3A_112, %dma_start3A_120] : memref<16x128xi32, #tpu.memory_space<vmem>> -> memref<1x128xi32, #tpu.memory_space<vmem>>
          %dma_start3A_122 = tpu.memref_squeeze %dma_start3A_121 : memref<1x128xi32, #tpu.memory_space<vmem>> -> memref<128xi32, #tpu.memory_space<vmem>>
          %dma_start3A_123 = arith.constant 0 : i32
          %dma_start3A_124 = arith.constant 0 : i32
          %dma_start3A_125 = tpu.memref_slice %arg10[%dma_start3A_123, %dma_start3A_124] : memref<10112x128xf32, #tpu.memory_space<vmem_shared>> -> memref<10112x128xf32, #tpu.memory_space<vmem_shared>>
          tpu.enqueue_indirect_dma source(%arg9 : memref<128x128xf32, #tpu.memory_space<vmem>>) target(%dma_start3A_125 : memref<10112x128xf32, #tpu.memory_space<vmem_shared>>) offsets(%dma_start3A_122 : memref<128xi32, #tpu.memory_space<vmem>>) semaphore(%run_scoped3A_119 : memref<!tpu.dma_semaphore, #tpu.memory_space<semaphore_mem>>) {add = true}
          %dma_wait3A_126 = arith.constant 0 : i32
          %dma_wait3A_127 = tpu.memref_slice %arg7[%add3A_112, %dma_wait3A_126] : memref<16x128xi32, #tpu.memory_space<vmem>> -> memref<1x128xi32, #tpu.memory_space<vmem>>
          %dma_wait3A_128 = tpu.memref_squeeze %dma_wait3A_127 : memref<1x128xi32, #tpu.memory_space<vmem>> -> memref<128xi32, #tpu.memory_space<vmem>>
          %dma_wait3A_129 = arith.constant 0 : i32
          %dma_wait3A_130 = arith.constant 0 : i32
          %dma_wait3A_131 = tpu.memref_slice %arg10[%dma_wait3A_129, %dma_wait3A_130] : memref<10112x128xf32, #tpu.memory_space<vmem_shared>> -> memref<10112x128xf32, #tpu.memory_space<vmem_shared>>
          tpu.wait_indirect_dma semaphore(%run_scoped3A_119 : memref<!tpu.dma_semaphore, #tpu.memory_space<semaphore_mem>>) src(%arg9 : memref<128x128xf32, #tpu.memory_space<vmem>>) dst(%dma_wait3A_131 : memref<10112x128xf32, #tpu.memory_space<vmem_shared>>)
          tpu.yield
        }) : () -> ()
      }
      %scan3A_64 = arith.constant 7 : i32
      %dma_start3A_65 = arith.constant 15 : i32
      %dma_start3A_66 = arith.constant 0 : i32
      %dma_start3A_67 = tpu.memref_slice %arg6[%dma_start3A_65, %dma_start3A_66] : memref<16x128xi32, #tpu.memory_space<vmem>> -> memref<1x128xi32, #tpu.memory_space<vmem>>
      %dma_start3A_68 = tpu.memref_squeeze %dma_start3A_67 : memref<1x128xi32, #tpu.memory_space<vmem>> -> memref<128xi32, #tpu.memory_space<vmem>>
      %dma_start3A_69 = arith.constant 0 : i32
      %dma_start3A_70 = arith.constant 0 : i32
      %dma_start3A_71 = tpu.memref_slice %arg2[%dma_start3A_69, %dma_start3A_70] : memref<10016x128xf32, #tpu.memory_space<hbm>> -> memref<10016x128xf32, #tpu.memory_space<hbm>>
      tpu.enqueue_indirect_dma source(%dma_start3A_71 : memref<10016x128xf32, #tpu.memory_space<hbm>>) target(%arg9 : memref<128x128xf32, #tpu.memory_space<vmem>>) offsets(%dma_start3A_68 : memref<128xi32, #tpu.memory_space<vmem>>) semaphore(%arg12 : memref<!tpu.dma_semaphore, #tpu.memory_space<semaphore_mem>>)
      %dma_wait3A = arith.constant 14 : i32
      %dma_wait3A_72 = arith.constant 0 : i32
      %dma_wait3A_73 = tpu.memref_slice %arg6[%dma_wait3A, %dma_wait3A_72] : memref<16x128xi32, #tpu.memory_space<vmem>> -> memref<1x128xi32, #tpu.memory_space<vmem>>
      %dma_wait3A_74 = tpu.memref_squeeze %dma_wait3A_73 : memref<1x128xi32, #tpu.memory_space<vmem>> -> memref<128xi32, #tpu.memory_space<vmem>>
      %dma_wait3A_75 = arith.constant 0 : i32
      %dma_wait3A_76 = arith.constant 0 : i32
      %dma_wait3A_77 = tpu.memref_slice %arg2[%dma_wait3A_75, %dma_wait3A_76] : memref<10016x128xf32, #tpu.memory_space<hbm>> -> memref<10016x128xf32, #tpu.memory_space<hbm>>
      tpu.wait_indirect_dma semaphore(%arg11 : memref<!tpu.dma_semaphore, #tpu.memory_space<semaphore_mem>>) src(%dma_wait3A_77 : memref<10016x128xf32, #tpu.memory_space<hbm>>) dst(%arg8 : memref<128x128xf32, #tpu.memory_space<vmem>>)
      %run_scoped3A = arith.constant 14 : i32
      "tpu.region"() ({
        %run_scoped3A_86 = tpu.sem_alloc : memref<!tpu.dma_semaphore, #tpu.memory_space<semaphore_mem>>
        %dma_start3A_87 = arith.constant 0 : i32
        %dma_start3A_88 = tpu.memref_slice %arg7[%run_scoped3A, %dma_start3A_87] : memref<16x128xi32, #tpu.memory_space<vmem>> -> memref<1x128xi32, #tpu.memory_space<vmem>>
        %dma_start3A_89 = tpu.memref_squeeze %dma_start3A_88 : memref<1x128xi32, #tpu.memory_space<vmem>> -> memref<128xi32, #tpu.memory_space<vmem>>
        %dma_start3A_90 = arith.constant 0 : i32
        %dma_start3A_91 = arith.constant 0 : i32
        %dma_start3A_92 = tpu.memref_slice %arg10[%dma_start3A_90, %dma_start3A_91] : memref<10112x128xf32, #tpu.memory_space<vmem_shared>> -> memref<10112x128xf32, #tpu.memory_space<vmem_shared>>
        tpu.enqueue_indirect_dma source(%arg8 : memref<128x128xf32, #tpu.memory_space<vmem>>) target(%dma_start3A_92 : memref<10112x128xf32, #tpu.memory_space<vmem_shared>>) offsets(%dma_start3A_89 : memref<128xi32, #tpu.memory_space<vmem>>) semaphore(%run_scoped3A_86 : memref<!tpu.dma_semaphore, #tpu.memory_space<semaphore_mem>>) {add = true}
        %dma_wait3A_93 = arith.constant 0 : i32
        %dma_wait3A_94 = tpu.memref_slice %arg7[%run_scoped3A, %dma_wait3A_93] : memref<16x128xi32, #tpu.memory_space<vmem>> -> memref<1x128xi32, #tpu.memory_space<vmem>>
        %dma_wait3A_95 = tpu.memref_squeeze %dma_wait3A_94 : memref<1x128xi32, #tpu.memory_space<vmem>> -> memref<128xi32, #tpu.memory_space<vmem>>
        %dma_wait3A_96 = arith.constant 0 : i32
        %dma_wait3A_97 = arith.constant 0 : i32
        %dma_wait3A_98 = tpu.memref_slice %arg10[%dma_wait3A_96, %dma_wait3A_97] : memref<10112x128xf32, #tpu.memory_space<vmem_shared>> -> memref<10112x128xf32, #tpu.memory_space<vmem_shared>>
        tpu.wait_indirect_dma semaphore(%run_scoped3A_86 : memref<!tpu.dma_semaphore, #tpu.memory_space<semaphore_mem>>) src(%arg8 : memref<128x128xf32, #tpu.memory_space<vmem>>) dst(%dma_wait3A_98 : memref<10112x128xf32, #tpu.memory_space<vmem_shared>>)
        tpu.yield
      }) : () -> ()
      %dma_wait3A_78 = arith.constant 15 : i32
      %dma_wait3A_79 = arith.constant 0 : i32
      %dma_wait3A_80 = tpu.memref_slice %arg6[%dma_wait3A_78, %dma_wait3A_79] : memref<16x128xi32, #tpu.memory_space<vmem>> -> memref<1x128xi32, #tpu.memory_space<vmem>>
      %dma_wait3A_81 = tpu.memref_squeeze %dma_wait3A_80 : memref<1x128xi32, #tpu.memory_space<vmem>> -> memref<128xi32, #tpu.memory_space<vmem>>
      %dma_wait3A_82 = arith.constant 0 : i32
      %dma_wait3A_83 = arith.constant 0 : i32
      %dma_wait3A_84 = tpu.memref_slice %arg2[%dma_wait3A_82, %dma_wait3A_83] : memref<10016x128xf32, #tpu.memory_space<hbm>> -> memref<10016x128xf32, #tpu.memory_space<hbm>>
      tpu.wait_indirect_dma semaphore(%arg12 : memref<!tpu.dma_semaphore, #tpu.memory_space<semaphore_mem>>) src(%dma_wait3A_84 : memref<10016x128xf32, #tpu.memory_space<hbm>>) dst(%arg9 : memref<128x128xf32, #tpu.memory_space<vmem>>)
      %run_scoped3A_85 = arith.constant 15 : i32
      "tpu.region"() ({
        %run_scoped3A_86 = tpu.sem_alloc : memref<!tpu.dma_semaphore, #tpu.memory_space<semaphore_mem>>
        %dma_start3A_87 = arith.constant 0 : i32
        %dma_start3A_88 = tpu.memref_slice %arg7[%run_scoped3A_85, %dma_start3A_87] : memref<16x128xi32, #tpu.memory_space<vmem>> -> memref<1x128xi32, #tpu.memory_space<vmem>>
        %dma_start3A_89 = tpu.memref_squeeze %dma_start3A_88 : memref<1x128xi32, #tpu.memory_space<vmem>> -> memref<128xi32, #tpu.memory_space<vmem>>
        %dma_start3A_90 = arith.constant 0 : i32
        %dma_start3A_91 = arith.constant 0 : i32
        %dma_start3A_92 = tpu.memref_slice %arg10[%dma_start3A_90, %dma_start3A_91] : memref<10112x128xf32, #tpu.memory_space<vmem_shared>> -> memref<10112x128xf32, #tpu.memory_space<vmem_shared>>
        tpu.enqueue_indirect_dma source(%arg9 : memref<128x128xf32, #tpu.memory_space<vmem>>) target(%dma_start3A_92 : memref<10112x128xf32, #tpu.memory_space<vmem_shared>>) offsets(%dma_start3A_89 : memref<128xi32, #tpu.memory_space<vmem>>) semaphore(%run_scoped3A_86 : memref<!tpu.dma_semaphore, #tpu.memory_space<semaphore_mem>>) {add = true}
        %dma_wait3A_93 = arith.constant 0 : i32
        %dma_wait3A_94 = tpu.memref_slice %arg7[%run_scoped3A_85, %dma_wait3A_93] : memref<16x128xi32, #tpu.memory_space<vmem>> -> memref<1x128xi32, #tpu.memory_space<vmem>>
        %dma_wait3A_95 = tpu.memref_squeeze %dma_wait3A_94 : memref<1x128xi32, #tpu.memory_space<vmem>> -> memref<128xi32, #tpu.memory_space<vmem>>
        %dma_wait3A_96 = arith.constant 0 : i32
        %dma_wait3A_97 = arith.constant 0 : i32
        %dma_wait3A_98 = tpu.memref_slice %arg10[%dma_wait3A_96, %dma_wait3A_97] : memref<10112x128xf32, #tpu.memory_space<vmem_shared>> -> memref<10112x128xf32, #tpu.memory_space<vmem_shared>>
        tpu.wait_indirect_dma semaphore(%run_scoped3A_86 : memref<!tpu.dma_semaphore, #tpu.memory_space<semaphore_mem>>) src(%arg9 : memref<128x128xf32, #tpu.memory_space<vmem>>) dst(%dma_wait3A_98 : memref<10112x128xf32, #tpu.memory_space<vmem_shared>>)
        tpu.yield
      }) : () -> ()
    }
    %while3A_43 = arith.constant 1 : i32
    scf.for %while3A_49 = %while3A_41 to %while3A_37 step %while3A_43  : i32 {
      %add3A_50 = arith.addi %select_n3A_34, %while3A_49 : i32
      %mul3A_51 = arith.constant 16 : i32
      %mul3A_52 = arith.muli %add3A_50, %mul3A_51 : i32
      "tpu.region"() ({
        %run_scoped3A_86 = tpu.sem_alloc : memref<!tpu.dma_semaphore, #tpu.memory_space<semaphore_mem>>
        %dma_start3A_87 = arith.constant 0 : i32
        %dma_start3A_88 = tpu.memref_slice %arg3[%mul3A_52, %dma_start3A_87] : memref<2560x128xi32, #tpu.memory_space<hbm>> -> memref<16x128xi32, #tpu.memory_space<hbm>>
        %dma_start3A_89 = arith.constant 0 : i32
        %dma_start3A_90 = tpu.memref_slice %arg3[%mul3A_52, %dma_start3A_89] : memref<2560x128xi32, #tpu.memory_space<hbm>> -> memref<16x128xi32, #tpu.memory_space<hbm>>
        tpu.enqueue_dma source(%dma_start3A_90 : memref<16x128xi32, #tpu.memory_space<hbm>>) target(%arg6 : memref<16x128xi32, #tpu.memory_space<vmem>>) target_semaphore(%run_scoped3A_86 : memref<!tpu.dma_semaphore, #tpu.memory_space<semaphore_mem>>)
        %dma_wait3A_91 = arith.constant 0 : i32
        %dma_wait3A_92 = tpu.memref_slice %arg3[%mul3A_52, %dma_wait3A_91] : memref<2560x128xi32, #tpu.memory_space<hbm>> -> memref<16x128xi32, #tpu.memory_space<hbm>>
        %dma_wait3A_93 = arith.constant 0 : i32
        %dma_wait3A_94 = tpu.memref_slice %arg3[%mul3A_52, %dma_wait3A_93] : memref<2560x128xi32, #tpu.memory_space<hbm>> -> memref<16x128xi32, #tpu.memory_space<hbm>>
        tpu.wait_dma2 semaphore(%run_scoped3A_86 : memref<!tpu.dma_semaphore, #tpu.memory_space<semaphore_mem>>) src(%dma_wait3A_94 : memref<16x128xi32, #tpu.memory_space<hbm>>) dst(%arg6 : memref<16x128xi32, #tpu.memory_space<vmem>>)
        tpu.yield
      }) : () -> ()
      "tpu.region"() ({
        %run_scoped3A_86 = tpu.sem_alloc : memref<!tpu.dma_semaphore, #tpu.memory_space<semaphore_mem>>
        %dma_start3A_87 = arith.constant 0 : i32
        %dma_start3A_88 = tpu.memref_slice %arg4[%mul3A_52, %dma_start3A_87] : memref<2560x128xi32, #tpu.memory_space<hbm>> -> memref<16x128xi32, #tpu.memory_space<hbm>>
        %dma_start3A_89 = arith.constant 0 : i32
        %dma_start3A_90 = tpu.memref_slice %arg4[%mul3A_52, %dma_start3A_89] : memref<2560x128xi32, #tpu.memory_space<hbm>> -> memref<16x128xi32, #tpu.memory_space<hbm>>
        tpu.enqueue_dma source(%dma_start3A_90 : memref<16x128xi32, #tpu.memory_space<hbm>>) target(%arg7 : memref<16x128xi32, #tpu.memory_space<vmem>>) target_semaphore(%run_scoped3A_86 : memref<!tpu.dma_semaphore, #tpu.memory_space<semaphore_mem>>)
        %dma_wait3A_91 = arith.constant 0 : i32
        %dma_wait3A_92 = tpu.memref_slice %arg4[%mul3A_52, %dma_wait3A_91] : memref<2560x128xi32, #tpu.memory_space<hbm>> -> memref<16x128xi32, #tpu.memory_space<hbm>>
        %dma_wait3A_93 = arith.constant 0 : i32
        %dma_wait3A_94 = tpu.memref_slice %arg4[%mul3A_52, %dma_wait3A_93] : memref<2560x128xi32, #tpu.memory_space<hbm>> -> memref<16x128xi32, #tpu.memory_space<hbm>>
        tpu.wait_dma2 semaphore(%run_scoped3A_86 : memref<!tpu.dma_semaphore, #tpu.memory_space<semaphore_mem>>) src(%dma_wait3A_94 : memref<16x128xi32, #tpu.memory_space<hbm>>) dst(%arg7 : memref<16x128xi32, #tpu.memory_space<vmem>>)
        tpu.yield
      }) : () -> ()
      %dma_start3A = arith.constant 0 : i32
      %dma_start3A_53 = arith.constant 0 : i32
      %dma_start3A_54 = tpu.memref_slice %arg6[%dma_start3A, %dma_start3A_53] : memref<16x128xi32, #tpu.memory_space<vmem>> -> memref<1x128xi32, #tpu.memory_space<vmem>>
      %dma_start3A_55 = tpu.memref_squeeze %dma_start3A_54 : memref<1x128xi32, #tpu.memory_space<vmem>> -> memref<128xi32, #tpu.memory_space<vmem>>
      %dma_start3A_56 = arith.constant 0 : i32
      %dma_start3A_57 = arith.constant 0 : i32
      %dma_start3A_58 = tpu.memref_slice %arg2[%dma_start3A_56, %dma_start3A_57] : memref<10016x128xf32, #tpu.memory_space<hbm>> -> memref<10016x128xf32, #tpu.memory_space<hbm>>
      tpu.enqueue_indirect_dma source(%dma_start3A_58 : memref<10016x128xf32, #tpu.memory_space<hbm>>) target(%arg8 : memref<128x128xf32, #tpu.memory_space<vmem>>) offsets(%dma_start3A_55 : memref<128xi32, #tpu.memory_space<vmem>>) semaphore(%arg11 : memref<!tpu.dma_semaphore, #tpu.memory_space<semaphore_mem>>)
      %scan3A_59 = arith.constant 0 : i32
      %scan3A_60 = arith.constant 0 : i32
      %scan3A_61 = arith.constant 7 : i32
      %scan3A_62 = arith.addi %scan3A_60, %scan3A_61 : i32
      %scan3A_63 = arith.constant 1 : i32
      scf.for %scan3A_86 = %scan3A_60 to %scan3A_62 step %scan3A_63  : i32 {
        %mul3A_87 = arith.constant 2 : i32
        %mul3A_88 = arith.muli %mul3A_87, %scan3A_86 : i32
        %add3A_89 = arith.constant 1 : i32
        %add3A_90 = arith.addi %mul3A_88, %add3A_89 : i32
        %dma_start3A_91 = arith.constant 0 : i32
        %dma_start3A_92 = tpu.memref_slice %arg6[%add3A_90, %dma_start3A_91] : memref<16x128xi32, #tpu.memory_space<vmem>> -> memref<1x128xi32, #tpu.memory_space<vmem>>
        %dma_start3A_93 = tpu.memref_squeeze %dma_start3A_92 : memref<1x128xi32, #tpu.memory_space<vmem>> -> memref<128xi32, #tpu.memory_space<vmem>>
        %dma_start3A_94 = arith.constant 0 : i32
        %dma_start3A_95 = arith.constant 0 : i32
        %dma_start3A_96 = tpu.memref_slice %arg2[%dma_start3A_94, %dma_start3A_95] : memref<10016x128xf32, #tpu.memory_space<hbm>> -> memref<10016x128xf32, #tpu.memory_space<hbm>>
        tpu.enqueue_indirect_dma source(%dma_start3A_96 : memref<10016x128xf32, #tpu.memory_space<hbm>>) target(%arg9 : memref<128x128xf32, #tpu.memory_space<vmem>>) offsets(%dma_start3A_93 : memref<128xi32, #tpu.memory_space<vmem>>) semaphore(%arg12 : memref<!tpu.dma_semaphore, #tpu.memory_space<semaphore_mem>>)
        %dma_wait3A_97 = arith.constant 0 : i32
        %dma_wait3A_98 = tpu.memref_slice %arg6[%mul3A_88, %dma_wait3A_97] : memref<16x128xi32, #tpu.memory_space<vmem>> -> memref<1x128xi32, #tpu.memory_space<vmem>>
        %dma_wait3A_99 = tpu.memref_squeeze %dma_wait3A_98 : memref<1x128xi32, #tpu.memory_space<vmem>> -> memref<128xi32, #tpu.memory_space<vmem>>
        %dma_wait3A_100 = arith.constant 0 : i32
        %dma_wait3A_101 = arith.constant 0 : i32
        %dma_wait3A_102 = tpu.memref_slice %arg2[%dma_wait3A_100, %dma_wait3A_101] : memref<10016x128xf32, #tpu.memory_space<hbm>> -> memref<10016x128xf32, #tpu.memory_space<hbm>>
        tpu.wait_indirect_dma semaphore(%arg11 : memref<!tpu.dma_semaphore, #tpu.memory_space<semaphore_mem>>) src(%dma_wait3A_102 : memref<10016x128xf32, #tpu.memory_space<hbm>>) dst(%arg8 : memref<128x128xf32, #tpu.memory_space<vmem>>)
        "tpu.region"() ({
          %run_scoped3A_119 = tpu.sem_alloc : memref<!tpu.dma_semaphore, #tpu.memory_space<semaphore_mem>>
          %dma_start3A_120 = arith.constant 0 : i32
          %dma_start3A_121 = tpu.memref_slice %arg7[%mul3A_88, %dma_start3A_120] : memref<16x128xi32, #tpu.memory_space<vmem>> -> memref<1x128xi32, #tpu.memory_space<vmem>>
          %dma_start3A_122 = tpu.memref_squeeze %dma_start3A_121 : memref<1x128xi32, #tpu.memory_space<vmem>> -> memref<128xi32, #tpu.memory_space<vmem>>
          %dma_start3A_123 = arith.constant 0 : i32
          %dma_start3A_124 = arith.constant 0 : i32
          %dma_start3A_125 = tpu.memref_slice %arg10[%dma_start3A_123, %dma_start3A_124] : memref<10112x128xf32, #tpu.memory_space<vmem_shared>> -> memref<10112x128xf32, #tpu.memory_space<vmem_shared>>
          tpu.enqueue_indirect_dma source(%arg8 : memref<128x128xf32, #tpu.memory_space<vmem>>) target(%dma_start3A_125 : memref<10112x128xf32, #tpu.memory_space<vmem_shared>>) offsets(%dma_start3A_122 : memref<128xi32, #tpu.memory_space<vmem>>) semaphore(%run_scoped3A_119 : memref<!tpu.dma_semaphore, #tpu.memory_space<semaphore_mem>>) {add = true}
          %dma_wait3A_126 = arith.constant 0 : i32
          %dma_wait3A_127 = tpu.memref_slice %arg7[%mul3A_88, %dma_wait3A_126] : memref<16x128xi32, #tpu.memory_space<vmem>> -> memref<1x128xi32, #tpu.memory_space<vmem>>
          %dma_wait3A_128 = tpu.memref_squeeze %dma_wait3A_127 : memref<1x128xi32, #tpu.memory_space<vmem>> -> memref<128xi32, #tpu.memory_space<vmem>>
          %dma_wait3A_129 = arith.constant 0 : i32
          %dma_wait3A_130 = arith.constant 0 : i32
          %dma_wait3A_131 = tpu.memref_slice %arg10[%dma_wait3A_129, %dma_wait3A_130] : memref<10112x128xf32, #tpu.memory_space<vmem_shared>> -> memref<10112x128xf32, #tpu.memory_space<vmem_shared>>
          tpu.wait_indirect_dma semaphore(%run_scoped3A_119 : memref<!tpu.dma_semaphore, #tpu.memory_space<semaphore_mem>>) src(%arg8 : memref<128x128xf32, #tpu.memory_space<vmem>>) dst(%dma_wait3A_131 : memref<10112x128xf32, #tpu.memory_space<vmem_shared>>)
          tpu.yield
        }) : () -> ()
        %add3A_103 = arith.constant 2 : i32
        %add3A_104 = arith.addi %mul3A_88, %add3A_103 : i32
        %dma_start3A_105 = arith.constant 0 : i32
        %dma_start3A_106 = tpu.memref_slice %arg6[%add3A_104, %dma_start3A_105] : memref<16x128xi32, #tpu.memory_space<vmem>> -> memref<1x128xi32, #tpu.memory_space<vmem>>
        %dma_start3A_107 = tpu.memref_squeeze %dma_start3A_106 : memref<1x128xi32, #tpu.memory_space<vmem>> -> memref<128xi32, #tpu.memory_space<vmem>>
        %dma_start3A_108 = arith.constant 0 : i32
        %dma_start3A_109 = arith.constant 0 : i32
        %dma_start3A_110 = tpu.memref_slice %arg2[%dma_start3A_108, %dma_start3A_109] : memref<10016x128xf32, #tpu.memory_space<hbm>> -> memref<10016x128xf32, #tpu.memory_space<hbm>>
        tpu.enqueue_indirect_dma source(%dma_start3A_110 : memref<10016x128xf32, #tpu.memory_space<hbm>>) target(%arg8 : memref<128x128xf32, #tpu.memory_space<vmem>>) offsets(%dma_start3A_107 : memref<128xi32, #tpu.memory_space<vmem>>) semaphore(%arg11 : memref<!tpu.dma_semaphore, #tpu.memory_space<semaphore_mem>>)
        %add3A_111 = arith.constant 1 : i32
        %add3A_112 = arith.addi %mul3A_88, %add3A_111 : i32
        %dma_wait3A_113 = arith.constant 0 : i32
        %dma_wait3A_114 = tpu.memref_slice %arg6[%add3A_112, %dma_wait3A_113] : memref<16x128xi32, #tpu.memory_space<vmem>> -> memref<1x128xi32, #tpu.memory_space<vmem>>
        %dma_wait3A_115 = tpu.memref_squeeze %dma_wait3A_114 : memref<1x128xi32, #tpu.memory_space<vmem>> -> memref<128xi32, #tpu.memory_space<vmem>>
        %dma_wait3A_116 = arith.constant 0 : i32
        %dma_wait3A_117 = arith.constant 0 : i32
        %dma_wait3A_118 = tpu.memref_slice %arg2[%dma_wait3A_116, %dma_wait3A_117] : memref<10016x128xf32, #tpu.memory_space<hbm>> -> memref<10016x128xf32, #tpu.memory_space<hbm>>
        tpu.wait_indirect_dma semaphore(%arg12 : memref<!tpu.dma_semaphore, #tpu.memory_space<semaphore_mem>>) src(%dma_wait3A_118 : memref<10016x128xf32, #tpu.memory_space<hbm>>) dst(%arg9 : memref<128x128xf32, #tpu.memory_space<vmem>>)
        "tpu.region"() ({
          %run_scoped3A_119 = tpu.sem_alloc : memref<!tpu.dma_semaphore, #tpu.memory_space<semaphore_mem>>
          %dma_start3A_120 = arith.constant 0 : i32
          %dma_start3A_121 = tpu.memref_slice %arg7[%add3A_112, %dma_start3A_120] : memref<16x128xi32, #tpu.memory_space<vmem>> -> memref<1x128xi32, #tpu.memory_space<vmem>>
          %dma_start3A_122 = tpu.memref_squeeze %dma_start3A_121 : memref<1x128xi32, #tpu.memory_space<vmem>> -> memref<128xi32, #tpu.memory_space<vmem>>
          %dma_start3A_123 = arith.constant 0 : i32
          %dma_start3A_124 = arith.constant 0 : i32
          %dma_start3A_125 = tpu.memref_slice %arg10[%dma_start3A_123, %dma_start3A_124] : memref<10112x128xf32, #tpu.memory_space<vmem_shared>> -> memref<10112x128xf32, #tpu.memory_space<vmem_shared>>
          tpu.enqueue_indirect_dma source(%arg9 : memref<128x128xf32, #tpu.memory_space<vmem>>) target(%dma_start3A_125 : memref<10112x128xf32, #tpu.memory_space<vmem_shared>>) offsets(%dma_start3A_122 : memref<128xi32, #tpu.memory_space<vmem>>) semaphore(%run_scoped3A_119 : memref<!tpu.dma_semaphore, #tpu.memory_space<semaphore_mem>>) {add = true}
          %dma_wait3A_126 = arith.constant 0 : i32
          %dma_wait3A_127 = tpu.memref_slice %arg7[%add3A_112, %dma_wait3A_126] : memref<16x128xi32, #tpu.memory_space<vmem>> -> memref<1x128xi32, #tpu.memory_space<vmem>>
          %dma_wait3A_128 = tpu.memref_squeeze %dma_wait3A_127 : memref<1x128xi32, #tpu.memory_space<vmem>> -> memref<128xi32, #tpu.memory_space<vmem>>
          %dma_wait3A_129 = arith.constant 0 : i32
          %dma_wait3A_130 = arith.constant 0 : i32
          %dma_wait3A_131 = tpu.memref_slice %arg10[%dma_wait3A_129, %dma_wait3A_130] : memref<10112x128xf32, #tpu.memory_space<vmem_shared>> -> memref<10112x128xf32, #tpu.memory_space<vmem_shared>>
          tpu.wait_indirect_dma semaphore(%run_scoped3A_119 : memref<!tpu.dma_semaphore, #tpu.memory_space<semaphore_mem>>) src(%arg9 : memref<128x128xf32, #tpu.memory_space<vmem>>) dst(%dma_wait3A_131 : memref<10112x128xf32, #tpu.memory_space<vmem_shared>>)
          tpu.yield
        }) : () -> ()
      }
      %scan3A_64 = arith.constant 7 : i32
      %dma_start3A_65 = arith.constant 15 : i32
      %dma_start3A_66 = arith.constant 0 : i32
      %dma_start3A_67 = tpu.memref_slice %arg6[%dma_start3A_65, %dma_start3A_66] : memref<16x128xi32, #tpu.memory_space<vmem>> -> memref<1x128xi32, #tpu.memory_space<vmem>>
      %dma_start3A_68 = tpu.memref_squeeze %dma_start3A_67 : memref<1x128xi32, #tpu.memory_space<vmem>> -> memref<128xi32, #tpu.memory_space<vmem>>
      %dma_start3A_69 = arith.constant 0 : i32
      %dma_start3A_70 = arith.constant 0 : i32
      %dma_start3A_71 = tpu.memref_slice %arg2[%dma_start3A_69, %dma_start3A_70] : memref<10016x128xf32, #tpu.memory_space<hbm>> -> memref<10016x128xf32, #tpu.memory_space<hbm>>
      tpu.enqueue_indirect_dma source(%dma_start3A_71 : memref<10016x128xf32, #tpu.memory_space<hbm>>) target(%arg9 : memref<128x128xf32, #tpu.memory_space<vmem>>) offsets(%dma_start3A_68 : memref<128xi32, #tpu.memory_space<vmem>>) semaphore(%arg12 : memref<!tpu.dma_semaphore, #tpu.memory_space<semaphore_mem>>)
      %dma_wait3A = arith.constant 14 : i32
      %dma_wait3A_72 = arith.constant 0 : i32
      %dma_wait3A_73 = tpu.memref_slice %arg6[%dma_wait3A, %dma_wait3A_72] : memref<16x128xi32, #tpu.memory_space<vmem>> -> memref<1x128xi32, #tpu.memory_space<vmem>>
      %dma_wait3A_74 = tpu.memref_squeeze %dma_wait3A_73 : memref<1x128xi32, #tpu.memory_space<vmem>> -> memref<128xi32, #tpu.memory_space<vmem>>
      %dma_wait3A_75 = arith.constant 0 : i32
      %dma_wait3A_76 = arith.constant 0 : i32
      %dma_wait3A_77 = tpu.memref_slice %arg2[%dma_wait3A_75, %dma_wait3A_76] : memref<10016x128xf32, #tpu.memory_space<hbm>> -> memref<10016x128xf32, #tpu.memory_space<hbm>>
      tpu.wait_indirect_dma semaphore(%arg11 : memref<!tpu.dma_semaphore, #tpu.memory_space<semaphore_mem>>) src(%dma_wait3A_77 : memref<10016x128xf32, #tpu.memory_space<hbm>>) dst(%arg8 : memref<128x128xf32, #tpu.memory_space<vmem>>)
      %run_scoped3A = arith.constant 14 : i32
      "tpu.region"() ({
        %run_scoped3A_86 = tpu.sem_alloc : memref<!tpu.dma_semaphore, #tpu.memory_space<semaphore_mem>>
        %dma_start3A_87 = arith.constant 0 : i32
        %dma_start3A_88 = tpu.memref_slice %arg7[%run_scoped3A, %dma_start3A_87] : memref<16x128xi32, #tpu.memory_space<vmem>> -> memref<1x128xi32, #tpu.memory_space<vmem>>
        %dma_start3A_89 = tpu.memref_squeeze %dma_start3A_88 : memref<1x128xi32, #tpu.memory_space<vmem>> -> memref<128xi32, #tpu.memory_space<vmem>>
        %dma_start3A_90 = arith.constant 0 : i32
        %dma_start3A_91 = arith.constant 0 : i32
        %dma_start3A_92 = tpu.memref_slice %arg10[%dma_start3A_90, %dma_start3A_91] : memref<10112x128xf32, #tpu.memory_space<vmem_shared>> -> memref<10112x128xf32, #tpu.memory_space<vmem_shared>>
        tpu.enqueue_indirect_dma source(%arg8 : memref<128x128xf32, #tpu.memory_space<vmem>>) target(%dma_start3A_92 : memref<10112x128xf32, #tpu.memory_space<vmem_shared>>) offsets(%dma_start3A_89 : memref<128xi32, #tpu.memory_space<vmem>>) semaphore(%run_scoped3A_86 : memref<!tpu.dma_semaphore, #tpu.memory_space<semaphore_mem>>) {add = true}
        %dma_wait3A_93 = arith.constant 0 : i32
        %dma_wait3A_94 = tpu.memref_slice %arg7[%run_scoped3A, %dma_wait3A_93] : memref<16x128xi32, #tpu.memory_space<vmem>> -> memref<1x128xi32, #tpu.memory_space<vmem>>
        %dma_wait3A_95 = tpu.memref_squeeze %dma_wait3A_94 : memref<1x128xi32, #tpu.memory_space<vmem>> -> memref<128xi32, #tpu.memory_space<vmem>>
        %dma_wait3A_96 = arith.constant 0 : i32
        %dma_wait3A_97 = arith.constant 0 : i32
        %dma_wait3A_98 = tpu.memref_slice %arg10[%dma_wait3A_96, %dma_wait3A_97] : memref<10112x128xf32, #tpu.memory_space<vmem_shared>> -> memref<10112x128xf32, #tpu.memory_space<vmem_shared>>
        tpu.wait_indirect_dma semaphore(%run_scoped3A_86 : memref<!tpu.dma_semaphore, #tpu.memory_space<semaphore_mem>>) src(%arg8 : memref<128x128xf32, #tpu.memory_space<vmem>>) dst(%dma_wait3A_98 : memref<10112x128xf32, #tpu.memory_space<vmem_shared>>)
        tpu.yield
      }) : () -> ()
      %dma_wait3A_78 = arith.constant 15 : i32
      %dma_wait3A_79 = arith.constant 0 : i32
      %dma_wait3A_80 = tpu.memref_slice %arg6[%dma_wait3A_78, %dma_wait3A_79] : memref<16x128xi32, #tpu.memory_space<vmem>> -> memref<1x128xi32, #tpu.memory_space<vmem>>
      %dma_wait3A_81 = tpu.memref_squeeze %dma_wait3A_80 : memref<1x128xi32, #tpu.memory_space<vmem>> -> memref<128xi32, #tpu.memory_space<vmem>>
      %dma_wait3A_82 = arith.constant 0 : i32
      %dma_wait3A_83 = arith.constant 0 : i32
      %dma_wait3A_84 = tpu.memref_slice %arg2[%dma_wait3A_82, %dma_wait3A_83] : memref<10016x128xf32, #tpu.memory_space<hbm>> -> memref<10016x128xf32, #tpu.memory_space<hbm>>
      tpu.wait_indirect_dma semaphore(%arg12 : memref<!tpu.dma_semaphore, #tpu.memory_space<semaphore_mem>>) src(%dma_wait3A_84 : memref<10016x128xf32, #tpu.memory_space<hbm>>) dst(%arg9 : memref<128x128xf32, #tpu.memory_space<vmem>>)
      %run_scoped3A_85 = arith.constant 15 : i32
      "tpu.region"() ({
        %run_scoped3A_86 = tpu.sem_alloc : memref<!tpu.dma_semaphore, #tpu.memory_space<semaphore_mem>>
        %dma_start3A_87 = arith.constant 0 : i32
        %dma_start3A_88 = tpu.memref_slice %arg7[%run_scoped3A_85, %dma_start3A_87] : memref<16x128xi32, #tpu.memory_space<vmem>> -> memref<1x128xi32, #tpu.memory_space<vmem>>
        %dma_start3A_89 = tpu.memref_squeeze %dma_start3A_88 : memref<1x128xi32, #tpu.memory_space<vmem>> -> memref<128xi32, #tpu.memory_space<vmem>>
        %dma_start3A_90 = arith.constant 0 : i32
        %dma_start3A_91 = arith.constant 0 : i32
        %dma_start3A_92 = tpu.memref_slice %arg10[%dma_start3A_90, %dma_start3A_91] : memref<10112x128xf32, #tpu.memory_space<vmem_shared>> -> memref<10112x128xf32, #tpu.memory_space<vmem_shared>>
        tpu.enqueue_indirect_dma source(%arg9 : memref<128x128xf32, #tpu.memory_space<vmem>>) target(%dma_start3A_92 : memref<10112x128xf32, #tpu.memory_space<vmem_shared>>) offsets(%dma_start3A_89 : memref<128xi32, #tpu.memory_space<vmem>>) semaphore(%run_scoped3A_86 : memref<!tpu.dma_semaphore, #tpu.memory_space<semaphore_mem>>) {add = true}
        %dma_wait3A_93 = arith.constant 0 : i32
        %dma_wait3A_94 = tpu.memref_slice %arg7[%run_scoped3A_85, %dma_wait3A_93] : memref<16x128xi32, #tpu.memory_space<vmem>> -> memref<1x128xi32, #tpu.memory_space<vmem>>
        %dma_wait3A_95 = tpu.memref_squeeze %dma_wait3A_94 : memref<1x128xi32, #tpu.memory_space<vmem>> -> memref<128xi32, #tpu.memory_space<vmem>>
        %dma_wait3A_96 = arith.constant 0 : i32
        %dma_wait3A_97 = arith.constant 0 : i32
        %dma_wait3A_98 = tpu.memref_slice %arg10[%dma_wait3A_96, %dma_wait3A_97] : memref<10112x128xf32, #tpu.memory_space<vmem_shared>> -> memref<10112x128xf32, #tpu.memory_space<vmem_shared>>
        tpu.wait_indirect_dma semaphore(%run_scoped3A_86 : memref<!tpu.dma_semaphore, #tpu.memory_space<semaphore_mem>>) src(%arg9 : memref<128x128xf32, #tpu.memory_space<vmem>>) dst(%dma_wait3A_98 : memref<10112x128xf32, #tpu.memory_space<vmem_shared>>)
        tpu.yield
      }) : () -> ()
    }
    %barrier3A_44 = arith.constant 0 : index
    tpu.barrier barrier_id(%barrier3A_44)
    %mul3A_45 = arith.constant 632 : i32
    %mul3A_46 = arith.muli %arg1, %mul3A_45 : i32
    %mul3A_47 = arith.constant 632 : i32
    %mul3A_48 = arith.muli %arg1, %mul3A_47 : i32
    "tpu.region"() ({
      %run_scoped3A = tpu.sem_alloc : memref<!tpu.dma_semaphore, #tpu.memory_space<semaphore_mem>>
      %dma_start3A = arith.constant 0 : i32
      %dma_start3A_49 = tpu.memref_slice %arg5[%arg0, %mul3A_48, %dma_start3A] : memref<2x10112x128xf32, #tpu.memory_space<hbm>> -> memref<1x632x128xf32, #tpu.memory_space<hbm>>
      %dma_start3A_50 = tpu.memref_squeeze %dma_start3A_49 : memref<1x632x128xf32, #tpu.memory_space<hbm>> -> memref<632x128xf32, #tpu.memory_space<hbm>>
      %dma_start3A_51 = arith.constant 0 : i32
      %dma_start3A_52 = tpu.memref_slice %arg10[%mul3A_46, %dma_start3A_51] : memref<10112x128xf32, #tpu.memory_space<vmem_shared>> -> memref<632x128xf32, #tpu.memory_space<vmem_shared>>
      tpu.enqueue_dma source(%dma_start3A_52 : memref<632x128xf32, #tpu.memory_space<vmem_shared>>) target(%dma_start3A_50 : memref<632x128xf32, #tpu.memory_space<hbm>>) target_semaphore(%run_scoped3A : memref<!tpu.dma_semaphore, #tpu.memory_space<semaphore_mem>>)
      %dma_wait3A = arith.constant 0 : i32
      %dma_wait3A_53 = tpu.memref_slice %arg5[%arg0, %mul3A_48, %dma_wait3A] : memref<2x10112x128xf32, #tpu.memory_space<hbm>> -> memref<1x632x128xf32, #tpu.memory_space<hbm>>
      %dma_wait3A_54 = tpu.memref_squeeze %dma_wait3A_53 : memref<1x632x128xf32, #tpu.memory_space<hbm>> -> memref<632x128xf32, #tpu.memory_space<hbm>>
      %dma_wait3A_55 = arith.constant 0 : i32
      %dma_wait3A_56 = tpu.memref_slice %arg10[%mul3A_46, %dma_wait3A_55] : memref<10112x128xf32, #tpu.memory_space<vmem_shared>> -> memref<632x128xf32, #tpu.memory_space<vmem_shared>>
      tpu.wait_dma2 semaphore(%run_scoped3A : memref<!tpu.dma_semaphore, #tpu.memory_space<semaphore_mem>>) src(%dma_wait3A_56 : memref<632x128xf32, #tpu.memory_space<vmem_shared>>) dst(%dma_wait3A_54 : memref<632x128xf32, #tpu.memory_space<hbm>>)
      tpu.yield
    }) : () -> ()
    return
  }
}

#map = affine_map<(d0, d1) -> (0, 0)>
#map1 = affine_map<(d0, d1) -> (0, 0, 0)>
module attributes {stable_mosaic.version = 14 : i64} {
  func.func @_agg_body(%arg0: i32, %arg1: i32, %arg2: memref<10016x128xf32, #tpu.memory_space<hbm>>, %arg3: memref<2560x128xi32, #tpu.memory_space<hbm>>, %arg4: memref<2560x128xi32, #tpu.memory_space<hbm>>, %arg5: memref<2x10112x128xf32, #tpu.memory_space<hbm>>, %arg6: memref<16x128xi32, #tpu.memory_space<vmem>>, %arg7: memref<16x128xi32, #tpu.memory_space<vmem>>, %arg8: memref<128x128xf32, #tpu.memory_space<vmem>>, %arg9: memref<128x128xf32, #tpu.memory_space<vmem>>, %arg10: memref<10112x128xf32, #tpu.memory_space<vmem_shared>>, %arg11: memref<!tpu.dma_semaphore, #tpu.memory_space<semaphore_mem>>, %arg12: memref<!tpu.dma_semaphore, #tpu.memory_space<semaphore_mem>>) attributes {dimension_semantics = [#tpu.dimension_semantics<core_parallel>, #tpu.dimension_semantics<subcore_parallel>], iteration_bounds = array<i64: 2, 16>, scalar_prefetch = 0 : i64, scratch_operands = 7 : i64, tpu.core_type = #tpu.core_type<sc_vector_subcore>, window_params = [{transform_indices = #map}, {transform_indices = #map}, {transform_indices = #map}, {transform_indices = #map1}]} {
    %broadcast_in_dim3A = arith.constant 0.000000e+00 : f32
    %broadcast_in_dim3A_0 = vector.broadcast %broadcast_in_dim3A : f32 to vector<16xf32>
    %scan3A = arith.constant 0 : i32
    %scan3A_1 = arith.constant 0 : i32
    %scan3A_2 = arith.constant 128 : i32
    %scan3A_3 = arith.addi %scan3A_1, %scan3A_2 : i32
    %scan3A_4 = arith.constant 1 : i32
    scf.for %scan3A_49 = %scan3A_1 to %scan3A_3 step %scan3A_4  : i32 {
      %swap3A = arith.index_cast %scan3A_49 : i32 to index
      %swap3A_50 = arith.constant 0 : index
      %swap3A_51 = tpu.vector_load %arg8[%swap3A, %swap3A_50] {strides = array<i32>} : memref<128x128xf32, #tpu.memory_space<vmem>>, vector<16xf32>,
      tpu.vector_store %arg8[%swap3A, %swap3A_50], %broadcast_in_dim3A_0 {strides = array<i32>} : memref<128x128xf32, #tpu.memory_space<vmem>>, vector<16xf32>,
      %swap3A_52 = arith.index_cast %scan3A_49 : i32 to index
      %swap3A_53 = arith.constant 16 : index
      %swap3A_54 = tpu.vector_load %arg8[%swap3A_52, %swap3A_53] {strides = array<i32>} : memref<128x128xf32, #tpu.memory_space<vmem>>, vector<16xf32>,
      tpu.vector_store %arg8[%swap3A_52, %swap3A_53], %broadcast_in_dim3A_0 {strides = array<i32>} : memref<128x128xf32, #tpu.memory_space<vmem>>, vector<16xf32>,
      %swap3A_55 = arith.index_cast %scan3A_49 : i32 to index
      %swap3A_56 = arith.constant 32 : index
      %swap3A_57 = tpu.vector_load %arg8[%swap3A_55, %swap3A_56] {strides = array<i32>} : memref<128x128xf32, #tpu.memory_space<vmem>>, vector<16xf32>,
      tpu.vector_store %arg8[%swap3A_55, %swap3A_56], %broadcast_in_dim3A_0 {strides = array<i32>} : memref<128x128xf32, #tpu.memory_space<vmem>>, vector<16xf32>,
      %swap3A_58 = arith.index_cast %scan3A_49 : i32 to index
      %swap3A_59 = arith.constant 48 : index
      %swap3A_60 = tpu.vector_load %arg8[%swap3A_58, %swap3A_59] {strides = array<i32>} : memref<128x128xf32, #tpu.memory_space<vmem>>, vector<16xf32>,
      tpu.vector_store %arg8[%swap3A_58, %swap3A_59], %broadcast_in_dim3A_0 {strides = array<i32>} : memref<128x128xf32, #tpu.memory_space<vmem>>, vector<16xf32>,
      %swap3A_61 = arith.index_cast %scan3A_49 : i32 to index
      %swap3A_62 = arith.constant 64 : index
      %swap3A_63 = tpu.vector_load %arg8[%swap3A_61, %swap3A_62] {strides = array<i32>} : memref<128x128xf32, #tpu.memory_space<vmem>>, vector<16xf32>,
      tpu.vector_store %arg8[%swap3A_61, %swap3A_62], %broadcast_in_dim3A_0 {strides = array<i32>} : memref<128x128xf32, #tpu.memory_space<vmem>>, vector<16xf32>,
      %swap3A_64 = arith.index_cast %scan3A_49 : i32 to index
      %swap3A_65 = arith.constant 80 : index
      %swap3A_66 = tpu.vector_load %arg8[%swap3A_64, %swap3A_65] {strides = array<i32>} : memref<128x128xf32, #tpu.memory_space<vmem>>, vector<16xf32>,
      tpu.vector_store %arg8[%swap3A_64, %swap3A_65], %broadcast_in_dim3A_0 {strides = array<i32>} : memref<128x128xf32, #tpu.memory_space<vmem>>, vector<16xf32>,
      %swap3A_67 = arith.index_cast %scan3A_49 : i32 to index
      %swap3A_68 = arith.constant 96 : index
      %swap3A_69 = tpu.vector_load %arg8[%swap3A_67, %swap3A_68] {strides = array<i32>} : memref<128x128xf32, #tpu.memory_space<vmem>>, vector<16xf32>,
      tpu.vector_store %arg8[%swap3A_67, %swap3A_68], %broadcast_in_dim3A_0 {strides = array<i32>} : memref<128x128xf32, #tpu.memory_space<vmem>>, vector<16xf32>,
      %swap3A_70 = arith.index_cast %scan3A_49 : i32 to index
      %swap3A_71 = arith.constant 112 : index
      %swap3A_72 = tpu.vector_load %arg8[%swap3A_70, %swap3A_71] {strides = array<i32>} : memref<128x128xf32, #tpu.memory_space<vmem>>, vector<16xf32>,
      tpu.vector_store %arg8[%swap3A_70, %swap3A_71], %broadcast_in_dim3A_0 {strides = array<i32>} : memref<128x128xf32, #tpu.memory_space<vmem>>, vector<16xf32>,
    }
    %scan3A_5 = arith.constant 128 : i32
    %mul3A = arith.constant 632 : i32
    %mul3A_6 = arith.muli %arg1, %mul3A : i32
    %add3A = arith.constant 0 : i32
    %add3A_7 = arith.addi %mul3A_6, %add3A : i32
    "tpu.region"() ({
      %run_scoped3A = tpu.sem_alloc : memref<!tpu.dma_semaphore, #tpu.memory_space<semaphore_mem>>
      %dma_start3A = arith.constant 0 : i32
      %dma_start3A_49 = tpu.memref_slice %arg10[%add3A_7, %dma_start3A] : memref<10112x128xf32, #tpu.memory_space<vmem_shared>> -> memref<128x128xf32, #tpu.memory_space<vmem_shared>>
      %dma_start3A_50 = arith.constant 0 : i32
      %dma_start3A_51 = tpu.memref_slice %arg10[%add3A_7, %dma_start3A_50] : memref<10112x128xf32, #tpu.memory_space<vmem_shared>> -> memref<128x128xf32, #tpu.memory_space<vmem_shared>>
      tpu.enqueue_dma source(%arg8 : memref<128x128xf32, #tpu.memory_space<vmem>>) target(%dma_start3A_51 : memref<128x128xf32, #tpu.memory_space<vmem_shared>>) target_semaphore(%run_scoped3A : memref<!tpu.dma_semaphore, #tpu.memory_space<semaphore_mem>>)
      %dma_wait3A = arith.constant 0 : i32
      %dma_wait3A_52 = tpu.memref_slice %arg10[%add3A_7, %dma_wait3A] : memref<10112x128xf32, #tpu.memory_space<vmem_shared>> -> memref<128x128xf32, #tpu.memory_space<vmem_shared>>
      %dma_wait3A_53 = arith.constant 0 : i32
      %dma_wait3A_54 = tpu.memref_slice %arg10[%add3A_7, %dma_wait3A_53] : memref<10112x128xf32, #tpu.memory_space<vmem_shared>> -> memref<128x128xf32, #tpu.memory_space<vmem_shared>>
      tpu.wait_dma2 semaphore(%run_scoped3A : memref<!tpu.dma_semaphore, #tpu.memory_space<semaphore_mem>>) src(%arg8 : memref<128x128xf32, #tpu.memory_space<vmem>>) dst(%dma_wait3A_54 : memref<128x128xf32, #tpu.memory_space<vmem_shared>>)
      tpu.yield
    }) : () -> ()
    %mul3A_8 = arith.constant 632 : i32
    %mul3A_9 = arith.muli %arg1, %mul3A_8 : i32
    %add3A_10 = arith.constant 128 : i32
    %add3A_11 = arith.addi %mul3A_9, %add3A_10 : i32
    "tpu.region"() ({
      %run_scoped3A = tpu.sem_alloc : memref<!tpu.dma_semaphore, #tpu.memory_space<semaphore_mem>>
      %dma_start3A = arith.constant 0 : i32
      %dma_start3A_49 = tpu.memref_slice %arg10[%add3A_11, %dma_start3A] : memref<10112x128xf32, #tpu.memory_space<vmem_shared>> -> memref<128x128xf32, #tpu.memory_space<vmem_shared>>
      %dma_start3A_50 = arith.constant 0 : i32
      %dma_start3A_51 = tpu.memref_slice %arg10[%add3A_11, %dma_start3A_50] : memref<10112x128xf32, #tpu.memory_space<vmem_shared>> -> memref<128x128xf32, #tpu.memory_space<vmem_shared>>
      tpu.enqueue_dma source(%arg8 : memref<128x128xf32, #tpu.memory_space<vmem>>) target(%dma_start3A_51 : memref<128x128xf32, #tpu.memory_space<vmem_shared>>) target_semaphore(%run_scoped3A : memref<!tpu.dma_semaphore, #tpu.memory_space<semaphore_mem>>)
      %dma_wait3A = arith.constant 0 : i32
      %dma_wait3A_52 = tpu.memref_slice %arg10[%add3A_11, %dma_wait3A] : memref<10112x128xf32, #tpu.memory_space<vmem_shared>> -> memref<128x128xf32, #tpu.memory_space<vmem_shared>>
      %dma_wait3A_53 = arith.constant 0 : i32
      %dma_wait3A_54 = tpu.memref_slice %arg10[%add3A_11, %dma_wait3A_53] : memref<10112x128xf32, #tpu.memory_space<vmem_shared>> -> memref<128x128xf32, #tpu.memory_space<vmem_shared>>
      tpu.wait_dma2 semaphore(%run_scoped3A : memref<!tpu.dma_semaphore, #tpu.memory_space<semaphore_mem>>) src(%arg8 : memref<128x128xf32, #tpu.memory_space<vmem>>) dst(%dma_wait3A_54 : memref<128x128xf32, #tpu.memory_space<vmem_shared>>)
      tpu.yield
    }) : () -> ()
    %mul3A_12 = arith.constant 632 : i32
    %mul3A_13 = arith.muli %arg1, %mul3A_12 : i32
    %add3A_14 = arith.constant 256 : i32
    %add3A_15 = arith.addi %mul3A_13, %add3A_14 : i32
    "tpu.region"() ({
      %run_scoped3A = tpu.sem_alloc : memref<!tpu.dma_semaphore, #tpu.memory_space<semaphore_mem>>
      %dma_start3A = arith.constant 0 : i32
      %dma_start3A_49 = tpu.memref_slice %arg10[%add3A_15, %dma_start3A] : memref<10112x128xf32, #tpu.memory_space<vmem_shared>> -> memref<128x128xf32, #tpu.memory_space<vmem_shared>>
      %dma_start3A_50 = arith.constant 0 : i32
      %dma_start3A_51 = tpu.memref_slice %arg10[%add3A_15, %dma_start3A_50] : memref<10112x128xf32, #tpu.memory_space<vmem_shared>> -> memref<128x128xf32, #tpu.memory_space<vmem_shared>>
      tpu.enqueue_dma source(%arg8 : memref<128x128xf32, #tpu.memory_space<vmem>>) target(%dma_start3A_51 : memref<128x128xf32, #tpu.memory_space<vmem_shared>>) target_semaphore(%run_scoped3A : memref<!tpu.dma_semaphore, #tpu.memory_space<semaphore_mem>>)
      %dma_wait3A = arith.constant 0 : i32
      %dma_wait3A_52 = tpu.memref_slice %arg10[%add3A_15, %dma_wait3A] : memref<10112x128xf32, #tpu.memory_space<vmem_shared>> -> memref<128x128xf32, #tpu.memory_space<vmem_shared>>
      %dma_wait3A_53 = arith.constant 0 : i32
      %dma_wait3A_54 = tpu.memref_slice %arg10[%add3A_15, %dma_wait3A_53] : memref<10112x128xf32, #tpu.memory_space<vmem_shared>> -> memref<128x128xf32, #tpu.memory_space<vmem_shared>>
      tpu.wait_dma2 semaphore(%run_scoped3A : memref<!tpu.dma_semaphore, #tpu.memory_space<semaphore_mem>>) src(%arg8 : memref<128x128xf32, #tpu.memory_space<vmem>>) dst(%dma_wait3A_54 : memref<128x128xf32, #tpu.memory_space<vmem_shared>>)
      tpu.yield
    }) : () -> ()
    %mul3A_16 = arith.constant 632 : i32
    %mul3A_17 = arith.muli %arg1, %mul3A_16 : i32
    %add3A_18 = arith.constant 384 : i32
    %add3A_19 = arith.addi %mul3A_17, %add3A_18 : i32
    "tpu.region"() ({
      %run_scoped3A = tpu.sem_alloc : memref<!tpu.dma_semaphore, #tpu.memory_space<semaphore_mem>>
      %dma_start3A = arith.constant 0 : i32
      %dma_start3A_49 = tpu.memref_slice %arg10[%add3A_19, %dma_start3A] : memref<10112x128xf32, #tpu.memory_space<vmem_shared>> -> memref<128x128xf32, #tpu.memory_space<vmem_shared>>
      %dma_start3A_50 = arith.constant 0 : i32
      %dma_start3A_51 = tpu.memref_slice %arg10[%add3A_19, %dma_start3A_50] : memref<10112x128xf32, #tpu.memory_space<vmem_shared>> -> memref<128x128xf32, #tpu.memory_space<vmem_shared>>
      tpu.enqueue_dma source(%arg8 : memref<128x128xf32, #tpu.memory_space<vmem>>) target(%dma_start3A_51 : memref<128x128xf32, #tpu.memory_space<vmem_shared>>) target_semaphore(%run_scoped3A : memref<!tpu.dma_semaphore, #tpu.memory_space<semaphore_mem>>)
      %dma_wait3A = arith.constant 0 : i32
      %dma_wait3A_52 = tpu.memref_slice %arg10[%add3A_19, %dma_wait3A] : memref<10112x128xf32, #tpu.memory_space<vmem_shared>> -> memref<128x128xf32, #tpu.memory_space<vmem_shared>>
      %dma_wait3A_53 = arith.constant 0 : i32
      %dma_wait3A_54 = tpu.memref_slice %arg10[%add3A_19, %dma_wait3A_53] : memref<10112x128xf32, #tpu.memory_space<vmem_shared>> -> memref<128x128xf32, #tpu.memory_space<vmem_shared>>
      tpu.wait_dma2 semaphore(%run_scoped3A : memref<!tpu.dma_semaphore, #tpu.memory_space<semaphore_mem>>) src(%arg8 : memref<128x128xf32, #tpu.memory_space<vmem>>) dst(%dma_wait3A_54 : memref<128x128xf32, #tpu.memory_space<vmem_shared>>)
      tpu.yield
    }) : () -> ()
    %mul3A_20 = arith.constant 632 : i32
    %mul3A_21 = arith.muli %arg1, %mul3A_20 : i32
    %add3A_22 = arith.constant 512 : i32
    %add3A_23 = arith.addi %mul3A_21, %add3A_22 : i32
    "tpu.region"() ({
      %run_scoped3A = tpu.sem_alloc : memref<!tpu.dma_semaphore, #tpu.memory_space<semaphore_mem>>
      %dma_start3A = arith.constant 0 : i32
      %dma_start3A_49 = arith.constant 0 : i32
      %dma_start3A_50 = tpu.memref_slice %arg8[%dma_start3A, %dma_start3A_49] : memref<128x128xf32, #tpu.memory_space<vmem>> -> memref<120x128xf32, #tpu.memory_space<vmem>>
      %dma_start3A_51 = arith.constant 0 : i32
      %dma_start3A_52 = tpu.memref_slice %arg10[%add3A_23, %dma_start3A_51] : memref<10112x128xf32, #tpu.memory_space<vmem_shared>> -> memref<120x128xf32, #tpu.memory_space<vmem_shared>>
      %dma_start3A_53 = arith.constant 0 : i32
      %dma_start3A_54 = tpu.memref_slice %arg10[%add3A_23, %dma_start3A_53] : memref<10112x128xf32, #tpu.memory_space<vmem_shared>> -> memref<120x128xf32, #tpu.memory_space<vmem_shared>>
      %dma_start3A_55 = arith.constant 0 : i32
      %dma_start3A_56 = arith.constant 0 : i32
      %dma_start3A_57 = tpu.memref_slice %arg8[%dma_start3A_55, %dma_start3A_56] : memref<128x128xf32, #tpu.memory_space<vmem>> -> memref<120x128xf32, #tpu.memory_space<vmem>>
      tpu.enqueue_dma source(%dma_start3A_57 : memref<120x128xf32, #tpu.memory_space<vmem>>) target(%dma_start3A_54 : memref<120x128xf32, #tpu.memory_space<vmem_shared>>) target_semaphore(%run_scoped3A : memref<!tpu.dma_semaphore, #tpu.memory_space<semaphore_mem>>)
      %dma_wait3A = arith.constant 0 : i32
      %dma_wait3A_58 = arith.constant 0 : i32
      %dma_wait3A_59 = tpu.memref_slice %arg8[%dma_wait3A, %dma_wait3A_58] : memref<128x128xf32, #tpu.memory_space<vmem>> -> memref<120x128xf32, #tpu.memory_space<vmem>>
      %dma_wait3A_60 = arith.constant 0 : i32
      %dma_wait3A_61 = tpu.memref_slice %arg10[%add3A_23, %dma_wait3A_60] : memref<10112x128xf32, #tpu.memory_space<vmem_shared>> -> memref<120x128xf32, #tpu.memory_space<vmem_shared>>
      %dma_wait3A_62 = arith.constant 0 : i32
      %dma_wait3A_63 = tpu.memref_slice %arg10[%add3A_23, %dma_wait3A_62] : memref<10112x128xf32, #tpu.memory_space<vmem_shared>> -> memref<120x128xf32, #tpu.memory_space<vmem_shared>>
      %dma_wait3A_64 = arith.constant 0 : i32
      %dma_wait3A_65 = arith.constant 0 : i32
      %dma_wait3A_66 = tpu.memref_slice %arg8[%dma_wait3A_64, %dma_wait3A_65] : memref<128x128xf32, #tpu.memory_space<vmem>> -> memref<120x128xf32, #tpu.memory_space<vmem>>
      tpu.wait_dma2 semaphore(%run_scoped3A : memref<!tpu.dma_semaphore, #tpu.memory_space<semaphore_mem>>) src(%dma_wait3A_66 : memref<120x128xf32, #tpu.memory_space<vmem>>) dst(%dma_wait3A_63 : memref<120x128xf32, #tpu.memory_space<vmem_shared>>)
      tpu.yield
    }) : () -> ()
    %barrier3A = arith.constant 0 : index
    tpu.barrier barrier_id(%barrier3A)
    %eq3A = arith.constant 0 : i32
    %eq3A_24 = arith.cmpi eq, %arg0, %eq3A : i32
    %jit3A = arith.constant 8 : i32
    %jit3A_25 = arith.constant 2 : i32
    %select_n3A = arith.select %eq3A_24, %jit3A, %jit3A_25 : i32
    %eq3A_26 = arith.constant 0 : i32
    %eq3A_27 = arith.cmpi eq, %arg0, %eq3A_26 : i32
    %mul3A_28 = arith.constant 8 : i32
    %mul3A_29 = arith.muli %arg1, %mul3A_28 : i32
    %mul3A_30 = arith.constant 2 : i32
    %mul3A_31 = arith.muli %arg1, %mul3A_30 : i32
    %add3A_32 = arith.constant 128 : i32
    %add3A_33 = arith.addi %add3A_32, %mul3A_31 : i32
    %select_n3A_34 = arith.select %eq3A_27, %mul3A_29, %add3A_33 : i32
    %while3A = arith.constant 0 : i32
    %while3A_35 = arith.constant 0 : i32
    %while3A_36 = arith.subi %select_n3A, %while3A_35 : i32
    %while3A_37 = arith.addi %while3A_35, %while3A_36 : i32
    %while3A_38 = arith.constant 1 : i32
    %while3A_39 = arith.divsi %while3A_36, %while3A_38 : i32
    %while3A_40 = arith.muli %while3A_39, %while3A_38 : i32
    %while3A_41 = arith.addi %while3A_35, %while3A_40 : i32
    %while3A_42 = arith.constant 1 : i32
    scf.for %while3A_49 = %while3A_35 to %while3A_41 step %while3A_42  : i32 {
      %add3A_50 = arith.addi %select_n3A_34, %while3A_49 : i32
      %mul3A_51 = arith.constant 16 : i32
      %mul3A_52 = arith.muli %add3A_50, %mul3A_51 : i32
      "tpu.region"() ({
        %run_scoped3A_86 = tpu.sem_alloc : memref<!tpu.dma_semaphore, #tpu.memory_space<semaphore_mem>>
        %dma_start3A_87 = arith.constant 0 : i32
        %dma_start3A_88 = tpu.memref_slice %arg3[%mul3A_52, %dma_start3A_87] : memref<2560x128xi32, #tpu.memory_space<hbm>> -> memref<16x128xi32, #tpu.memory_space<hbm>>
        %dma_start3A_89 = arith.constant 0 : i32
        %dma_start3A_90 = tpu.memref_slice %arg3[%mul3A_52, %dma_start3A_89] : memref<2560x128xi32, #tpu.memory_space<hbm>> -> memref<16x128xi32, #tpu.memory_space<hbm>>
        tpu.enqueue_dma source(%dma_start3A_90 : memref<16x128xi32, #tpu.memory_space<hbm>>) target(%arg6 : memref<16x128xi32, #tpu.memory_space<vmem>>) target_semaphore(%run_scoped3A_86 : memref<!tpu.dma_semaphore, #tpu.memory_space<semaphore_mem>>)
        %dma_wait3A_91 = arith.constant 0 : i32
        %dma_wait3A_92 = tpu.memref_slice %arg3[%mul3A_52, %dma_wait3A_91] : memref<2560x128xi32, #tpu.memory_space<hbm>> -> memref<16x128xi32, #tpu.memory_space<hbm>>
        %dma_wait3A_93 = arith.constant 0 : i32
        %dma_wait3A_94 = tpu.memref_slice %arg3[%mul3A_52, %dma_wait3A_93] : memref<2560x128xi32, #tpu.memory_space<hbm>> -> memref<16x128xi32, #tpu.memory_space<hbm>>
        tpu.wait_dma2 semaphore(%run_scoped3A_86 : memref<!tpu.dma_semaphore, #tpu.memory_space<semaphore_mem>>) src(%dma_wait3A_94 : memref<16x128xi32, #tpu.memory_space<hbm>>) dst(%arg6 : memref<16x128xi32, #tpu.memory_space<vmem>>)
        tpu.yield
      }) : () -> ()
      "tpu.region"() ({
        %run_scoped3A_86 = tpu.sem_alloc : memref<!tpu.dma_semaphore, #tpu.memory_space<semaphore_mem>>
        %dma_start3A_87 = arith.constant 0 : i32
        %dma_start3A_88 = tpu.memref_slice %arg4[%mul3A_52, %dma_start3A_87] : memref<2560x128xi32, #tpu.memory_space<hbm>> -> memref<16x128xi32, #tpu.memory_space<hbm>>
        %dma_start3A_89 = arith.constant 0 : i32
        %dma_start3A_90 = tpu.memref_slice %arg4[%mul3A_52, %dma_start3A_89] : memref<2560x128xi32, #tpu.memory_space<hbm>> -> memref<16x128xi32, #tpu.memory_space<hbm>>
        tpu.enqueue_dma source(%dma_start3A_90 : memref<16x128xi32, #tpu.memory_space<hbm>>) target(%arg7 : memref<16x128xi32, #tpu.memory_space<vmem>>) target_semaphore(%run_scoped3A_86 : memref<!tpu.dma_semaphore, #tpu.memory_space<semaphore_mem>>)
        %dma_wait3A_91 = arith.constant 0 : i32
        %dma_wait3A_92 = tpu.memref_slice %arg4[%mul3A_52, %dma_wait3A_91] : memref<2560x128xi32, #tpu.memory_space<hbm>> -> memref<16x128xi32, #tpu.memory_space<hbm>>
        %dma_wait3A_93 = arith.constant 0 : i32
        %dma_wait3A_94 = tpu.memref_slice %arg4[%mul3A_52, %dma_wait3A_93] : memref<2560x128xi32, #tpu.memory_space<hbm>> -> memref<16x128xi32, #tpu.memory_space<hbm>>
        tpu.wait_dma2 semaphore(%run_scoped3A_86 : memref<!tpu.dma_semaphore, #tpu.memory_space<semaphore_mem>>) src(%dma_wait3A_94 : memref<16x128xi32, #tpu.memory_space<hbm>>) dst(%arg7 : memref<16x128xi32, #tpu.memory_space<vmem>>)
        tpu.yield
      }) : () -> ()
      %dma_start3A = arith.constant 0 : i32
      %dma_start3A_53 = arith.constant 0 : i32
      %dma_start3A_54 = tpu.memref_slice %arg6[%dma_start3A, %dma_start3A_53] : memref<16x128xi32, #tpu.memory_space<vmem>> -> memref<1x128xi32, #tpu.memory_space<vmem>>
      %dma_start3A_55 = tpu.memref_squeeze %dma_start3A_54 : memref<1x128xi32, #tpu.memory_space<vmem>> -> memref<128xi32, #tpu.memory_space<vmem>>
      %dma_start3A_56 = arith.constant 0 : i32
      %dma_start3A_57 = arith.constant 0 : i32
      %dma_start3A_58 = tpu.memref_slice %arg2[%dma_start3A_56, %dma_start3A_57] : memref<10016x128xf32, #tpu.memory_space<hbm>> -> memref<10016x128xf32, #tpu.memory_space<hbm>>
      tpu.enqueue_indirect_dma source(%dma_start3A_58 : memref<10016x128xf32, #tpu.memory_space<hbm>>) target(%arg8 : memref<128x128xf32, #tpu.memory_space<vmem>>) offsets(%dma_start3A_55 : memref<128xi32, #tpu.memory_space<vmem>>) semaphore(%arg11 : memref<!tpu.dma_semaphore, #tpu.memory_space<semaphore_mem>>)
      %scan3A_59 = arith.constant 0 : i32
      %scan3A_60 = arith.constant 0 : i32
      %scan3A_61 = arith.constant 7 : i32
      %scan3A_62 = arith.addi %scan3A_60, %scan3A_61 : i32
      %scan3A_63 = arith.constant 1 : i32
      scf.for %scan3A_86 = %scan3A_60 to %scan3A_62 step %scan3A_63  : i32 {
        %mul3A_87 = arith.constant 2 : i32
        %mul3A_88 = arith.muli %mul3A_87, %scan3A_86 : i32
        %add3A_89 = arith.constant 1 : i32
        %add3A_90 = arith.addi %mul3A_88, %add3A_89 : i32
        %dma_start3A_91 = arith.constant 0 : i32
        %dma_start3A_92 = tpu.memref_slice %arg6[%add3A_90, %dma_start3A_91] : memref<16x128xi32, #tpu.memory_space<vmem>> -> memref<1x128xi32, #tpu.memory_space<vmem>>
        %dma_start3A_93 = tpu.memref_squeeze %dma_start3A_92 : memref<1x128xi32, #tpu.memory_space<vmem>> -> memref<128xi32, #tpu.memory_space<vmem>>
        %dma_start3A_94 = arith.constant 0 : i32
        %dma_start3A_95 = arith.constant 0 : i32
        %dma_start3A_96 = tpu.memref_slice %arg2[%dma_start3A_94, %dma_start3A_95] : memref<10016x128xf32, #tpu.memory_space<hbm>> -> memref<10016x128xf32, #tpu.memory_space<hbm>>
        tpu.enqueue_indirect_dma source(%dma_start3A_96 : memref<10016x128xf32, #tpu.memory_space<hbm>>) target(%arg9 : memref<128x128xf32, #tpu.memory_space<vmem>>) offsets(%dma_start3A_93 : memref<128xi32, #tpu.memory_space<vmem>>) semaphore(%arg12 : memref<!tpu.dma_semaphore, #tpu.memory_space<semaphore_mem>>)
        %dma_wait3A_97 = arith.constant 0 : i32
        %dma_wait3A_98 = tpu.memref_slice %arg6[%mul3A_88, %dma_wait3A_97] : memref<16x128xi32, #tpu.memory_space<vmem>> -> memref<1x128xi32, #tpu.memory_space<vmem>>
        %dma_wait3A_99 = tpu.memref_squeeze %dma_wait3A_98 : memref<1x128xi32, #tpu.memory_space<vmem>> -> memref<128xi32, #tpu.memory_space<vmem>>
        %dma_wait3A_100 = arith.constant 0 : i32
        %dma_wait3A_101 = arith.constant 0 : i32
        %dma_wait3A_102 = tpu.memref_slice %arg2[%dma_wait3A_100, %dma_wait3A_101] : memref<10016x128xf32, #tpu.memory_space<hbm>> -> memref<10016x128xf32, #tpu.memory_space<hbm>>
        tpu.wait_indirect_dma semaphore(%arg11 : memref<!tpu.dma_semaphore, #tpu.memory_space<semaphore_mem>>) src(%dma_wait3A_102 : memref<10016x128xf32, #tpu.memory_space<hbm>>) dst(%arg8 : memref<128x128xf32, #tpu.memory_space<vmem>>)
        "tpu.region"() ({
          %run_scoped3A_119 = tpu.sem_alloc : memref<!tpu.dma_semaphore, #tpu.memory_space<semaphore_mem>>
          %dma_start3A_120 = arith.constant 0 : i32
          %dma_start3A_121 = tpu.memref_slice %arg7[%mul3A_88, %dma_start3A_120] : memref<16x128xi32, #tpu.memory_space<vmem>> -> memref<1x128xi32, #tpu.memory_space<vmem>>
          %dma_start3A_122 = tpu.memref_squeeze %dma_start3A_121 : memref<1x128xi32, #tpu.memory_space<vmem>> -> memref<128xi32, #tpu.memory_space<vmem>>
          %dma_start3A_123 = arith.constant 0 : i32
          %dma_start3A_124 = arith.constant 0 : i32
          %dma_start3A_125 = tpu.memref_slice %arg10[%dma_start3A_123, %dma_start3A_124] : memref<10112x128xf32, #tpu.memory_space<vmem_shared>> -> memref<10112x128xf32, #tpu.memory_space<vmem_shared>>
          tpu.enqueue_indirect_dma source(%arg8 : memref<128x128xf32, #tpu.memory_space<vmem>>) target(%dma_start3A_125 : memref<10112x128xf32, #tpu.memory_space<vmem_shared>>) offsets(%dma_start3A_122 : memref<128xi32, #tpu.memory_space<vmem>>) semaphore(%run_scoped3A_119 : memref<!tpu.dma_semaphore, #tpu.memory_space<semaphore_mem>>) {add = true}
          %dma_wait3A_126 = arith.constant 0 : i32
          %dma_wait3A_127 = tpu.memref_slice %arg7[%mul3A_88, %dma_wait3A_126] : memref<16x128xi32, #tpu.memory_space<vmem>> -> memref<1x128xi32, #tpu.memory_space<vmem>>
          %dma_wait3A_128 = tpu.memref_squeeze %dma_wait3A_127 : memref<1x128xi32, #tpu.memory_space<vmem>> -> memref<128xi32, #tpu.memory_space<vmem>>
          %dma_wait3A_129 = arith.constant 0 : i32
          %dma_wait3A_130 = arith.constant 0 : i32
          %dma_wait3A_131 = tpu.memref_slice %arg10[%dma_wait3A_129, %dma_wait3A_130] : memref<10112x128xf32, #tpu.memory_space<vmem_shared>> -> memref<10112x128xf32, #tpu.memory_space<vmem_shared>>
          tpu.wait_indirect_dma semaphore(%run_scoped3A_119 : memref<!tpu.dma_semaphore, #tpu.memory_space<semaphore_mem>>) src(%arg8 : memref<128x128xf32, #tpu.memory_space<vmem>>) dst(%dma_wait3A_131 : memref<10112x128xf32, #tpu.memory_space<vmem_shared>>)
          tpu.yield
        }) : () -> ()
        %add3A_103 = arith.constant 2 : i32
        %add3A_104 = arith.addi %mul3A_88, %add3A_103 : i32
        %dma_start3A_105 = arith.constant 0 : i32
        %dma_start3A_106 = tpu.memref_slice %arg6[%add3A_104, %dma_start3A_105] : memref<16x128xi32, #tpu.memory_space<vmem>> -> memref<1x128xi32, #tpu.memory_space<vmem>>
        %dma_start3A_107 = tpu.memref_squeeze %dma_start3A_106 : memref<1x128xi32, #tpu.memory_space<vmem>> -> memref<128xi32, #tpu.memory_space<vmem>>
        %dma_start3A_108 = arith.constant 0 : i32
        %dma_start3A_109 = arith.constant 0 : i32
        %dma_start3A_110 = tpu.memref_slice %arg2[%dma_start3A_108, %dma_start3A_109] : memref<10016x128xf32, #tpu.memory_space<hbm>> -> memref<10016x128xf32, #tpu.memory_space<hbm>>
        tpu.enqueue_indirect_dma source(%dma_start3A_110 : memref<10016x128xf32, #tpu.memory_space<hbm>>) target(%arg8 : memref<128x128xf32, #tpu.memory_space<vmem>>) offsets(%dma_start3A_107 : memref<128xi32, #tpu.memory_space<vmem>>) semaphore(%arg11 : memref<!tpu.dma_semaphore, #tpu.memory_space<semaphore_mem>>)
        %add3A_111 = arith.constant 1 : i32
        %add3A_112 = arith.addi %mul3A_88, %add3A_111 : i32
        %dma_wait3A_113 = arith.constant 0 : i32
        %dma_wait3A_114 = tpu.memref_slice %arg6[%add3A_112, %dma_wait3A_113] : memref<16x128xi32, #tpu.memory_space<vmem>> -> memref<1x128xi32, #tpu.memory_space<vmem>>
        %dma_wait3A_115 = tpu.memref_squeeze %dma_wait3A_114 : memref<1x128xi32, #tpu.memory_space<vmem>> -> memref<128xi32, #tpu.memory_space<vmem>>
        %dma_wait3A_116 = arith.constant 0 : i32
        %dma_wait3A_117 = arith.constant 0 : i32
        %dma_wait3A_118 = tpu.memref_slice %arg2[%dma_wait3A_116, %dma_wait3A_117] : memref<10016x128xf32, #tpu.memory_space<hbm>> -> memref<10016x128xf32, #tpu.memory_space<hbm>>
        tpu.wait_indirect_dma semaphore(%arg12 : memref<!tpu.dma_semaphore, #tpu.memory_space<semaphore_mem>>) src(%dma_wait3A_118 : memref<10016x128xf32, #tpu.memory_space<hbm>>) dst(%arg9 : memref<128x128xf32, #tpu.memory_space<vmem>>)
        "tpu.region"() ({
          %run_scoped3A_119 = tpu.sem_alloc : memref<!tpu.dma_semaphore, #tpu.memory_space<semaphore_mem>>
          %dma_start3A_120 = arith.constant 0 : i32
          %dma_start3A_121 = tpu.memref_slice %arg7[%add3A_112, %dma_start3A_120] : memref<16x128xi32, #tpu.memory_space<vmem>> -> memref<1x128xi32, #tpu.memory_space<vmem>>
          %dma_start3A_122 = tpu.memref_squeeze %dma_start3A_121 : memref<1x128xi32, #tpu.memory_space<vmem>> -> memref<128xi32, #tpu.memory_space<vmem>>
          %dma_start3A_123 = arith.constant 0 : i32
          %dma_start3A_124 = arith.constant 0 : i32
          %dma_start3A_125 = tpu.memref_slice %arg10[%dma_start3A_123, %dma_start3A_124] : memref<10112x128xf32, #tpu.memory_space<vmem_shared>> -> memref<10112x128xf32, #tpu.memory_space<vmem_shared>>
          tpu.enqueue_indirect_dma source(%arg9 : memref<128x128xf32, #tpu.memory_space<vmem>>) target(%dma_start3A_125 : memref<10112x128xf32, #tpu.memory_space<vmem_shared>>) offsets(%dma_start3A_122 : memref<128xi32, #tpu.memory_space<vmem>>) semaphore(%run_scoped3A_119 : memref<!tpu.dma_semaphore, #tpu.memory_space<semaphore_mem>>) {add = true}
          %dma_wait3A_126 = arith.constant 0 : i32
          %dma_wait3A_127 = tpu.memref_slice %arg7[%add3A_112, %dma_wait3A_126] : memref<16x128xi32, #tpu.memory_space<vmem>> -> memref<1x128xi32, #tpu.memory_space<vmem>>
          %dma_wait3A_128 = tpu.memref_squeeze %dma_wait3A_127 : memref<1x128xi32, #tpu.memory_space<vmem>> -> memref<128xi32, #tpu.memory_space<vmem>>
          %dma_wait3A_129 = arith.constant 0 : i32
          %dma_wait3A_130 = arith.constant 0 : i32
          %dma_wait3A_131 = tpu.memref_slice %arg10[%dma_wait3A_129, %dma_wait3A_130] : memref<10112x128xf32, #tpu.memory_space<vmem_shared>> -> memref<10112x128xf32, #tpu.memory_space<vmem_shared>>
          tpu.wait_indirect_dma semaphore(%run_scoped3A_119 : memref<!tpu.dma_semaphore, #tpu.memory_space<semaphore_mem>>) src(%arg9 : memref<128x128xf32, #tpu.memory_space<vmem>>) dst(%dma_wait3A_131 : memref<10112x128xf32, #tpu.memory_space<vmem_shared>>)
          tpu.yield
        }) : () -> ()
      }
      %scan3A_64 = arith.constant 7 : i32
      %dma_start3A_65 = arith.constant 15 : i32
      %dma_start3A_66 = arith.constant 0 : i32
      %dma_start3A_67 = tpu.memref_slice %arg6[%dma_start3A_65, %dma_start3A_66] : memref<16x128xi32, #tpu.memory_space<vmem>> -> memref<1x128xi32, #tpu.memory_space<vmem>>
      %dma_start3A_68 = tpu.memref_squeeze %dma_start3A_67 : memref<1x128xi32, #tpu.memory_space<vmem>> -> memref<128xi32, #tpu.memory_space<vmem>>
      %dma_start3A_69 = arith.constant 0 : i32
      %dma_start3A_70 = arith.constant 0 : i32
      %dma_start3A_71 = tpu.memref_slice %arg2[%dma_start3A_69, %dma_start3A_70] : memref<10016x128xf32, #tpu.memory_space<hbm>> -> memref<10016x128xf32, #tpu.memory_space<hbm>>
      tpu.enqueue_indirect_dma source(%dma_start3A_71 : memref<10016x128xf32, #tpu.memory_space<hbm>>) target(%arg9 : memref<128x128xf32, #tpu.memory_space<vmem>>) offsets(%dma_start3A_68 : memref<128xi32, #tpu.memory_space<vmem>>) semaphore(%arg12 : memref<!tpu.dma_semaphore, #tpu.memory_space<semaphore_mem>>)
      %dma_wait3A = arith.constant 14 : i32
      %dma_wait3A_72 = arith.constant 0 : i32
      %dma_wait3A_73 = tpu.memref_slice %arg6[%dma_wait3A, %dma_wait3A_72] : memref<16x128xi32, #tpu.memory_space<vmem>> -> memref<1x128xi32, #tpu.memory_space<vmem>>
      %dma_wait3A_74 = tpu.memref_squeeze %dma_wait3A_73 : memref<1x128xi32, #tpu.memory_space<vmem>> -> memref<128xi32, #tpu.memory_space<vmem>>
      %dma_wait3A_75 = arith.constant 0 : i32
      %dma_wait3A_76 = arith.constant 0 : i32
      %dma_wait3A_77 = tpu.memref_slice %arg2[%dma_wait3A_75, %dma_wait3A_76] : memref<10016x128xf32, #tpu.memory_space<hbm>> -> memref<10016x128xf32, #tpu.memory_space<hbm>>
      tpu.wait_indirect_dma semaphore(%arg11 : memref<!tpu.dma_semaphore, #tpu.memory_space<semaphore_mem>>) src(%dma_wait3A_77 : memref<10016x128xf32, #tpu.memory_space<hbm>>) dst(%arg8 : memref<128x128xf32, #tpu.memory_space<vmem>>)
      %run_scoped3A = arith.constant 14 : i32
      "tpu.region"() ({
        %run_scoped3A_86 = tpu.sem_alloc : memref<!tpu.dma_semaphore, #tpu.memory_space<semaphore_mem>>
        %dma_start3A_87 = arith.constant 0 : i32
        %dma_start3A_88 = tpu.memref_slice %arg7[%run_scoped3A, %dma_start3A_87] : memref<16x128xi32, #tpu.memory_space<vmem>> -> memref<1x128xi32, #tpu.memory_space<vmem>>
        %dma_start3A_89 = tpu.memref_squeeze %dma_start3A_88 : memref<1x128xi32, #tpu.memory_space<vmem>> -> memref<128xi32, #tpu.memory_space<vmem>>
        %dma_start3A_90 = arith.constant 0 : i32
        %dma_start3A_91 = arith.constant 0 : i32
        %dma_start3A_92 = tpu.memref_slice %arg10[%dma_start3A_90, %dma_start3A_91] : memref<10112x128xf32, #tpu.memory_space<vmem_shared>> -> memref<10112x128xf32, #tpu.memory_space<vmem_shared>>
        tpu.enqueue_indirect_dma source(%arg8 : memref<128x128xf32, #tpu.memory_space<vmem>>) target(%dma_start3A_92 : memref<10112x128xf32, #tpu.memory_space<vmem_shared>>) offsets(%dma_start3A_89 : memref<128xi32, #tpu.memory_space<vmem>>) semaphore(%run_scoped3A_86 : memref<!tpu.dma_semaphore, #tpu.memory_space<semaphore_mem>>) {add = true}
        %dma_wait3A_93 = arith.constant 0 : i32
        %dma_wait3A_94 = tpu.memref_slice %arg7[%run_scoped3A, %dma_wait3A_93] : memref<16x128xi32, #tpu.memory_space<vmem>> -> memref<1x128xi32, #tpu.memory_space<vmem>>
        %dma_wait3A_95 = tpu.memref_squeeze %dma_wait3A_94 : memref<1x128xi32, #tpu.memory_space<vmem>> -> memref<128xi32, #tpu.memory_space<vmem>>
        %dma_wait3A_96 = arith.constant 0 : i32
        %dma_wait3A_97 = arith.constant 0 : i32
        %dma_wait3A_98 = tpu.memref_slice %arg10[%dma_wait3A_96, %dma_wait3A_97] : memref<10112x128xf32, #tpu.memory_space<vmem_shared>> -> memref<10112x128xf32, #tpu.memory_space<vmem_shared>>
        tpu.wait_indirect_dma semaphore(%run_scoped3A_86 : memref<!tpu.dma_semaphore, #tpu.memory_space<semaphore_mem>>) src(%arg8 : memref<128x128xf32, #tpu.memory_space<vmem>>) dst(%dma_wait3A_98 : memref<10112x128xf32, #tpu.memory_space<vmem_shared>>)
        tpu.yield
      }) : () -> ()
      %dma_wait3A_78 = arith.constant 15 : i32
      %dma_wait3A_79 = arith.constant 0 : i32
      %dma_wait3A_80 = tpu.memref_slice %arg6[%dma_wait3A_78, %dma_wait3A_79] : memref<16x128xi32, #tpu.memory_space<vmem>> -> memref<1x128xi32, #tpu.memory_space<vmem>>
      %dma_wait3A_81 = tpu.memref_squeeze %dma_wait3A_80 : memref<1x128xi32, #tpu.memory_space<vmem>> -> memref<128xi32, #tpu.memory_space<vmem>>
      %dma_wait3A_82 = arith.constant 0 : i32
      %dma_wait3A_83 = arith.constant 0 : i32
      %dma_wait3A_84 = tpu.memref_slice %arg2[%dma_wait3A_82, %dma_wait3A_83] : memref<10016x128xf32, #tpu.memory_space<hbm>> -> memref<10016x128xf32, #tpu.memory_space<hbm>>
      tpu.wait_indirect_dma semaphore(%arg12 : memref<!tpu.dma_semaphore, #tpu.memory_space<semaphore_mem>>) src(%dma_wait3A_84 : memref<10016x128xf32, #tpu.memory_space<hbm>>) dst(%arg9 : memref<128x128xf32, #tpu.memory_space<vmem>>)
      %run_scoped3A_85 = arith.constant 15 : i32
      "tpu.region"() ({
        %run_scoped3A_86 = tpu.sem_alloc : memref<!tpu.dma_semaphore, #tpu.memory_space<semaphore_mem>>
        %dma_start3A_87 = arith.constant 0 : i32
        %dma_start3A_88 = tpu.memref_slice %arg7[%run_scoped3A_85, %dma_start3A_87] : memref<16x128xi32, #tpu.memory_space<vmem>> -> memref<1x128xi32, #tpu.memory_space<vmem>>
        %dma_start3A_89 = tpu.memref_squeeze %dma_start3A_88 : memref<1x128xi32, #tpu.memory_space<vmem>> -> memref<128xi32, #tpu.memory_space<vmem>>
        %dma_start3A_90 = arith.constant 0 : i32
        %dma_start3A_91 = arith.constant 0 : i32
        %dma_start3A_92 = tpu.memref_slice %arg10[%dma_start3A_90, %dma_start3A_91] : memref<10112x128xf32, #tpu.memory_space<vmem_shared>> -> memref<10112x128xf32, #tpu.memory_space<vmem_shared>>
        tpu.enqueue_indirect_dma source(%arg9 : memref<128x128xf32, #tpu.memory_space<vmem>>) target(%dma_start3A_92 : memref<10112x128xf32, #tpu.memory_space<vmem_shared>>) offsets(%dma_start3A_89 : memref<128xi32, #tpu.memory_space<vmem>>) semaphore(%run_scoped3A_86 : memref<!tpu.dma_semaphore, #tpu.memory_space<semaphore_mem>>) {add = true}
        %dma_wait3A_93 = arith.constant 0 : i32
        %dma_wait3A_94 = tpu.memref_slice %arg7[%run_scoped3A_85, %dma_wait3A_93] : memref<16x128xi32, #tpu.memory_space<vmem>> -> memref<1x128xi32, #tpu.memory_space<vmem>>
        %dma_wait3A_95 = tpu.memref_squeeze %dma_wait3A_94 : memref<1x128xi32, #tpu.memory_space<vmem>> -> memref<128xi32, #tpu.memory_space<vmem>>
        %dma_wait3A_96 = arith.constant 0 : i32
        %dma_wait3A_97 = arith.constant 0 : i32
        %dma_wait3A_98 = tpu.memref_slice %arg10[%dma_wait3A_96, %dma_wait3A_97] : memref<10112x128xf32, #tpu.memory_space<vmem_shared>> -> memref<10112x128xf32, #tpu.memory_space<vmem_shared>>
        tpu.wait_indirect_dma semaphore(%run_scoped3A_86 : memref<!tpu.dma_semaphore, #tpu.memory_space<semaphore_mem>>) src(%arg9 : memref<128x128xf32, #tpu.memory_space<vmem>>) dst(%dma_wait3A_98 : memref<10112x128xf32, #tpu.memory_space<vmem_shared>>)
        tpu.yield
      }) : () -> ()
    }
    %while3A_43 = arith.constant 1 : i32
    scf.for %while3A_49 = %while3A_41 to %while3A_37 step %while3A_43  : i32 {
      %add3A_50 = arith.addi %select_n3A_34, %while3A_49 : i32
      %mul3A_51 = arith.constant 16 : i32
      %mul3A_52 = arith.muli %add3A_50, %mul3A_51 : i32
      "tpu.region"() ({
        %run_scoped3A_86 = tpu.sem_alloc : memref<!tpu.dma_semaphore, #tpu.memory_space<semaphore_mem>>
        %dma_start3A_87 = arith.constant 0 : i32
        %dma_start3A_88 = tpu.memref_slice %arg3[%mul3A_52, %dma_start3A_87] : memref<2560x128xi32, #tpu.memory_space<hbm>> -> memref<16x128xi32, #tpu.memory_space<hbm>>
        %dma_start3A_89 = arith.constant 0 : i32
        %dma_start3A_90 = tpu.memref_slice %arg3[%mul3A_52, %dma_start3A_89] : memref<2560x128xi32, #tpu.memory_space<hbm>> -> memref<16x128xi32, #tpu.memory_space<hbm>>
        tpu.enqueue_dma source(%dma_start3A_90 : memref<16x128xi32, #tpu.memory_space<hbm>>) target(%arg6 : memref<16x128xi32, #tpu.memory_space<vmem>>) target_semaphore(%run_scoped3A_86 : memref<!tpu.dma_semaphore, #tpu.memory_space<semaphore_mem>>)
        %dma_wait3A_91 = arith.constant 0 : i32
        %dma_wait3A_92 = tpu.memref_slice %arg3[%mul3A_52, %dma_wait3A_91] : memref<2560x128xi32, #tpu.memory_space<hbm>> -> memref<16x128xi32, #tpu.memory_space<hbm>>
        %dma_wait3A_93 = arith.constant 0 : i32
        %dma_wait3A_94 = tpu.memref_slice %arg3[%mul3A_52, %dma_wait3A_93] : memref<2560x128xi32, #tpu.memory_space<hbm>> -> memref<16x128xi32, #tpu.memory_space<hbm>>
        tpu.wait_dma2 semaphore(%run_scoped3A_86 : memref<!tpu.dma_semaphore, #tpu.memory_space<semaphore_mem>>) src(%dma_wait3A_94 : memref<16x128xi32, #tpu.memory_space<hbm>>) dst(%arg6 : memref<16x128xi32, #tpu.memory_space<vmem>>)
        tpu.yield
      }) : () -> ()
      "tpu.region"() ({
        %run_scoped3A_86 = tpu.sem_alloc : memref<!tpu.dma_semaphore, #tpu.memory_space<semaphore_mem>>
        %dma_start3A_87 = arith.constant 0 : i32
        %dma_start3A_88 = tpu.memref_slice %arg4[%mul3A_52, %dma_start3A_87] : memref<2560x128xi32, #tpu.memory_space<hbm>> -> memref<16x128xi32, #tpu.memory_space<hbm>>
        %dma_start3A_89 = arith.constant 0 : i32
        %dma_start3A_90 = tpu.memref_slice %arg4[%mul3A_52, %dma_start3A_89] : memref<2560x128xi32, #tpu.memory_space<hbm>> -> memref<16x128xi32, #tpu.memory_space<hbm>>
        tpu.enqueue_dma source(%dma_start3A_90 : memref<16x128xi32, #tpu.memory_space<hbm>>) target(%arg7 : memref<16x128xi32, #tpu.memory_space<vmem>>) target_semaphore(%run_scoped3A_86 : memref<!tpu.dma_semaphore, #tpu.memory_space<semaphore_mem>>)
        %dma_wait3A_91 = arith.constant 0 : i32
        %dma_wait3A_92 = tpu.memref_slice %arg4[%mul3A_52, %dma_wait3A_91] : memref<2560x128xi32, #tpu.memory_space<hbm>> -> memref<16x128xi32, #tpu.memory_space<hbm>>
        %dma_wait3A_93 = arith.constant 0 : i32
        %dma_wait3A_94 = tpu.memref_slice %arg4[%mul3A_52, %dma_wait3A_93] : memref<2560x128xi32, #tpu.memory_space<hbm>> -> memref<16x128xi32, #tpu.memory_space<hbm>>
        tpu.wait_dma2 semaphore(%run_scoped3A_86 : memref<!tpu.dma_semaphore, #tpu.memory_space<semaphore_mem>>) src(%dma_wait3A_94 : memref<16x128xi32, #tpu.memory_space<hbm>>) dst(%arg7 : memref<16x128xi32, #tpu.memory_space<vmem>>)
        tpu.yield
      }) : () -> ()
      %dma_start3A = arith.constant 0 : i32
      %dma_start3A_53 = arith.constant 0 : i32
      %dma_start3A_54 = tpu.memref_slice %arg6[%dma_start3A, %dma_start3A_53] : memref<16x128xi32, #tpu.memory_space<vmem>> -> memref<1x128xi32, #tpu.memory_space<vmem>>
      %dma_start3A_55 = tpu.memref_squeeze %dma_start3A_54 : memref<1x128xi32, #tpu.memory_space<vmem>> -> memref<128xi32, #tpu.memory_space<vmem>>
      %dma_start3A_56 = arith.constant 0 : i32
      %dma_start3A_57 = arith.constant 0 : i32
      %dma_start3A_58 = tpu.memref_slice %arg2[%dma_start3A_56, %dma_start3A_57] : memref<10016x128xf32, #tpu.memory_space<hbm>> -> memref<10016x128xf32, #tpu.memory_space<hbm>>
      tpu.enqueue_indirect_dma source(%dma_start3A_58 : memref<10016x128xf32, #tpu.memory_space<hbm>>) target(%arg8 : memref<128x128xf32, #tpu.memory_space<vmem>>) offsets(%dma_start3A_55 : memref<128xi32, #tpu.memory_space<vmem>>) semaphore(%arg11 : memref<!tpu.dma_semaphore, #tpu.memory_space<semaphore_mem>>)
      %scan3A_59 = arith.constant 0 : i32
      %scan3A_60 = arith.constant 0 : i32
      %scan3A_61 = arith.constant 7 : i32
      %scan3A_62 = arith.addi %scan3A_60, %scan3A_61 : i32
      %scan3A_63 = arith.constant 1 : i32
      scf.for %scan3A_86 = %scan3A_60 to %scan3A_62 step %scan3A_63  : i32 {
        %mul3A_87 = arith.constant 2 : i32
        %mul3A_88 = arith.muli %mul3A_87, %scan3A_86 : i32
        %add3A_89 = arith.constant 1 : i32
        %add3A_90 = arith.addi %mul3A_88, %add3A_89 : i32
        %dma_start3A_91 = arith.constant 0 : i32
        %dma_start3A_92 = tpu.memref_slice %arg6[%add3A_90, %dma_start3A_91] : memref<16x128xi32, #tpu.memory_space<vmem>> -> memref<1x128xi32, #tpu.memory_space<vmem>>
        %dma_start3A_93 = tpu.memref_squeeze %dma_start3A_92 : memref<1x128xi32, #tpu.memory_space<vmem>> -> memref<128xi32, #tpu.memory_space<vmem>>
        %dma_start3A_94 = arith.constant 0 : i32
        %dma_start3A_95 = arith.constant 0 : i32
        %dma_start3A_96 = tpu.memref_slice %arg2[%dma_start3A_94, %dma_start3A_95] : memref<10016x128xf32, #tpu.memory_space<hbm>> -> memref<10016x128xf32, #tpu.memory_space<hbm>>
        tpu.enqueue_indirect_dma source(%dma_start3A_96 : memref<10016x128xf32, #tpu.memory_space<hbm>>) target(%arg9 : memref<128x128xf32, #tpu.memory_space<vmem>>) offsets(%dma_start3A_93 : memref<128xi32, #tpu.memory_space<vmem>>) semaphore(%arg12 : memref<!tpu.dma_semaphore, #tpu.memory_space<semaphore_mem>>)
        %dma_wait3A_97 = arith.constant 0 : i32
        %dma_wait3A_98 = tpu.memref_slice %arg6[%mul3A_88, %dma_wait3A_97] : memref<16x128xi32, #tpu.memory_space<vmem>> -> memref<1x128xi32, #tpu.memory_space<vmem>>
        %dma_wait3A_99 = tpu.memref_squeeze %dma_wait3A_98 : memref<1x128xi32, #tpu.memory_space<vmem>> -> memref<128xi32, #tpu.memory_space<vmem>>
        %dma_wait3A_100 = arith.constant 0 : i32
        %dma_wait3A_101 = arith.constant 0 : i32
        %dma_wait3A_102 = tpu.memref_slice %arg2[%dma_wait3A_100, %dma_wait3A_101] : memref<10016x128xf32, #tpu.memory_space<hbm>> -> memref<10016x128xf32, #tpu.memory_space<hbm>>
        tpu.wait_indirect_dma semaphore(%arg11 : memref<!tpu.dma_semaphore, #tpu.memory_space<semaphore_mem>>) src(%dma_wait3A_102 : memref<10016x128xf32, #tpu.memory_space<hbm>>) dst(%arg8 : memref<128x128xf32, #tpu.memory_space<vmem>>)
        "tpu.region"() ({
          %run_scoped3A_119 = tpu.sem_alloc : memref<!tpu.dma_semaphore, #tpu.memory_space<semaphore_mem>>
          %dma_start3A_120 = arith.constant 0 : i32
          %dma_start3A_121 = tpu.memref_slice %arg7[%mul3A_88, %dma_start3A_120] : memref<16x128xi32, #tpu.memory_space<vmem>> -> memref<1x128xi32, #tpu.memory_space<vmem>>
          %dma_start3A_122 = tpu.memref_squeeze %dma_start3A_121 : memref<1x128xi32, #tpu.memory_space<vmem>> -> memref<128xi32, #tpu.memory_space<vmem>>
          %dma_start3A_123 = arith.constant 0 : i32
          %dma_start3A_124 = arith.constant 0 : i32
          %dma_start3A_125 = tpu.memref_slice %arg10[%dma_start3A_123, %dma_start3A_124] : memref<10112x128xf32, #tpu.memory_space<vmem_shared>> -> memref<10112x128xf32, #tpu.memory_space<vmem_shared>>
          tpu.enqueue_indirect_dma source(%arg8 : memref<128x128xf32, #tpu.memory_space<vmem>>) target(%dma_start3A_125 : memref<10112x128xf32, #tpu.memory_space<vmem_shared>>) offsets(%dma_start3A_122 : memref<128xi32, #tpu.memory_space<vmem>>) semaphore(%run_scoped3A_119 : memref<!tpu.dma_semaphore, #tpu.memory_space<semaphore_mem>>) {add = true}
          %dma_wait3A_126 = arith.constant 0 : i32
          %dma_wait3A_127 = tpu.memref_slice %arg7[%mul3A_88, %dma_wait3A_126] : memref<16x128xi32, #tpu.memory_space<vmem>> -> memref<1x128xi32, #tpu.memory_space<vmem>>
          %dma_wait3A_128 = tpu.memref_squeeze %dma_wait3A_127 : memref<1x128xi32, #tpu.memory_space<vmem>> -> memref<128xi32, #tpu.memory_space<vmem>>
          %dma_wait3A_129 = arith.constant 0 : i32
          %dma_wait3A_130 = arith.constant 0 : i32
          %dma_wait3A_131 = tpu.memref_slice %arg10[%dma_wait3A_129, %dma_wait3A_130] : memref<10112x128xf32, #tpu.memory_space<vmem_shared>> -> memref<10112x128xf32, #tpu.memory_space<vmem_shared>>
          tpu.wait_indirect_dma semaphore(%run_scoped3A_119 : memref<!tpu.dma_semaphore, #tpu.memory_space<semaphore_mem>>) src(%arg8 : memref<128x128xf32, #tpu.memory_space<vmem>>) dst(%dma_wait3A_131 : memref<10112x128xf32, #tpu.memory_space<vmem_shared>>)
          tpu.yield
        }) : () -> ()
        %add3A_103 = arith.constant 2 : i32
        %add3A_104 = arith.addi %mul3A_88, %add3A_103 : i32
        %dma_start3A_105 = arith.constant 0 : i32
        %dma_start3A_106 = tpu.memref_slice %arg6[%add3A_104, %dma_start3A_105] : memref<16x128xi32, #tpu.memory_space<vmem>> -> memref<1x128xi32, #tpu.memory_space<vmem>>
        %dma_start3A_107 = tpu.memref_squeeze %dma_start3A_106 : memref<1x128xi32, #tpu.memory_space<vmem>> -> memref<128xi32, #tpu.memory_space<vmem>>
        %dma_start3A_108 = arith.constant 0 : i32
        %dma_start3A_109 = arith.constant 0 : i32
        %dma_start3A_110 = tpu.memref_slice %arg2[%dma_start3A_108, %dma_start3A_109] : memref<10016x128xf32, #tpu.memory_space<hbm>> -> memref<10016x128xf32, #tpu.memory_space<hbm>>
        tpu.enqueue_indirect_dma source(%dma_start3A_110 : memref<10016x128xf32, #tpu.memory_space<hbm>>) target(%arg8 : memref<128x128xf32, #tpu.memory_space<vmem>>) offsets(%dma_start3A_107 : memref<128xi32, #tpu.memory_space<vmem>>) semaphore(%arg11 : memref<!tpu.dma_semaphore, #tpu.memory_space<semaphore_mem>>)
        %add3A_111 = arith.constant 1 : i32
        %add3A_112 = arith.addi %mul3A_88, %add3A_111 : i32
        %dma_wait3A_113 = arith.constant 0 : i32
        %dma_wait3A_114 = tpu.memref_slice %arg6[%add3A_112, %dma_wait3A_113] : memref<16x128xi32, #tpu.memory_space<vmem>> -> memref<1x128xi32, #tpu.memory_space<vmem>>
        %dma_wait3A_115 = tpu.memref_squeeze %dma_wait3A_114 : memref<1x128xi32, #tpu.memory_space<vmem>> -> memref<128xi32, #tpu.memory_space<vmem>>
        %dma_wait3A_116 = arith.constant 0 : i32
        %dma_wait3A_117 = arith.constant 0 : i32
        %dma_wait3A_118 = tpu.memref_slice %arg2[%dma_wait3A_116, %dma_wait3A_117] : memref<10016x128xf32, #tpu.memory_space<hbm>> -> memref<10016x128xf32, #tpu.memory_space<hbm>>
        tpu.wait_indirect_dma semaphore(%arg12 : memref<!tpu.dma_semaphore, #tpu.memory_space<semaphore_mem>>) src(%dma_wait3A_118 : memref<10016x128xf32, #tpu.memory_space<hbm>>) dst(%arg9 : memref<128x128xf32, #tpu.memory_space<vmem>>)
        "tpu.region"() ({
          %run_scoped3A_119 = tpu.sem_alloc : memref<!tpu.dma_semaphore, #tpu.memory_space<semaphore_mem>>
          %dma_start3A_120 = arith.constant 0 : i32
          %dma_start3A_121 = tpu.memref_slice %arg7[%add3A_112, %dma_start3A_120] : memref<16x128xi32, #tpu.memory_space<vmem>> -> memref<1x128xi32, #tpu.memory_space<vmem>>
          %dma_start3A_122 = tpu.memref_squeeze %dma_start3A_121 : memref<1x128xi32, #tpu.memory_space<vmem>> -> memref<128xi32, #tpu.memory_space<vmem>>
          %dma_start3A_123 = arith.constant 0 : i32
          %dma_start3A_124 = arith.constant 0 : i32
          %dma_start3A_125 = tpu.memref_slice %arg10[%dma_start3A_123, %dma_start3A_124] : memref<10112x128xf32, #tpu.memory_space<vmem_shared>> -> memref<10112x128xf32, #tpu.memory_space<vmem_shared>>
          tpu.enqueue_indirect_dma source(%arg9 : memref<128x128xf32, #tpu.memory_space<vmem>>) target(%dma_start3A_125 : memref<10112x128xf32, #tpu.memory_space<vmem_shared>>) offsets(%dma_start3A_122 : memref<128xi32, #tpu.memory_space<vmem>>) semaphore(%run_scoped3A_119 : memref<!tpu.dma_semaphore, #tpu.memory_space<semaphore_mem>>) {add = true}
          %dma_wait3A_126 = arith.constant 0 : i32
          %dma_wait3A_127 = tpu.memref_slice %arg7[%add3A_112, %dma_wait3A_126] : memref<16x128xi32, #tpu.memory_space<vmem>> -> memref<1x128xi32, #tpu.memory_space<vmem>>
          %dma_wait3A_128 = tpu.memref_squeeze %dma_wait3A_127 : memref<1x128xi32, #tpu.memory_space<vmem>> -> memref<128xi32, #tpu.memory_space<vmem>>
          %dma_wait3A_129 = arith.constant 0 : i32
          %dma_wait3A_130 = arith.constant 0 : i32
          %dma_wait3A_131 = tpu.memref_slice %arg10[%dma_wait3A_129, %dma_wait3A_130] : memref<10112x128xf32, #tpu.memory_space<vmem_shared>> -> memref<10112x128xf32, #tpu.memory_space<vmem_shared>>
          tpu.wait_indirect_dma semaphore(%run_scoped3A_119 : memref<!tpu.dma_semaphore, #tpu.memory_space<semaphore_mem>>) src(%arg9 : memref<128x128xf32, #tpu.memory_space<vmem>>) dst(%dma_wait3A_131 : memref<10112x128xf32, #tpu.memory_space<vmem_shared>>)
          tpu.yield
        }) : () -> ()
      }
      %scan3A_64 = arith.constant 7 : i32
      %dma_start3A_65 = arith.constant 15 : i32
      %dma_start3A_66 = arith.constant 0 : i32
      %dma_start3A_67 = tpu.memref_slice %arg6[%dma_start3A_65, %dma_start3A_66] : memref<16x128xi32, #tpu.memory_space<vmem>> -> memref<1x128xi32, #tpu.memory_space<vmem>>
      %dma_start3A_68 = tpu.memref_squeeze %dma_start3A_67 : memref<1x128xi32, #tpu.memory_space<vmem>> -> memref<128xi32, #tpu.memory_space<vmem>>
      %dma_start3A_69 = arith.constant 0 : i32
      %dma_start3A_70 = arith.constant 0 : i32
      %dma_start3A_71 = tpu.memref_slice %arg2[%dma_start3A_69, %dma_start3A_70] : memref<10016x128xf32, #tpu.memory_space<hbm>> -> memref<10016x128xf32, #tpu.memory_space<hbm>>
      tpu.enqueue_indirect_dma source(%dma_start3A_71 : memref<10016x128xf32, #tpu.memory_space<hbm>>) target(%arg9 : memref<128x128xf32, #tpu.memory_space<vmem>>) offsets(%dma_start3A_68 : memref<128xi32, #tpu.memory_space<vmem>>) semaphore(%arg12 : memref<!tpu.dma_semaphore, #tpu.memory_space<semaphore_mem>>)
      %dma_wait3A = arith.constant 14 : i32
      %dma_wait3A_72 = arith.constant 0 : i32
      %dma_wait3A_73 = tpu.memref_slice %arg6[%dma_wait3A, %dma_wait3A_72] : memref<16x128xi32, #tpu.memory_space<vmem>> -> memref<1x128xi32, #tpu.memory_space<vmem>>
      %dma_wait3A_74 = tpu.memref_squeeze %dma_wait3A_73 : memref<1x128xi32, #tpu.memory_space<vmem>> -> memref<128xi32, #tpu.memory_space<vmem>>
      %dma_wait3A_75 = arith.constant 0 : i32
      %dma_wait3A_76 = arith.constant 0 : i32
      %dma_wait3A_77 = tpu.memref_slice %arg2[%dma_wait3A_75, %dma_wait3A_76] : memref<10016x128xf32, #tpu.memory_space<hbm>> -> memref<10016x128xf32, #tpu.memory_space<hbm>>
      tpu.wait_indirect_dma semaphore(%arg11 : memref<!tpu.dma_semaphore, #tpu.memory_space<semaphore_mem>>) src(%dma_wait3A_77 : memref<10016x128xf32, #tpu.memory_space<hbm>>) dst(%arg8 : memref<128x128xf32, #tpu.memory_space<vmem>>)
      %run_scoped3A = arith.constant 14 : i32
      "tpu.region"() ({
        %run_scoped3A_86 = tpu.sem_alloc : memref<!tpu.dma_semaphore, #tpu.memory_space<semaphore_mem>>
        %dma_start3A_87 = arith.constant 0 : i32
        %dma_start3A_88 = tpu.memref_slice %arg7[%run_scoped3A, %dma_start3A_87] : memref<16x128xi32, #tpu.memory_space<vmem>> -> memref<1x128xi32, #tpu.memory_space<vmem>>
        %dma_start3A_89 = tpu.memref_squeeze %dma_start3A_88 : memref<1x128xi32, #tpu.memory_space<vmem>> -> memref<128xi32, #tpu.memory_space<vmem>>
        %dma_start3A_90 = arith.constant 0 : i32
        %dma_start3A_91 = arith.constant 0 : i32
        %dma_start3A_92 = tpu.memref_slice %arg10[%dma_start3A_90, %dma_start3A_91] : memref<10112x128xf32, #tpu.memory_space<vmem_shared>> -> memref<10112x128xf32, #tpu.memory_space<vmem_shared>>
        tpu.enqueue_indirect_dma source(%arg8 : memref<128x128xf32, #tpu.memory_space<vmem>>) target(%dma_start3A_92 : memref<10112x128xf32, #tpu.memory_space<vmem_shared>>) offsets(%dma_start3A_89 : memref<128xi32, #tpu.memory_space<vmem>>) semaphore(%run_scoped3A_86 : memref<!tpu.dma_semaphore, #tpu.memory_space<semaphore_mem>>) {add = true}
        %dma_wait3A_93 = arith.constant 0 : i32
        %dma_wait3A_94 = tpu.memref_slice %arg7[%run_scoped3A, %dma_wait3A_93] : memref<16x128xi32, #tpu.memory_space<vmem>> -> memref<1x128xi32, #tpu.memory_space<vmem>>
        %dma_wait3A_95 = tpu.memref_squeeze %dma_wait3A_94 : memref<1x128xi32, #tpu.memory_space<vmem>> -> memref<128xi32, #tpu.memory_space<vmem>>
        %dma_wait3A_96 = arith.constant 0 : i32
        %dma_wait3A_97 = arith.constant 0 : i32
        %dma_wait3A_98 = tpu.memref_slice %arg10[%dma_wait3A_96, %dma_wait3A_97] : memref<10112x128xf32, #tpu.memory_space<vmem_shared>> -> memref<10112x128xf32, #tpu.memory_space<vmem_shared>>
        tpu.wait_indirect_dma semaphore(%run_scoped3A_86 : memref<!tpu.dma_semaphore, #tpu.memory_space<semaphore_mem>>) src(%arg8 : memref<128x128xf32, #tpu.memory_space<vmem>>) dst(%dma_wait3A_98 : memref<10112x128xf32, #tpu.memory_space<vmem_shared>>)
        tpu.yield
      }) : () -> ()
      %dma_wait3A_78 = arith.constant 15 : i32
      %dma_wait3A_79 = arith.constant 0 : i32
      %dma_wait3A_80 = tpu.memref_slice %arg6[%dma_wait3A_78, %dma_wait3A_79] : memref<16x128xi32, #tpu.memory_space<vmem>> -> memref<1x128xi32, #tpu.memory_space<vmem>>
      %dma_wait3A_81 = tpu.memref_squeeze %dma_wait3A_80 : memref<1x128xi32, #tpu.memory_space<vmem>> -> memref<128xi32, #tpu.memory_space<vmem>>
      %dma_wait3A_82 = arith.constant 0 : i32
      %dma_wait3A_83 = arith.constant 0 : i32
      %dma_wait3A_84 = tpu.memref_slice %arg2[%dma_wait3A_82, %dma_wait3A_83] : memref<10016x128xf32, #tpu.memory_space<hbm>> -> memref<10016x128xf32, #tpu.memory_space<hbm>>
      tpu.wait_indirect_dma semaphore(%arg12 : memref<!tpu.dma_semaphore, #tpu.memory_space<semaphore_mem>>) src(%dma_wait3A_84 : memref<10016x128xf32, #tpu.memory_space<hbm>>) dst(%arg9 : memref<128x128xf32, #tpu.memory_space<vmem>>)
      %run_scoped3A_85 = arith.constant 15 : i32
      "tpu.region"() ({
        %run_scoped3A_86 = tpu.sem_alloc : memref<!tpu.dma_semaphore, #tpu.memory_space<semaphore_mem>>
        %dma_start3A_87 = arith.constant 0 : i32
        %dma_start3A_88 = tpu.memref_slice %arg7[%run_scoped3A_85, %dma_start3A_87] : memref<16x128xi32, #tpu.memory_space<vmem>> -> memref<1x128xi32, #tpu.memory_space<vmem>>
        %dma_start3A_89 = tpu.memref_squeeze %dma_start3A_88 : memref<1x128xi32, #tpu.memory_space<vmem>> -> memref<128xi32, #tpu.memory_space<vmem>>
        %dma_start3A_90 = arith.constant 0 : i32
        %dma_start3A_91 = arith.constant 0 : i32
        %dma_start3A_92 = tpu.memref_slice %arg10[%dma_start3A_90, %dma_start3A_91] : memref<10112x128xf32, #tpu.memory_space<vmem_shared>> -> memref<10112x128xf32, #tpu.memory_space<vmem_shared>>
        tpu.enqueue_indirect_dma source(%arg9 : memref<128x128xf32, #tpu.memory_space<vmem>>) target(%dma_start3A_92 : memref<10112x128xf32, #tpu.memory_space<vmem_shared>>) offsets(%dma_start3A_89 : memref<128xi32, #tpu.memory_space<vmem>>) semaphore(%run_scoped3A_86 : memref<!tpu.dma_semaphore, #tpu.memory_space<semaphore_mem>>) {add = true}
        %dma_wait3A_93 = arith.constant 0 : i32
        %dma_wait3A_94 = tpu.memref_slice %arg7[%run_scoped3A_85, %dma_wait3A_93] : memref<16x128xi32, #tpu.memory_space<vmem>> -> memref<1x128xi32, #tpu.memory_space<vmem>>
        %dma_wait3A_95 = tpu.memref_squeeze %dma_wait3A_94 : memref<1x128xi32, #tpu.memory_space<vmem>> -> memref<128xi32, #tpu.memory_space<vmem>>
        %dma_wait3A_96 = arith.constant 0 : i32
        %dma_wait3A_97 = arith.constant 0 : i32
        %dma_wait3A_98 = tpu.memref_slice %arg10[%dma_wait3A_96, %dma_wait3A_97] : memref<10112x128xf32, #tpu.memory_space<vmem_shared>> -> memref<10112x128xf32, #tpu.memory_space<vmem_shared>>
        tpu.wait_indirect_dma semaphore(%run_scoped3A_86 : memref<!tpu.dma_semaphore, #tpu.memory_space<semaphore_mem>>) src(%arg9 : memref<128x128xf32, #tpu.memory_space<vmem>>) dst(%dma_wait3A_98 : memref<10112x128xf32, #tpu.memory_space<vmem_shared>>)
        tpu.yield
      }) : () -> ()
    }
    %barrier3A_44 = arith.constant 0 : index
    tpu.barrier barrier_id(%barrier3A_44)
    %mul3A_45 = arith.constant 632 : i32
    %mul3A_46 = arith.muli %arg1, %mul3A_45 : i32
    %mul3A_47 = arith.constant 632 : i32
    %mul3A_48 = arith.muli %arg1, %mul3A_47 : i32
    "tpu.region"() ({
      %run_scoped3A = tpu.sem_alloc : memref<!tpu.dma_semaphore, #tpu.memory_space<semaphore_mem>>
      %dma_start3A = arith.constant 0 : i32
      %dma_start3A_49 = tpu.memref_slice %arg5[%arg0, %mul3A_48, %dma_start3A] : memref<2x10112x128xf32, #tpu.memory_space<hbm>> -> memref<1x632x128xf32, #tpu.memory_space<hbm>>
      %dma_start3A_50 = tpu.memref_squeeze %dma_start3A_49 : memref<1x632x128xf32, #tpu.memory_space<hbm>> -> memref<632x128xf32, #tpu.memory_space<hbm>>
      %dma_start3A_51 = arith.constant 0 : i32
      %dma_start3A_52 = tpu.memref_slice %arg10[%mul3A_46, %dma_start3A_51] : memref<10112x128xf32, #tpu.memory_space<vmem_shared>> -> memref<632x128xf32, #tpu.memory_space<vmem_shared>>
      tpu.enqueue_dma source(%dma_start3A_52 : memref<632x128xf32, #tpu.memory_space<vmem_shared>>) target(%dma_start3A_50 : memref<632x128xf32, #tpu.memory_space<hbm>>) target_semaphore(%run_scoped3A : memref<!tpu.dma_semaphore, #tpu.memory_space<semaphore_mem>>)
      %dma_wait3A = arith.constant 0 : i32
      %dma_wait3A_53 = tpu.memref_slice %arg5[%arg0, %mul3A_48, %dma_wait3A] : memref<2x10112x128xf32, #tpu.memory_space<hbm>> -> memref<1x632x128xf32, #tpu.memory_space<hbm>>
      %dma_wait3A_54 = tpu.memref_squeeze %dma_wait3A_53 : memref<1x632x128xf32, #tpu.memory_space<hbm>> -> memref<632x128xf32, #tpu.memory_space<hbm>>
      %dma_wait3A_55 = arith.constant 0 : i32
      %dma_wait3A_56 = tpu.memref_slice %arg10[%mul3A_46, %dma_wait3A_55] : memref<10112x128xf32, #tpu.memory_space<vmem_shared>> -> memref<632x128xf32, #tpu.memory_space<vmem_shared>>
      tpu.wait_dma2 semaphore(%run_scoped3A : memref<!tpu.dma_semaphore, #tpu.memory_space<semaphore_mem>>) src(%dma_wait3A_56 : memref<632x128xf32, #tpu.memory_space<vmem_shared>>) dst(%dma_wait3A_54 : memref<632x128xf32, #tpu.memory_space<hbm>>)
      tpu.yield
    }) : () -> ()
    return
  }
}

module attributes {stable_mosaic.version = 14 : i64} {
  func.func @_tc1_body(%arg0: memref<10000x32xf32, #tpu.memory_space<vmem>>, %arg1: memref<10000x128xf32, #tpu.memory_space<vmem>>, %arg2: memref<128x128xf32, #tpu.memory_space<vmem>>, %arg3: memref<10000x128xf32, #tpu.memory_space<vmem>>, %arg4: memref<10000x1xf32, #tpu.memory_space<vmem>>) attributes {dimension_semantics = [], scalar_prefetch = 0 : i64, scratch_operands = 0 : i64, tpu.core_type = #tpu.core_type<tc>} {
    %get3A = arith.constant 0 : index
    %get3A_0 = arith.constant 0 : index
    %get3A_1 = vector.load %arg0[%get3A, %get3A_0] : memref<10000x32xf32, #tpu.memory_space<vmem>>, vector<10000x32xf32>
    %reduce_sum3A = arith.constant dense<0.000000e+00> : vector<10000xf32>
    %reduce_sum3A_2 = vector.multi_reduction <add>, %get3A_1, %reduce_sum3A [1] : vector<10000x32xf32> to vector<10000xf32>
    %broadcast_in_dim3A = vector.shape_cast %reduce_sum3A_2 : vector<10000xf32> to vector<10000x1xf32>
    %add3A = arith.constant 1.000000e+00 : f32
    %add3A_3 = vector.broadcast %add3A : f32 to vector<10000x1xf32>
    %add3A_4 = arith.addf %broadcast_in_dim3A, %add3A_3 : vector<10000x1xf32>
    %sqrt3A = math.sqrt %add3A_4 : vector<10000x1xf32>
    %div3A = arith.constant 1.000000e+00 : f32
    %div3A_5 = vector.broadcast %div3A : f32 to vector<10000x1xf32>
    %div3A_6 = arith.divf %div3A_5, %sqrt3A : vector<10000x1xf32>
    %swap3A = arith.constant 0 : index
    %swap3A_7 = arith.constant 0 : index
    %swap3A_8 = vector.load %arg4[%swap3A, %swap3A_7] : memref<10000x1xf32, #tpu.memory_space<vmem>>, vector<10000x1xf32>
    tpu.vector_store %arg4[%swap3A, %swap3A_7], %div3A_6 {strides = array<i32>} : memref<10000x1xf32, #tpu.memory_space<vmem>>, vector<10000x1xf32>,
    %get3A_9 = arith.constant 0 : index
    %get3A_10 = arith.constant 0 : index
    %get3A_11 = vector.load %arg1[%get3A_9, %get3A_10] : memref<10000x128xf32, #tpu.memory_space<vmem>>, vector<10000x128xf32>
    %mul3A = vector.broadcast %div3A_6 : vector<10000x1xf32> to vector<10000x128xf32>
    %mul3A_12 = arith.mulf %get3A_11, %mul3A : vector<10000x128xf32>
    %get3A_13 = arith.constant 0 : index
    %get3A_14 = arith.constant 0 : index
    %get3A_15 = vector.load %arg2[%get3A_13, %get3A_14] : memref<128x128xf32, #tpu.memory_space<vmem>>, vector<128x128xf32>
    %dot_general3A = arith.constant dense<0.000000e+00> : vector<10000x128xf32>
    %dot_general3A_16 = tpu.matmul %mul3A_12, %get3A_15, %dot_general3A {dimension_numbers = #tpu.dot_dimension_numbers<[1], [0], [0], [1], [0, 0, 1, 1], [], []>, precision = #tpu.contract_precision<fp32>, transpose_lhs_hint = false} : vector<10000x128xf32>, vector<128x128xf32>, vector<10000x128xf32> -> vector<10000x128xf32>
    %swap3A_17 = arith.constant 0 : index
    %swap3A_18 = arith.constant 0 : index
    %swap3A_19 = vector.load %arg3[%swap3A_17, %swap3A_18] : memref<10000x128xf32, #tpu.memory_space<vmem>>, vector<10000x128xf32>
    tpu.vector_store %arg3[%swap3A_17, %swap3A_18], %dot_general3A_16 {strides = array<i32>} : memref<10000x128xf32, #tpu.memory_space<vmem>>, vector<10000x128xf32>,
    return
  }
}

module attributes {stable_mosaic.version = 14 : i64} {
  func.func @_tc2_body(%arg0: memref<2x10112x128xf32, #tpu.memory_space<vmem>>, %arg1: memref<10000x128xf32, #tpu.memory_space<vmem>>, %arg2: memref<10000x1xf32, #tpu.memory_space<vmem>>, %arg3: memref<1x128xf32, #tpu.memory_space<vmem>>, %arg4: memref<128x128xf32, #tpu.memory_space<vmem>>, %arg5: memref<10000x128xf32, #tpu.memory_space<vmem>>) attributes {dimension_semantics = [], scalar_prefetch = 0 : i64, scratch_operands = 0 : i64, tpu.core_type = #tpu.core_type<tc>} {
    %get3A = arith.constant 0 : index
    %get3A_0 = arith.constant 0 : index
    %get3A_1 = arith.constant 0 : index
    %get3A_2 = vector.load %arg0[%get3A, %get3A_0, %get3A_1] : memref<2x10112x128xf32, #tpu.memory_space<vmem>>, vector<1x10000x128xf32>
    %get3A_3 = vector.shape_cast %get3A_2 : vector<1x10000x128xf32> to vector<10000x128xf32>
    %get3A_4 = arith.constant 1 : index
    %get3A_5 = arith.constant 0 : index
    %get3A_6 = arith.constant 0 : index
    %get3A_7 = vector.load %arg0[%get3A_4, %get3A_5, %get3A_6] : memref<2x10112x128xf32, #tpu.memory_space<vmem>>, vector<1x10000x128xf32>
    %get3A_8 = vector.shape_cast %get3A_7 : vector<1x10000x128xf32> to vector<10000x128xf32>
    %add3A = arith.addf %get3A_3, %get3A_8 : vector<10000x128xf32>
    %get3A_9 = arith.constant 0 : index
    %get3A_10 = arith.constant 0 : index
    %get3A_11 = vector.load %arg1[%get3A_9, %get3A_10] : memref<10000x128xf32, #tpu.memory_space<vmem>>, vector<10000x128xf32>
    %add3A_12 = arith.addf %add3A, %get3A_11 : vector<10000x128xf32>
    %get3A_13 = arith.constant 0 : index
    %get3A_14 = arith.constant 0 : index
    %get3A_15 = vector.load %arg2[%get3A_13, %get3A_14] : memref<10000x1xf32, #tpu.memory_space<vmem>>, vector<10000x1xf32>
    %mul3A = vector.broadcast %get3A_15 : vector<10000x1xf32> to vector<10000x128xf32>
    %mul3A_16 = arith.mulf %mul3A, %add3A_12 : vector<10000x128xf32>
    %get3A_17 = arith.constant 0 : index
    %get3A_18 = arith.constant 0 : index
    %get3A_19 = vector.load %arg3[%get3A_17, %get3A_18] : memref<1x128xf32, #tpu.memory_space<vmem>>, vector<1x128xf32>
    %add3A_20 = vector.broadcast %get3A_19 : vector<1x128xf32> to vector<10000x128xf32>
    %add3A_21 = arith.addf %mul3A_16, %add3A_20 : vector<10000x128xf32>
    %max3A = arith.constant 0.000000e+00 : f32
    %max3A_22 = vector.broadcast %max3A : f32 to vector<10000x128xf32>
    %max3A_23 = arith.maximumf %add3A_21, %max3A_22 : vector<10000x128xf32>
    %get3A_24 = arith.constant 0 : index
    %get3A_25 = arith.constant 0 : index
    %get3A_26 = vector.load %arg2[%get3A_24, %get3A_25] : memref<10000x1xf32, #tpu.memory_space<vmem>>, vector<10000x1xf32>
    %mul3A_27 = vector.broadcast %get3A_26 : vector<10000x1xf32> to vector<10000x128xf32>
    %mul3A_28 = arith.mulf %max3A_23, %mul3A_27 : vector<10000x128xf32>
    %get3A_29 = arith.constant 0 : index
    %get3A_30 = arith.constant 0 : index
    %get3A_31 = vector.load %arg4[%get3A_29, %get3A_30] : memref<128x128xf32, #tpu.memory_space<vmem>>, vector<128x128xf32>
    %dot_general3A = arith.constant dense<0.000000e+00> : vector<10000x128xf32>
    %dot_general3A_32 = tpu.matmul %mul3A_28, %get3A_31, %dot_general3A {dimension_numbers = #tpu.dot_dimension_numbers<[1], [0], [0], [1], [0, 0, 1, 1], [], []>, precision = #tpu.contract_precision<fp32>, transpose_lhs_hint = false} : vector<10000x128xf32>, vector<128x128xf32>, vector<10000x128xf32> -> vector<10000x128xf32>
    %swap3A = arith.constant 0 : index
    %swap3A_33 = arith.constant 0 : index
    %swap3A_34 = vector.load %arg5[%swap3A, %swap3A_33] : memref<10000x128xf32, #tpu.memory_space<vmem>>, vector<10000x128xf32>
    tpu.vector_store %arg5[%swap3A, %swap3A_33], %dot_general3A_32 {strides = array<i32>} : memref<10000x128xf32, #tpu.memory_space<vmem>>, vector<10000x128xf32>,
    return
  }
}

module attributes {stable_mosaic.version = 14 : i64} {
  func.func @_tc3_body(%arg0: memref<2x10112x128xf32, #tpu.memory_space<vmem>>, %arg1: memref<10000x128xf32, #tpu.memory_space<vmem>>, %arg2: memref<10000x1xf32, #tpu.memory_space<vmem>>, %arg3: memref<1x128xf32, #tpu.memory_space<vmem>>, %arg4: memref<1x10000xi32, #tpu.memory_space<vmem>>, %arg5: memref<64x64xf32, #tpu.memory_space<vmem>>, %arg6: memref<128x64xf32, #tpu.memory_space<vmem>>, %arg7: memref<1x64xf32, #tpu.memory_space<vmem>>, %arg8: memref<128x64xf32, #tpu.memory_space<vmem>>, %arg9: memref<1x64xf32, #tpu.memory_space<vmem>>, %arg10: memref<64x128xf32, #tpu.memory_space<vmem>>, %arg11: memref<1x128xf32, #tpu.memory_space<vmem>>, %arg12: memref<128x128xf32, #tpu.memory_space<vmem>>, %arg13: memref<1x128xf32, #tpu.memory_space<vmem>>, %arg14: memref<64x128xf32, #tpu.memory_space<vmem>>, %arg15: memref<64x64xf32, #tpu.memory_space<vmem>>, %arg16: memref<64x64xf32, #tpu.memory_space<vmem>>) attributes {dimension_semantics = [], scalar_prefetch = 0 : i64, scratch_operands = 0 : i64, tpu.core_type = #tpu.core_type<tc>} {
    %get3A = arith.constant 0 : index
    %get3A_0 = arith.constant 0 : index
    %get3A_1 = arith.constant 0 : index
    %get3A_2 = vector.load %arg0[%get3A, %get3A_0, %get3A_1] : memref<2x10112x128xf32, #tpu.memory_space<vmem>>, vector<1x10000x128xf32>
    %get3A_3 = vector.shape_cast %get3A_2 : vector<1x10000x128xf32> to vector<10000x128xf32>
    %get3A_4 = arith.constant 1 : index
    %get3A_5 = arith.constant 0 : index
    %get3A_6 = arith.constant 0 : index
    %get3A_7 = vector.load %arg0[%get3A_4, %get3A_5, %get3A_6] : memref<2x10112x128xf32, #tpu.memory_space<vmem>>, vector<1x10000x128xf32>
    %get3A_8 = vector.shape_cast %get3A_7 : vector<1x10000x128xf32> to vector<10000x128xf32>
    %add3A = arith.addf %get3A_3, %get3A_8 : vector<10000x128xf32>
    %get3A_9 = arith.constant 0 : index
    %get3A_10 = arith.constant 0 : index
    %get3A_11 = vector.load %arg1[%get3A_9, %get3A_10] : memref<10000x128xf32, #tpu.memory_space<vmem>>, vector<10000x128xf32>
    %add3A_12 = arith.addf %add3A, %get3A_11 : vector<10000x128xf32>
    %get3A_13 = arith.constant 0 : index
    %get3A_14 = arith.constant 0 : index
    %get3A_15 = vector.load %arg2[%get3A_13, %get3A_14] : memref<10000x1xf32, #tpu.memory_space<vmem>>, vector<10000x1xf32>
    %mul3A = vector.broadcast %get3A_15 : vector<10000x1xf32> to vector<10000x128xf32>
    %mul3A_16 = arith.mulf %mul3A, %add3A_12 : vector<10000x128xf32>
    %get3A_17 = arith.constant 0 : index
    %get3A_18 = arith.constant 0 : index
    %get3A_19 = vector.load %arg3[%get3A_17, %get3A_18] : memref<1x128xf32, #tpu.memory_space<vmem>>, vector<1x128xf32>
    %add3A_20 = vector.broadcast %get3A_19 : vector<1x128xf32> to vector<10000x128xf32>
    %add3A_21 = arith.addf %mul3A_16, %add3A_20 : vector<10000x128xf32>
    %max3A = arith.constant 0.000000e+00 : f32
    %max3A_22 = vector.broadcast %max3A : f32 to vector<10000x128xf32>
    %max3A_23 = arith.maximumf %add3A_21, %max3A_22 : vector<10000x128xf32>
    %get3A_24 = arith.constant 0 : index
    %get3A_25 = arith.constant 0 : index
    %get3A_26 = vector.load %arg4[%get3A_24, %get3A_25] : memref<1x10000xi32, #tpu.memory_space<vmem>>, vector<1x10000xi32>
    %iota3A = tpu.iota {dimensions = array<i32: 0>} : vector<64x10000xi32>
    %eq3A = vector.broadcast %get3A_26 : vector<1x10000xi32> to vector<64x10000xi32>
    %eq3A_27 = arith.cmpi eq, %eq3A, %iota3A : vector<64x10000xi32>
    %convert_element_type3A = arith.extui %eq3A_27 : vector<64x10000xi1> to vector<64x10000xi32>
    %convert_element_type3A_28 = arith.sitofp %convert_element_type3A : vector<64x10000xi32> to vector<64x10000xf32>
    %dot_general3A = arith.constant dense<0.000000e+00> : vector<64x128xf32>
    %dot_general3A_29 = tpu.matmul %convert_element_type3A_28, %max3A_23, %dot_general3A {dimension_numbers = #tpu.dot_dimension_numbers<[1], [0], [0], [1], [0, 0, 1, 1], [], []>, precision = #tpu.contract_precision<fp32>, transpose_lhs_hint = false} : vector<64x10000xf32>, vector<10000x128xf32>, vector<64x128xf32> -> vector<64x128xf32>
    %reduce_sum3A = arith.constant dense<0.000000e+00> : vector<64xf32>
    %reduce_sum3A_30 = vector.multi_reduction <add>, %convert_element_type3A_28, %reduce_sum3A [1] : vector<64x10000xf32> to vector<64xf32>
    %broadcast_in_dim3A = vector.shape_cast %reduce_sum3A_30 : vector<64xf32> to vector<64x1xf32>
    %max3A_31 = arith.constant 1.000000e+00 : f32
    %max3A_32 = vector.broadcast %max3A_31 : f32 to vector<64x1xf32>
    %max3A_33 = arith.maximumf %broadcast_in_dim3A, %max3A_32 : vector<64x1xf32>
    %div3A = vector.broadcast %max3A_33 : vector<64x1xf32> to vector<64x128xf32>
    %div3A_34 = arith.divf %dot_general3A_29, %div3A : vector<64x128xf32>
    %get3A_35 = arith.constant 0 : index
    %get3A_36 = arith.constant 0 : index
    %get3A_37 = vector.load %arg6[%get3A_35, %get3A_36] : memref<128x64xf32, #tpu.memory_space<vmem>>, vector<128x64xf32>
    %dot_general3A_38 = arith.constant dense<0.000000e+00> : vector<64x64xf32>
    %dot_general3A_39 = tpu.matmul %div3A_34, %get3A_37, %dot_general3A_38 {dimension_numbers = #tpu.dot_dimension_numbers<[1], [0], [0], [1], [0, 0, 1, 1], [], []>, precision = #tpu.contract_precision<fp32>, transpose_lhs_hint = false} : vector<64x128xf32>, vector<128x64xf32>, vector<64x64xf32> -> vector<64x64xf32>
    %get3A_40 = arith.constant 0 : index
    %get3A_41 = arith.constant 0 : index
    %get3A_42 = vector.load %arg7[%get3A_40, %get3A_41] : memref<1x64xf32, #tpu.memory_space<vmem>>, vector<1x64xf32>
    %add3A_43 = vector.broadcast %get3A_42 : vector<1x64xf32> to vector<64x64xf32>
    %add3A_44 = arith.addf %dot_general3A_39, %add3A_43 : vector<64x64xf32>
    %get3A_45 = arith.constant 0 : index
    %get3A_46 = arith.constant 0 : index
    %get3A_47 = vector.load %arg8[%get3A_45, %get3A_46] : memref<128x64xf32, #tpu.memory_space<vmem>>, vector<128x64xf32>
    %dot_general3A_48 = arith.constant dense<0.000000e+00> : vector<64x64xf32>
    %dot_general3A_49 = tpu.matmul %div3A_34, %get3A_47, %dot_general3A_48 {dimension_numbers = #tpu.dot_dimension_numbers<[1], [0], [0], [1], [0, 0, 1, 1], [], []>, precision = #tpu.contract_precision<fp32>, transpose_lhs_hint = false} : vector<64x128xf32>, vector<128x64xf32>, vector<64x64xf32> -> vector<64x64xf32>
    %get3A_50 = arith.constant 0 : index
    %get3A_51 = arith.constant 0 : index
    %get3A_52 = vector.load %arg9[%get3A_50, %get3A_51] : memref<1x64xf32, #tpu.memory_space<vmem>>, vector<1x64xf32>
    %add3A_53 = vector.broadcast %get3A_52 : vector<1x64xf32> to vector<64x64xf32>
    %add3A_54 = arith.addf %dot_general3A_49, %add3A_53 : vector<64x64xf32>
    %mul3A_55 = arith.constant 5.000000e-01 : f32
    %mul3A_56 = vector.broadcast %mul3A_55 : f32 to vector<64x64xf32>
    %mul3A_57 = arith.mulf %mul3A_56, %add3A_54 : vector<64x64xf32>
    %exp3A = math.exp %mul3A_57 : vector<64x64xf32>
    %get3A_58 = arith.constant 0 : index
    %get3A_59 = arith.constant 0 : index
    %get3A_60 = vector.load %arg5[%get3A_58, %get3A_59] : memref<64x64xf32, #tpu.memory_space<vmem>>, vector<64x64xf32>
    %mul3A_61 = arith.mulf %get3A_60, %exp3A : vector<64x64xf32>
    %add3A_62 = arith.addf %add3A_44, %mul3A_61 : vector<64x64xf32>
    %get3A_63 = arith.constant 0 : index
    %get3A_64 = arith.constant 0 : index
    %get3A_65 = vector.load %arg10[%get3A_63, %get3A_64] : memref<64x128xf32, #tpu.memory_space<vmem>>, vector<64x128xf32>
    %dot_general3A_66 = arith.constant dense<0.000000e+00> : vector<64x128xf32>
    %dot_general3A_67 = tpu.matmul %add3A_62, %get3A_65, %dot_general3A_66 {dimension_numbers = #tpu.dot_dimension_numbers<[1], [0], [0], [1], [0, 0, 1, 1], [], []>, precision = #tpu.contract_precision<fp32>, transpose_lhs_hint = false} : vector<64x64xf32>, vector<64x128xf32>, vector<64x128xf32> -> vector<64x128xf32>
    %get3A_68 = arith.constant 0 : index
    %get3A_69 = arith.constant 0 : index
    %get3A_70 = vector.load %arg11[%get3A_68, %get3A_69] : memref<1x128xf32, #tpu.memory_space<vmem>>, vector<1x128xf32>
    %add3A_71 = vector.broadcast %get3A_70 : vector<1x128xf32> to vector<64x128xf32>
    %add3A_72 = arith.addf %dot_general3A_67, %add3A_71 : vector<64x128xf32>
    %max3A_73 = arith.constant 0.000000e+00 : f32
    %max3A_74 = vector.broadcast %max3A_73 : f32 to vector<64x128xf32>
    %max3A_75 = arith.maximumf %add3A_72, %max3A_74 : vector<64x128xf32>
    %get3A_76 = arith.constant 0 : index
    %get3A_77 = arith.constant 0 : index
    %get3A_78 = vector.load %arg12[%get3A_76, %get3A_77] : memref<128x128xf32, #tpu.memory_space<vmem>>, vector<128x128xf32>
    %dot_general3A_79 = arith.constant dense<0.000000e+00> : vector<64x128xf32>
    %dot_general3A_80 = tpu.matmul %max3A_75, %get3A_78, %dot_general3A_79 {dimension_numbers = #tpu.dot_dimension_numbers<[1], [0], [0], [1], [0, 0, 1, 1], [], []>, precision = #tpu.contract_precision<fp32>, transpose_lhs_hint = false} : vector<64x128xf32>, vector<128x128xf32>, vector<64x128xf32> -> vector<64x128xf32>
    %get3A_81 = arith.constant 0 : index
    %get3A_82 = arith.constant 0 : index
    %get3A_83 = vector.load %arg13[%get3A_81, %get3A_82] : memref<1x128xf32, #tpu.memory_space<vmem>>, vector<1x128xf32>
    %add3A_84 = vector.broadcast %get3A_83 : vector<1x128xf32> to vector<64x128xf32>
    %add3A_85 = arith.addf %dot_general3A_80, %add3A_84 : vector<64x128xf32>
    %swap3A = arith.constant 0 : index
    %swap3A_86 = arith.constant 0 : index
    %swap3A_87 = vector.load %arg14[%swap3A, %swap3A_86] : memref<64x128xf32, #tpu.memory_space<vmem>>, vector<64x128xf32>
    tpu.vector_store %arg14[%swap3A, %swap3A_86], %add3A_85 {strides = array<i32>} : memref<64x128xf32, #tpu.memory_space<vmem>>, vector<64x128xf32>,
    %swap3A_88 = arith.constant 0 : index
    %swap3A_89 = arith.constant 0 : index
    %swap3A_90 = vector.load %arg15[%swap3A_88, %swap3A_89] : memref<64x64xf32, #tpu.memory_space<vmem>>, vector<64x64xf32>
    tpu.vector_store %arg15[%swap3A_88, %swap3A_89], %add3A_44 {strides = array<i32>} : memref<64x64xf32, #tpu.memory_space<vmem>>, vector<64x64xf32>,
    %swap3A_91 = arith.constant 0 : index
    %swap3A_92 = arith.constant 0 : index
    %swap3A_93 = vector.load %arg16[%swap3A_91, %swap3A_92] : memref<64x64xf32, #tpu.memory_space<vmem>>, vector<64x64xf32>
    tpu.vector_store %arg16[%swap3A_91, %swap3A_92], %add3A_54 {strides = array<i32>} : memref<64x64xf32, #tpu.memory_space<vmem>>, vector<64x64xf32>,
    return
  }
}

</mosaic_0001>

<sc_bundles>
// kernel: kernel.11.cloned.1.call-start
scs
__scs_entry_jumppad:
0x0: {  	(pc) =	sbr.rel $0x88, $3  }
0x1: {  	(tag) =	ssettag $0x0;
	lr =	simm.s32 $0x1  }
0x2: {  	[smem:$0x3F91] =	sst lr;
	_ =	strace $0xD0000000  }
0x3: {  	_ = 	snop  }
0x4: {  	_ = 	snop  }
0x5: {  	_ = 	snop  }
0x6: {  	_ = 	snop  }
0x7: {  	_ = 	snop  }
__scs_overlays_trampoline_lowered:
0x8: {  	[smem:$0x3FA0] =	sst s0  }
0x9: {  	[smem:$0x3FA1] =	sst s1  }
0xa: {  	[smem:$0x3FA2] =	sst s2  }
0xb: {  	[smem:$0x3FA3] =	sst s3  }
0xc: {  	[smem:$0x3FA4] =	sst s4  }
0xd: {  	[smem:$0x3FA5] =	sst s5  }
0xe: {  	[smem:$0x3FA6] =	sst s6  }
0xf: {  	[smem:$0x3FA7] =	sst s7  }
0x10: {  	[smem:$0x3FA8] =	sst s8  }
0x11: {  	[smem:$0x3FA9] =	sst s9;
	s0 =	simm.s32 @!p0 $0x0  }
0x12: {  	s1 =	sld [smem:$0x3F8F];
	s0 =	simm.s32 @p0 $0x1  }
0x13: {  	[smem:$0x3FAA] =	sst s0;
	s0 =	simm.s32 @!p1 $0x0  }
0x14: {  	s2 =	sld [smem:$0x3F8E];
	s0 =	simm.s32 @p1 $0x1  }
0x15: {  	[smem:$0x3FAB] =	sst s0;
	s0 =	simm.s32 @!p2 $0x0  }
0x16: {  	s3 =	sld [smem:$0x3FDB];
	s0 =	simm.s32 @p2 $0x1  }
0x17: {  	s4 =	simm.s32 $0x1BF5;
	[smem:$0x3FAD] =	sst s0  }
0x18: {  	s0 =	sld [smem:$0x3F90];
	_ =	swait.ge [sflag:s4], $0x0  }
0x19: {  	s7 =	sld [smem:$0x3F91]  }
0x1a: {  	s8 =	sadd.s32 $0xFFFFE003, lr  }
0x1b: {  	s9 =	sadd.s32 $0xFFFFFEF7, lr;
	s5 =	simm.s32 $0xFFFFFFFF;
	p2 =	slt.u32 s8, $0xFFFFF086  }
0x1c: {  	p1 =	slt.u32 s9, $0xF7A;
	s5 =	simm.s32 @!p2 $0x0  }
0x1d: {  	s5 =	simm.s32 @p1 $0x1;
	p0 =	seq.s32 s7, s2  }
0x1e: {  	s7 =	smul.u32 @!p0 $0xF7A, s2;
	p2 =	seq.s32 @!p0 s5, $0x0  }
0x1f: {  	s9 =	smul.u32 $0xF7A, s1;
	s8 =	simm.s32 @!p0 $0x1BF5;
	p2 =	por !p2, p0  }
0x20: {  	[sflag:s8] =	ssyncset.s32 @!p0 $0xFFFFF086;
	s6 =	sadd.s32 @!p0 s3, s7;
	s7 =	simm.s32 @!p0 $0x108  }
0x21: {  	s3 =	sadd.s32 s3, s9;
	s6 =	sadd.s32 @!p0 $0x88, s6;
	s7 =	simm.s32 @p2 $0x1082  }
0x22: {  	[simem:s7], [sflag:s8] =	dma.local @!p0 [hbm:s6], $0xF7A  }
0x23: {  	s9 =	sor.u32 $0xD0000000, s2;
	s6 =	simm.s32 $0x108;
	_ =	swait.ge @!p0 [sflag:s8], $0x0  }
0x24: {  	s3 =	sadd.s32 $0x88, s3;
	s6 =	simm.s32 @!p1 $0x1082;
	[sflag:s4] =	ssyncset.s32 $0xFFFFF086  }
0x25: {  	[simem:s6], [sflag:s4] =	dma.local [hbm:s3], $0xF7A  }
0x26: {  	[smem:$0x3F91] =	sst s1;
	(tag) =	ssettag s2;
	_ =	strace s9  }
0x27: {  	s1 =	sld [smem:$0x3FA1]  }
0x28: {  	s2 =	sld [smem:$0x3FA2]  }
0x29: {  	s4 =	sld [smem:$0x3FA4]  }
0x2a: {  	p0 =	seq.s32 s5, $0x0;
	s5 =	sld [smem:$0x3FA5]  }
0x2b: {  	s6 =	sld [smem:$0x3FA6]  }
0x2c: {  	s7 =	sld [smem:$0x3FA7]  }
0x2d: {  	s3 =	simm.s32 $0x108;
	s8 =	sld [smem:$0x3FA8]  }
0x2e: {  	s3 =	simm.s32 @!p0 $0x1082;
	s9 =	sld [smem:$0x3FA9]  }
0x2f: {  	lr =	sadd.s32 s0, s3;
	s0 =	sld [smem:$0x3FA0]  }
0x30: {  	s3 =	sld [smem:$0x3FA3]  }
0x31: {  	[smem:$0x3FAC] =	sst s10  }
0x32: {  	s10 =	sld [smem:$0x3FAA];
	_ =	sdelay $0x3  }
0x33: {  	p0 =	seq.s32 s10, $0x1;
	s10 =	sld [smem:$0x3FAC];
	_ =	sdelay $0x3  }
0x34: {  	[smem:$0x3FAC] =	sst s10  }
0x35: {  	s10 =	sld [smem:$0x3FAB];
	_ =	sdelay $0x3  }
0x36: {  	p1 =	seq.s32 s10, $0x1;
	s10 =	sld [smem:$0x3FAC];
	_ =	sdelay $0x3  }
0x37: {  	[smem:$0x3FAC] =	sst s10  }
0x38: {  	s10 =	sld [smem:$0x3FAD]  }
0x39: {  	_ = 	snop;
	(pc) =	sbr.ind lr, $3  }
0x3a: {  	_ = 	snop  }
0x3b: {  	_ = 	snop  }
0x3c: {  	p2 =	seq.s32 s10, $0x1;
	s10 =	sld [smem:$0x3FAC]  }
0x3d: {  	_ =	shalt  }
0x3e: {  	_ =	shalt  }
0x3f: {  	_ =	shalt  }
0x40: {  	_ =	shalt  }
0x41: {  	_ =	shalt  }
0x42: {  	_ =	shalt  }
0x43: {  	_ =	shalt  }
0x44: {  	_ =	shalt  }
0x45: {  	_ =	shalt  }
0x46: {  	_ =	shalt  }
0x47: {  	_ =	shalt  }
0x48: {  	_ =	shalt  }
0x49: {  	_ =	shalt  }
0x4a: {  	_ =	shalt  }
0x4b: {  	_ =	shalt  }
0x4c: {  	_ =	shalt  }
0x4d: {  	_ =	shalt  }
0x4e: {  	_ =	shalt  }
0x4f: {  	_ =	shalt  }
0x50: {  	_ =	shalt  }
0x51: {  	_ =	shalt  }
0x52: {  	_ =	shalt  }
0x53: {  	_ =	shalt  }
0x54: {  	_ =	shalt  }
0x55: {  	_ =	shalt  }
0x56: {  	_ =	shalt  }
0x57: {  	_ =	shalt  }
0x58: {  	_ =	shalt  }
0x59: {  	_ =	shalt  }
0x5a: {  	_ =	shalt  }
0x5b: {  	_ =	shalt  }
0x5c: {  	_ =	shalt  }
0x5d: {  	_ =	shalt  }
0x5e: {  	_ =	shalt  }
0x5f: {  	_ =	shalt  }
0x60: {  	_ =	shalt  }
0x61: {  	_ =	shalt  }
0x62: {  	_ =	shalt  }
0x63: {  	_ =	shalt  }
0x64: {  	_ =	shalt  }
0x65: {  	_ =	shalt  }
0x66: {  	_ =	shalt  }
0x67: {  	_ =	shalt  }
0x68: {  	_ =	shalt  }
0x69: {  	_ =	shalt  }
0x6a: {  	_ =	shalt  }
0x6b: {  	_ =	shalt  }
0x6c: {  	_ =	shalt  }
0x6d: {  	_ =	shalt  }
0x6e: {  	_ =	shalt  }
0x6f: {  	_ =	shalt  }
0x70: {  	_ =	shalt  }
0x71: {  	_ =	shalt  }
0x72: {  	_ =	shalt  }
0x73: {  	_ =	shalt  }
0x74: {  	_ =	shalt  }
0x75: {  	_ =	shalt  }
0x76: {  	_ =	shalt  }
0x77: {  	_ =	shalt  }
0x78: {  	_ =	shalt  }
0x79: {  	_ =	shalt  }
0x7a: {  	_ =	shalt  }
0x7b: {  	_ =	shalt  }
0x7c: {  	_ =	shalt  }
0x7d: {  	_ =	shalt  }
0x7e: {  	_ =	shalt  }
0x7f: {  	_ =	shalt  }
0x80: {  	_ =	shalt  }
0x81: {  	_ =	shalt  }
0x82: {  	_ =	shalt  }
0x83: {  	_ =	shalt  }
0x84: {  	_ =	shalt  }
0x85: {  	_ =	shalt  }
0x86: {  	_ =	shalt  }
0x87: {  	_ =	shalt  }
.Lfunc_end0:
.L_simem_size_0:
called_computation.1_lowered:
.L_overlay_start_0:
0x88: {  	s2 =	sld [smem:$0x3FD9]  }
0x89: {  	s3 =	sld [smem:$0x3FFE];
	_ =	sdelay $0x1  }
0x8a: {  	s1 =	srdreg.scid  }
0x8b: {  	s0 =	sand.u32 $0x1, s1  }
0x8c: {  	s16 =	sshll.u32 s0, $0xA;
	s2 =	sadd.s32 s3, s2  }
0x8d: {  	s2 =	sadd.s32 s2, s16  }
0x8e: {  	[smem:$0x3FB8] =	sst s2  }
0x8f: {  	_ = 	snop  }
0x90: {  	(tm) =	ssettm $0x1  }
0x91: {  	s17 =	sld [smem:$0x3FFB];
	_ =	sdelay $0x3  }
0x92: {  	_ =	strace s17  }
0x93: {  	s2 =	sld [smem:$0x3FFC];
	_ =	sdelay $0x3  }
0x94: {  	_ =	strace s2  }
0x95: {  	s2 =	sld [smem:$0x3FFD];
	_ =	sdelay $0x3  }
0x96: {  	_ =	strace s2  }
0x97: {  	_ =	strace $0x8FFFFFFF  }
0x98: {  	s18 =	sld [smem:$0x3FDB];
	_ =	sdelay $0x1  }
0x99: {  	s19 =	simm.s32 $_scs_section_size  }
0x9a: {  	s4 =	simm.s32 $_size__tile_overlayer_lowered;
	s5 =	simm.s32 $_tile_overlayer_lowered  }
0x9b: {  	s22 =	simm.s32 $0x1BFF;
	s21 =	sshll.u32 s5, $0x1;
	s2 =	sadd.s32 s19, s18  }
0x9c: {  	s6 =	simm.s32 $0x0;
	s20 =	sshll.u32 s4, $0x1;
	s4 =	sadd.s32 s21, s2  }
0x9d: {  	[timem:s6], [sflag:s22] =	dma.local [hbm:s4], s20  }
0x9e: {  	_ =	swait.ge [sflag:s22], s20  }
0x9f: {  	s3 =	ssub.s32 $0x0, s20;
	[sflag:s22] =	ssyncset.done $0x0  }
0xa0: {  	[sflag:s22] =	ssyncadd.s32 s3;
	_ =	sdelay $0x1  }
0xa1: {  	s23 =	simm.s32 $0x1B8B  }
0xa2: {  	_ =	swait.ge [sflag:s23], $0x1  }
0xa3: {  	[sflag:s23] =	ssyncset.done $0x0  }
0xa4: {  	s25 =	simm.s32 $0x1B8E;
	s24 =	sld [smem:$0x3FFE];
	[sflag:s23] =	ssyncadd.s32 $0xFFFFFFFF  }
0xa5: {  	s26 =	simm.s32 $execute0_lowered;
	[smem:$0x3FD2] =	sst s25  }
0xa6: {  	s4 =	sshll.u32 s26, $0x1;
	_ =	strace $0x80000049;
	[dreg:$0x1] =	wrdreg $0xFFFFFFFF  }
0xa7: {  	s28 =	simm.s32 $_size_execute0_lowered;
	s2 =	sadd.s32 s2, s4;
	[dreg:$0x0] =	wrdreg $0x0  }
0xa8: {  	s4 =	sshll.u32 s28, $0x1;
	[dreg:$0x2] =	wrdreg s2  }
0xa9: {  	[dreg:$0x3] =	wrdreg s4  }
0xaa: {  	[dreg:$0x4] =	wrdreg $0xC0  }
0xab: {  	_ =	task [dreg:s6], $0x5FFFF  }
0xac: {  	[dreg:$0x1] =	wrdreg $0xFFFFFFFF  }
0xad: {  	[dreg:$0x0] =	wrdreg $0x60  }
0xae: {  	[dreg:$0x2] =	wrdreg s24  }
0xaf: {  	[dreg:$0x3] =	wrdreg $0x90000  }
0xb0: {  	[dreg:$0x4] =	wrdreg $0x9  }
0xb1: {  	_ =	task.clear_ibuf [dreg:s6], $0x5FFFF;
	_ =	strace $0x90000049  }
0xb2: {  	s29 =	simm.s32 $0x9;
	_ =	strace $0x8000004B  }
0xb3: {  	_ =	swait.ge [sflag:s29], $0x1  }
0xb4: {  	[sflag:s29] =	ssyncadd.s32 $0xFFFFFFFF  }
0xb5: {  	_ =	strace $0x9000004B  }
0xb6: {  	_ =	sfence  }
0xb7: {  	s30 =	sld [smem:$0x0];
	_ =	sdelay $0x2  }
0xb8: {  	s31 =	sshll.u32 s1, $0xD;
	s1 =	sshrl.u32 s1, $0x2  }
0xb9: {  	s3 =	sand.u32 $0x4000, s31;
	s1 =	sadd.s32 s1, s30  }
0xba: {  	s0 =	sor.u32 s3, s0;
	s1 =	sshll.u32 s1, $0x11  }
0xbb: {  	s0 =	sor.u32 s1, s0  }
0xbc: {  	s0 =	sadd.s32 $0x8F2B, s0  }
0xbd: {  	[sflag:s0] =	ssyncadd.remote.s32 $0x1  }
0xbe: {  	_ =	sfence.sel $0xFFFF  }
0xbf: {  	[dreg:$0x0] =	wrdreg $0xFFFFFFFF;
	(pc) =	sbr.abs _section_cstart, $3  }
0xc0: {  	[dreg:$0x1] =	wrdreg $0xFFFFFFFF  }
0xc1: {  	_ =	task.clear_ibuf [dreg:s6], $0x2FFFF;
	_ =	strace $0x9FFFFFFF  }
0xc2: {  	(tm) =	ssettm $0x7FFFFFFF  }
0xc3: {  	_ =	shalt  }
tec
execute0_lowered:
.L_overlay_start_1:
0x0: {  	(tag) =	ssettag $0x1  }
0x1: {  	s0 =	rddreg [dreg:$0x0];
	s1 =	srdreg.scid  }
0x2: {  	s2 =	rddreg [dreg:$0x1];
	s8 =	stileid.u32  }
0x3: {  	s10 =	simm.s32 $0x100;
	s12 =	simm.s32 $0x880;
	s13 =	simm.s32 $0x180  }
0x4: {  	s14 =	simm.s32 $0x900;
	s15 =	simm.s32 $0x200;
	s16 =	simm.s32 $0x980  }
0x5: {  	s18 =	simm.s32 $0x280;
	s20 =	simm.s32 $0xA00;
	s3 =	sshll.u32 s8, $0x1  }
0x6: {  	s21 =	simm.s32 $0x300;
	s5 =	sor.u32 $0x80, s3;
	s3 =	simm.s32 $0x0  }
0x7: {  	s22 =	simm.s32 $0xA80;
	s23 =	simm.s32 $0x380;
	[smem:$0x7FF] =	sst s3  }
0x8: {  	s28 =	simm.s32 $0xD00;
	_ =	strace $0x8000004A;
	[dreg:$0x3] =	wrdreg s10  }
0x9: {  	s29 =	simm.s32 $0x600;
	s30 =	simm.s32 $0xD80;
	[dreg:$0x4] =	wrdreg s12  }
0xa: {  	s31 =	simm.s32 $0x680;
	s1 =	sand.u32 $0x1, s1;
	[dreg:$0x5] =	wrdreg s13  }
0xb: {  	s4 =	sshll.u32 s8, $0x3;
	s7 =	smul.u32 $0x13C00, s8;
	[dreg:$0x6] =	wrdreg s14  }
0xc: {  	s8 =	smul.u32 $0x4F000, s8;
	p0 =	seq.s32 s1, $0x0;
	[dreg:$0x7] =	wrdreg s15  }
0xd: {  	s6 =	smul.u32 $0x13C000, s1;
	s1 =	ssub.s32 $0x2, s1;
	[dreg:$0x8] =	wrdreg s16  }
0xe: {  	s5 =	smov.u32 @p0 s4;
	s4 =	sadd.s32 $0x16E00, s0;
	[dreg:$0x9] =	wrdreg s18  }
0xf: {  	s25 =	sshrl.u32 s8, $0x2;
	s26 =	sshrl.u32 s1, $0x1;
	[dreg:$0xa] =	wrdreg s20  }
0x10: {  	s5 =	sshll.u32 s5, $0x8;
	s24 =	sadd.s32 s7, s6;
	[dreg:$0xb] =	wrdreg s21  }
0x11: {  	s1 =	ssub.s32 s1, s26;
	s15 =	simm.s32 $0x1000;
	[dreg:$0xc] =	wrdreg s22  }
0x12: {  	s16 =	simm.s32 $0x3;
	s18 =	simm.s32 $0x80;
	[dreg:$0xd] =	wrdreg s23  }
0x13: {  	s20 =	simm.s32 $0x1;
	s26 =	simm.s32 $0xB80;
	s21 =	simm.s32 $0x2  }
0x14: {  	s22 =	simm.s32 $0x480;
	s23 =	simm.s32 $0xC00;
	s9 =	sadd.s32 s5, s0  }
0x15: {  	s7 =	sshrl.u32 s24, $0x3;
	s1 =	smax.u32 s1, $0x1;
	[dreg:$0x10] =	wrdreg s26  }
0x16: {  	s5 =	sadd.s32 s25, s2;
	s24 =	simm.s32 $0xB00;
	[dreg:$0x17] =	wrdreg s1  }
0x17: {  	s25 =	simm.s32 $0x400;
	s26 =	simm.s32 $0x580;
	[dreg:$0xe] =	wrdreg s24  }
0x18: {  	s0 =	sadd.s32 s7, s0;
	s6 =	sadd.s32 $0x4000, s5;
	[dreg:$0xf] =	wrdreg s25  }
0x19: {  	s7 =	sadd.s32 $0x8000, s5;
	s8 =	sadd.s32 $0xC000, s5;
	[dreg:$0x11] =	wrdreg s6  }
0x1a: {  	s11 =	sadd.s32 $0x10000, s5;
	s17 =	sadd.s32 $0xCE00, s9;
	[dreg:$0x12] =	wrdreg s7  }
0x1b: {  	s19 =	sadd.s32 $0x2E00, s9;
	s24 =	simm.s32 $0x500;
	[dreg:$0x13] =	wrdreg s8  }
0x1c: {  	s25 =	simm.s32 $0xC80;
	s1 =	simm.s32 $0x700;
	[dreg:$0x14] =	wrdreg s11  }
0x1d: {  	s9 =	simm.s32 $0xF80;
	s7 =	simm.s32 $0x8;
	[dreg:$0x18] =	wrdreg s17  }
0x1e: {  	s0 =	sadd.s32 $0x3E000, s0;
	[dreg:$0x19] =	wrdreg s19;
	s17 =	simm.s32 $0x800  }
0x1f: {  	s19 =	simm.s32 $0x5000;
	s6 =	simm.s32 $0xE80;
	s8 =	simm.s32 $0xF00  }
0x20: {  	s11 =	simm.s32 $0x0;
	s7 =	simm.s32 @!p0 $0x2;
	[dreg:$0x16] =	wrdreg s0  }
0x21: {  	v0 =	vimm.f32 $0.0e+00;
	s0 =	simm.s32 $0xE00;
	[dreg:$0x15] =	wrdreg s7;
	s7 =	simm.s32 $0x780  }
.LBB2_1:
0x22: {  	s12 =	simm.s32 $0x0;
	s13 =	simm.s32 $0x200  }
.LBB2_2:
0x23: {  	p0 =	sne.s32 s13, $0xFE00;
	[tilespmem:s12+$0x1070] =	vst v0  }
0x24: {  	[tilespmem:s12+$0x1000] =	vst v0  }
0x25: {  	[tilespmem:s12+$0x1010] =	vst v0  }
.Ltmp0:
0x26: {  	[tilespmem:s12+$0x1020] =	vst v0;
	(pc) =	sbr.rel @p0 .LBB2_2-.Ltmp0, $4  }
0x27: {  	[tilespmem:s12+$0x1030] =	vst v0  }
0x28: {  	[tilespmem:s12+$0x1040] =	vst v0  }
0x29: {  	[tilespmem:s12+$0x1050] =	vst v0  }
0x2a: {  	[tilespmem:s12+$0x1060] =	vst v0;
	s12 =	sshra.s32 s13, $0x2;
	s13 =	sadd.s32 $0x200, s13  }
0x2b: {  	[tilespmem:s12+$0x1070] =	vst v0  }
0x2c: {  	[tilespmem:s12+$0x1000] =	vst v0  }
0x2d: {  	[tilespmem:s12+$0x1010] =	vst v0  }
0x2e: {  	[tilespmem:s12+$0x1020] =	vst v0  }
0x2f: {  	[tilespmem:s12+$0x1030] =	vst v0  }
0x30: {  	[tilespmem:s12+$0x1040] =	vst v0  }
0x31: {  	[tilespmem:s12+$0x1050] =	vst v0  }
0x32: {  	[tilespmem:s12+$0x1060] =	vst v0  }
0x33: {  	[spmem:s5] =	stream.linear.scatter [tilespmem:s15], [sflag:$0x3], $0x4000, $0x38;
	[tilespmem:$0x1CC00] =	vst v63  }
0x34: {  	_ =	swait.ge [sflag:s16], $0x4000  }
0x35: {  	[sflag:s16] =	ssyncset.done $0x0  }
0x36: {  	s10 =	rddreg [dreg:$0x11];
	[sflag:s16] =	ssyncadd.s32 $0xFFFFC000  }
0x37: {  	[spmem:s10] =	stream.linear.scatter [tilespmem:s15], [sflag:$0x3], $0x4000, $0x38;
	[tilespmem:$0x1CC00] =	vst v63  }
0x38: {  	_ =	swait.ge [sflag:s16], $0x4000  }
0x39: {  	[sflag:s16] =	ssyncset.done $0x0  }
0x3a: {  	s12 =	rddreg [dreg:$0x12];
	[sflag:s16] =	ssyncadd.s32 $0xFFFFC000  }
0x3b: {  	[spmem:s12] =	stream.linear.scatter [tilespmem:s15], [sflag:$0x3], $0x4000, $0x38;
	[tilespmem:$0x1CC00] =	vst v63  }
0x3c: {  	_ =	swait.ge [sflag:s16], $0x4000  }
0x3d: {  	[sflag:s16] =	ssyncset.done $0x0  }
0x3e: {  	s13 =	rddreg [dreg:$0x13];
	[sflag:s16] =	ssyncadd.s32 $0xFFFFC000  }
0x3f: {  	[spmem:s13] =	stream.linear.scatter [tilespmem:s15], [sflag:$0x3], $0x4000, $0x38;
	[tilespmem:$0x1CC00] =	vst v63  }
0x40: {  	_ =	swait.ge [sflag:s16], $0x4000  }
0x41: {  	[sflag:s16] =	ssyncset.done $0x0  }
0x42: {  	s14 =	rddreg [dreg:$0x14];
	[sflag:s16] =	ssyncadd.s32 $0xFFFFC000  }
0x43: {  	[spmem:s14] =	stream.linear.scatter [tilespmem:s15], [sflag:$0x3], $0x3C00, $0x38;
	[tilespmem:$0x1CC00] =	vst v63  }
0x44: {  	_ =	swait.ge [sflag:s16], $0x3C00  }
0x45: {  	[sflag:s16] =	ssyncset.done $0x0  }
0x46: {  	[sflag:s16] =	ssyncadd.s32 $0xFFFFC400  }
0x47: {  	[bflag:$0x0] =	sbarrier.arrive $0xFFFF  }
0x48: {  	s14 =	rddreg [dreg:$0x19]  }
0x49: {  	[tilespmem:s3], [sflag:$0x3] =	stream.linear.gather [hbm4b:s14+s3], $0x800, $0x38;
	[tilespmem:$0x1CC00] =	vst v63  }
0x4a: {  	_ =	swait.ge [sflag:s16], $0x800  }
0x4b: {  	[sflag:s16] =	ssyncset.done $0x0  }
0x4c: {  	s13 =	rddreg [dreg:$0x18];
	[sflag:s16] =	ssyncadd.s32 $0xFFFFF800  }
0x4d: {  	[tilespmem:s17], [sflag:$0x3] =	stream.linear.gather [hbm4b:s13+s3], $0x800, $0x38;
	[tilespmem:$0x1CC00] =	vst v63  }
0x4e: {  	_ =	swait.ge [sflag:s16], $0x800  }
0x4f: {  	[sflag:s16] =	ssyncset.done $0x0  }
0x50: {  	[sflag:s16] =	ssyncadd.s32 $0xFFFFF800  }
0x51: {  	[tilespmem:s15], [sflag:$0x1] =	stream.indirect.gather [hbm4b:s4+s18], $0x80, s3, s18, $0xb8;
	[tilespmem:$0x1CC00] =	vst v63  }
0x52: {  	_ = 	snop  }
0x53: {  	[tilespmem:s19], [sflag:$0x2] =	stream.indirect.gather [hbm4b:s4+s18], $0x80, s18, s18, $0xb8;
	[tilespmem:$0x1CC00] =	vst v63  }
0x54: {  	_ =	swait.ge [sflag:s20], $0x4000  }
0x55: {  	[sflag:s20] =	ssyncset.done $0x0  }
0x56: {  	[sflag:s20] =	ssyncadd.s32 $0xFFFFC000  }
0x57: {  	[spmem:s2] =	stream.indirect.scatter.add.f32 [tilespmem:s15], [sflag:$0x3], $0x80, s17, s18, $0xb8;
	[tilespmem:$0x1CC00] =	vst v63  }
0x58: {  	_ =	swait.ge [sflag:s16], $0x4000  }
0x59: {  	[sflag:s16] =	ssyncset.done $0x0  }
0x5a: {  	s10 =	rddreg [dreg:$0x3];
	[sflag:s16] =	ssyncadd.s32 $0xFFFFC000  }
0x5b: {  	[tilespmem:s15], [sflag:$0x1] =	stream.indirect.gather [hbm4b:s4+s18], $0x80, s10, s18, $0xb8;
	[tilespmem:$0x1CC00] =	vst v63  }
0x5c: {  	_ =	swait.ge [sflag:s21], $0x4000  }
0x5d: {  	[sflag:s21] =	ssyncset.done $0x0  }
0x5e: {  	s10 =	rddreg [dreg:$0x4];
	[sflag:s21] =	ssyncadd.s32 $0xFFFFC000  }
0x5f: {  	[spmem:s2] =	stream.indirect.scatter.add.f32 [tilespmem:s19], [sflag:$0x3], $0x80, s10, s18, $0xb8;
	[tilespmem:$0x1CC00] =	vst v63  }
0x60: {  	_ =	swait.ge [sflag:s16], $0x4000  }
0x61: {  	[sflag:s16] =	ssyncset.done $0x0  }
0x62: {  	s10 =	rddreg [dreg:$0x5];
	[sflag:s16] =	ssyncadd.s32 $0xFFFFC000  }
0x63: {  	[tilespmem:s19], [sflag:$0x2] =	stream.indirect.gather [hbm4b:s4+s18], $0x80, s10, s18, $0xb8;
	[tilespmem:$0x1CC00] =	vst v63  }
0x64: {  	_ =	swait.ge [sflag:s20], $0x4000  }
0x65: {  	[sflag:s20] =	ssyncset.done $0x0  }
0x66: {  	s10 =	rddreg [dreg:$0x6];
	[sflag:s20] =	ssyncadd.s32 $0xFFFFC000  }
0x67: {  	[spmem:s2] =	stream.indirect.scatter.add.f32 [tilespmem:s15], [sflag:$0x3], $0x80, s10, s18, $0xb8;
	[tilespmem:$0x1CC00] =	vst v63  }
0x68: {  	_ =	swait.ge [sflag:s16], $0x4000  }
0x69: {  	[sflag:s16] =	ssyncset.done $0x0  }
0x6a: {  	s10 =	rddreg [dreg:$0x7];
	[sflag:s16] =	ssyncadd.s32 $0xFFFFC000  }
0x6b: {  	[tilespmem:s15], [sflag:$0x1] =	stream.indirect.gather [hbm4b:s4+s18], $0x80, s10, s18, $0xb8;
	[tilespmem:$0x1CC00] =	vst v63  }
0x6c: {  	_ =	swait.ge [sflag:s21], $0x4000  }
0x6d: {  	[sflag:s21] =	ssyncset.done $0x0  }
0x6e: {  	s10 =	rddreg [dreg:$0x8];
	[sflag:s21] =	ssyncadd.s32 $0xFFFFC000  }
0x6f: {  	[spmem:s2] =	stream.indirect.scatter.add.f32 [tilespmem:s19], [sflag:$0x3], $0x80, s10, s18, $0xb8;
	[tilespmem:$0x1CC00] =	vst v63  }
0x70: {  	_ =	swait.ge [sflag:s16], $0x4000  }
0x71: {  	[sflag:s16] =	ssyncset.done $0x0  }
0x72: {  	s10 =	rddreg [dreg:$0x9];
	[sflag:s16] =	ssyncadd.s32 $0xFFFFC000  }
0x73: {  	[tilespmem:s19], [sflag:$0x2] =	stream.indirect.gather [hbm4b:s4+s18], $0x80, s10, s18, $0xb8;
	[tilespmem:$0x1CC00] =	vst v63  }
0x74: {  	_ =	swait.ge [sflag:s20], $0x4000  }
0x75: {  	[sflag:s20] =	ssyncset.done $0x0  }
0x76: {  	s10 =	rddreg [dreg:$0xa];
	[sflag:s20] =	ssyncadd.s32 $0xFFFFC000  }
0x77: {  	[spmem:s2] =	stream.indirect.scatter.add.f32 [tilespmem:s15], [sflag:$0x3], $0x80, s10, s18, $0xb8;
	[tilespmem:$0x1CC00] =	vst v63  }
0x78: {  	_ =	swait.ge [sflag:s16], $0x4000  }
0x79: {  	[sflag:s16] =	ssyncset.done $0x0  }
0x7a: {  	s10 =	rddreg [dreg:$0xb];
	[sflag:s16] =	ssyncadd.s32 $0xFFFFC000  }
0x7b: {  	[tilespmem:s15], [sflag:$0x1] =	stream.indirect.gather [hbm4b:s4+s18], $0x80, s10, s18, $0xb8;
	[tilespmem:$0x1CC00] =	vst v63  }
0x7c: {  	_ =	swait.ge [sflag:s21], $0x4000  }
0x7d: {  	[sflag:s21] =	ssyncset.done $0x0  }
0x7e: {  	s10 =	rddreg [dreg:$0xc];
	[sflag:s21] =	ssyncadd.s32 $0xFFFFC000  }
0x7f: {  	[spmem:s2] =	stream.indirect.scatter.add.f32 [tilespmem:s19], [sflag:$0x3], $0x80, s10, s18, $0xb8;
	[tilespmem:$0x1CC00] =	vst v63  }
0x80: {  	_ =	swait.ge [sflag:s16], $0x4000  }
0x81: {  	[sflag:s16] =	ssyncset.done $0x0  }
0x82: {  	s10 =	rddreg [dreg:$0xd];
	[sflag:s16] =	ssyncadd.s32 $0xFFFFC000  }
0x83: {  	[tilespmem:s19], [sflag:$0x2] =	stream.indirect.gather [hbm4b:s4+s18], $0x80, s10, s18, $0xb8;
	[tilespmem:$0x1CC00] =	vst v63  }
0x84: {  	_ =	swait.ge [sflag:s20], $0x4000  }
0x85: {  	[sflag:s20] =	ssyncset.done $0x0  }
0x86: {  	s10 =	rddreg [dreg:$0xe];
	[sflag:s20] =	ssyncadd.s32 $0xFFFFC000  }
0x87: {  	[spmem:s2] =	stream.indirect.scatter.add.f32 [tilespmem:s15], [sflag:$0x3], $0x80, s10, s18, $0xb8;
	[tilespmem:$0x1CC00] =	vst v63  }
0x88: {  	_ =	swait.ge [sflag:s16], $0x4000  }
0x89: {  	[sflag:s16] =	ssyncset.done $0x0  }
0x8a: {  	s10 =	rddreg [dreg:$0xf];
	[sflag:s16] =	ssyncadd.s32 $0xFFFFC000  }
0x8b: {  	[tilespmem:s15], [sflag:$0x1] =	stream.indirect.gather [hbm4b:s4+s18], $0x80, s10, s18, $0xb8;
	[tilespmem:$0x1CC00] =	vst v63  }
0x8c: {  	_ =	swait.ge [sflag:s21], $0x4000  }
0x8d: {  	[sflag:s21] =	ssyncset.done $0x0  }
0x8e: {  	s10 =	rddreg [dreg:$0x10];
	[sflag:s21] =	ssyncadd.s32 $0xFFFFC000  }
0x8f: {  	[spmem:s2] =	stream.indirect.scatter.add.f32 [tilespmem:s19], [sflag:$0x3], $0x80, s10, s18, $0xb8;
	[tilespmem:$0x1CC00] =	vst v63  }
0x90: {  	_ =	swait.ge [sflag:s16], $0x4000  }
0x91: {  	[sflag:s16] =	ssyncset.done $0x0  }
0x92: {  	[sflag:s16] =	ssyncadd.s32 $0xFFFFC000  }
0x93: {  	[tilespmem:s19], [sflag:$0x2] =	stream.indirect.gather [hbm4b:s4+s18], $0x80, s22, s18, $0xb8;
	[tilespmem:$0x1CC00] =	vst v63  }
0x94: {  	_ =	swait.ge [sflag:s20], $0x4000  }
0x95: {  	[sflag:s20] =	ssyncset.done $0x0  }
0x96: {  	[sflag:s20] =	ssyncadd.s32 $0xFFFFC000  }
0x97: {  	[spmem:s2] =	stream.indirect.scatter.add.f32 [tilespmem:s15], [sflag:$0x3], $0x80, s23, s18, $0xb8;
	[tilespmem:$0x1CC00] =	vst v63  }
0x98: {  	_ =	swait.ge [sflag:s16], $0x4000  }
0x99: {  	[sflag:s16] =	ssyncset.done $0x0  }
0x9a: {  	[sflag:s16] =	ssyncadd.s32 $0xFFFFC000  }
0x9b: {  	[tilespmem:s15], [sflag:$0x1] =	stream.indirect.gather [hbm4b:s4+s18], $0x80, s24, s18, $0xb8;
	[tilespmem:$0x1CC00] =	vst v63  }
0x9c: {  	_ =	swait.ge [sflag:s21], $0x4000  }
0x9d: {  	[sflag:s21] =	ssyncset.done $0x0  }
0x9e: {  	[sflag:s21] =	ssyncadd.s32 $0xFFFFC000  }
0x9f: {  	[spmem:s2] =	stream.indirect.scatter.add.f32 [tilespmem:s19], [sflag:$0x3], $0x80, s25, s18, $0xb8;
	[tilespmem:$0x1CC00] =	vst v63  }
0xa0: {  	_ =	swait.ge [sflag:s16], $0x4000  }
0xa1: {  	[sflag:s16] =	ssyncset.done $0x0  }
0xa2: {  	[sflag:s16] =	ssyncadd.s32 $0xFFFFC000  }
0xa3: {  	[tilespmem:s19], [sflag:$0x2] =	stream.indirect.gather [hbm4b:s4+s18], $0x80, s26, s18, $0xb8;
	[tilespmem:$0x1CC00] =	vst v63  }
0xa4: {  	_ =	swait.ge [sflag:s20], $0x4000  }
0xa5: {  	[sflag:s20] =	ssyncset.done $0x0  }
0xa6: {  	[sflag:s20] =	ssyncadd.s32 $0xFFFFC000  }
0xa7: {  	[spmem:s2] =	stream.indirect.scatter.add.f32 [tilespmem:s15], [sflag:$0x3], $0x80, s28, s18, $0xb8;
	[tilespmem:$0x1CC00] =	vst v63  }
0xa8: {  	_ =	swait.ge [sflag:s16], $0x4000  }
0xa9: {  	[sflag:s16] =	ssyncset.done $0x0  }
0xaa: {  	[sflag:s16] =	ssyncadd.s32 $0xFFFFC000  }
0xab: {  	[tilespmem:s15], [sflag:$0x1] =	stream.indirect.gather [hbm4b:s4+s18], $0x80, s29, s18, $0xb8;
	[tilespmem:$0x1CC00] =	vst v63  }
0xac: {  	_ =	swait.ge [sflag:s21], $0x4000  }
0xad: {  	[sflag:s21] =	ssyncset.done $0x0  }
0xae: {  	[sflag:s21] =	ssyncadd.s32 $0xFFFFC000  }
0xaf: {  	[spmem:s2] =	stream.indirect.scatter.add.f32 [tilespmem:s19], [sflag:$0x3], $0x80, s30, s18, $0xb8;
	[tilespmem:$0x1CC00] =	vst v63  }
0xb0: {  	_ =	swait.ge [sflag:s16], $0x4000  }
0xb1: {  	[sflag:s16] =	ssyncset.done $0x0  }
0xb2: {  	[sflag:s16] =	ssyncadd.s32 $0xFFFFC000  }
0xb3: {  	[tilespmem:s19], [sflag:$0x2] =	stream.indirect.gather [hbm4b:s4+s18], $0x80, s31, s18, $0xb8;
	[tilespmem:$0x1CC00] =	vst v63  }
0xb4: {  	_ =	swait.ge [sflag:s20], $0x4000  }
0xb5: {  	[sflag:s20] =	ssyncset.done $0x0  }
0xb6: {  	[sflag:s20] =	ssyncadd.s32 $0xFFFFC000  }
0xb7: {  	[spmem:s2] =	stream.indirect.scatter.add.f32 [tilespmem:s15], [sflag:$0x3], $0x80, s0, s18, $0xb8;
	[tilespmem:$0x1CC00] =	vst v63  }
0xb8: {  	_ =	swait.ge [sflag:s16], $0x4000  }
0xb9: {  	[sflag:s16] =	ssyncset.done $0x0  }
0xba: {  	[sflag:s16] =	ssyncadd.s32 $0xFFFFC000  }
0xbb: {  	[tilespmem:s15], [sflag:$0x1] =	stream.indirect.gather [hbm4b:s4+s18], $0x80, s1, s18, $0xb8;
	[tilespmem:$0x1CC00] =	vst v63  }
0xbc: {  	_ =	swait.ge [sflag:s21], $0x4000  }
0xbd: {  	[sflag:s21] =	ssyncset.done $0x0  }
0xbe: {  	[sflag:s21] =	ssyncadd.s32 $0xFFFFC000  }
0xbf: {  	[spmem:s2] =	stream.indirect.scatter.add.f32 [tilespmem:s19], [sflag:$0x3], $0x80, s6, s18, $0xb8;
	[tilespmem:$0x1CC00] =	vst v63  }
0xc0: {  	_ =	swait.ge [sflag:s16], $0x4000  }
0xc1: {  	[sflag:s16] =	ssyncset.done $0x0  }
0xc2: {  	[sflag:s16] =	ssyncadd.s32 $0xFFFFC000  }
0xc3: {  	[tilespmem:s19], [sflag:$0x2] =	stream.indirect.gather [hbm4b:s4+s18], $0x80, s7, s18, $0xb8;
	[tilespmem:$0x1CC00] =	vst v63  }
0xc4: {  	_ =	swait.ge [sflag:s20], $0x4000  }
0xc5: {  	[sflag:s20] =	ssyncset.done $0x0  }
0xc6: {  	[sflag:s20] =	ssyncadd.s32 $0xFFFFC000  }
0xc7: {  	[spmem:s2] =	stream.indirect.scatter.add.f32 [tilespmem:s15], [sflag:$0x3], $0x80, s8, s18, $0xb8;
	[tilespmem:$0x1CC00] =	vst v63  }
0xc8: {  	_ =	swait.ge [sflag:s16], $0x4000  }
0xc9: {  	[sflag:s16] =	ssyncset.done $0x0  }
0xca: {  	[sflag:s16] =	ssyncadd.s32 $0xFFFFC000  }
0xcb: {  	_ =	swait.ge [sflag:s21], $0x4000  }
0xcc: {  	s12 =	rddreg [dreg:$0x15]  }
0xcd: {  	p0 =	sne.s32 s12, $0x1  }
.Ltmp1:
0xce: {  	[sflag:s21] =	ssyncset.done $0x0;
	(pc) =	sbr.rel @!p0 .LBB2_5-.Ltmp1, $4  }
0xcf: {  	[sflag:s21] =	ssyncadd.s32 $0xFFFFC000  }
0xd0: {  	[spmem:s2] =	stream.indirect.scatter.add.f32 [tilespmem:s19], [sflag:$0x3], $0x80, s9, s18, $0xb8;
	[tilespmem:$0x1CC00] =	vst v63  }
0xd1: {  	_ =	swait.ge [sflag:s16], $0x4000  }
0xd2: {  	s12 =	sadd.s32 $0xFFFFFFFF, s12;
	[sflag:s16] =	ssyncset.done $0x0  }
.LBB2_4:
0xd3: {  	[sflag:s16] =	ssyncadd.s32 $0xFFFFC000;
	s14 =	sadd.s32 $0x100, s14  }
0xd4: {  	[tilespmem:s3], [sflag:$0x3] =	stream.linear.gather [hbm4b:s14+s3], $0x800, $0x38;
	[tilespmem:$0x1CC00] =	vst v63  }
0xd5: {  	_ =	swait.ge [sflag:s16], $0x800  }
0xd6: {  	[sflag:s16] =	ssyncset.done $0x0  }
0xd7: {  	s13 =	sadd.s32 $0x100, s13;
	[sflag:s16] =	ssyncadd.s32 $0xFFFFF800  }
0xd8: {  	[tilespmem:s17], [sflag:$0x3] =	stream.linear.gather [hbm4b:s13+s3], $0x800, $0x38;
	[tilespmem:$0x1CC00] =	vst v63  }
0xd9: {  	_ =	swait.ge [sflag:s16], $0x800  }
0xda: {  	[sflag:s16] =	ssyncset.done $0x0  }
0xdb: {  	[sflag:s16] =	ssyncadd.s32 $0xFFFFF800  }
0xdc: {  	[tilespmem:s15], [sflag:$0x1] =	stream.indirect.gather [hbm4b:s4+s18], $0x80, s3, s18, $0xb8;
	[tilespmem:$0x1CC00] =	vst v63  }
0xdd: {  	_ = 	snop  }
0xde: {  	[tilespmem:s19], [sflag:$0x2] =	stream.indirect.gather [hbm4b:s4+s18], $0x80, s18, s18, $0xb8;
	[tilespmem:$0x1CC00] =	vst v63  }
0xdf: {  	_ =	swait.ge [sflag:s20], $0x4000  }
0xe0: {  	[sflag:s20] =	ssyncset.done $0x0  }
0xe1: {  	[sflag:s20] =	ssyncadd.s32 $0xFFFFC000  }
0xe2: {  	[spmem:s2] =	stream.indirect.scatter.add.f32 [tilespmem:s15], [sflag:$0x3], $0x80, s17, s18, $0xb8;
	[tilespmem:$0x1CC00] =	vst v63  }
0xe3: {  	_ =	swait.ge [sflag:s16], $0x4000  }
0xe4: {  	[sflag:s16] =	ssyncset.done $0x0  }
0xe5: {  	s10 =	rddreg [dreg:$0x3];
	[sflag:s16] =	ssyncadd.s32 $0xFFFFC000  }
0xe6: {  	[tilespmem:s15], [sflag:$0x1] =	stream.indirect.gather [hbm4b:s4+s18], $0x80, s10, s18, $0xb8;
	[tilespmem:$0x1CC00] =	vst v63  }
0xe7: {  	_ =	swait.ge [sflag:s21], $0x4000  }
0xe8: {  	[sflag:s21] =	ssyncset.done $0x0  }
0xe9: {  	s10 =	rddreg [dreg:$0x4];
	[sflag:s21] =	ssyncadd.s32 $0xFFFFC000  }
0xea: {  	[spmem:s2] =	stream.indirect.scatter.add.f32 [tilespmem:s19], [sflag:$0x3], $0x80, s10, s18, $0xb8;
	[tilespmem:$0x1CC00] =	vst v63  }
0xeb: {  	_ =	swait.ge [sflag:s16], $0x4000  }
0xec: {  	[sflag:s16] =	ssyncset.done $0x0  }
0xed: {  	s10 =	rddreg [dreg:$0x5];
	[sflag:s16] =	ssyncadd.s32 $0xFFFFC000  }
0xee: {  	[tilespmem:s19], [sflag:$0x2] =	stream.indirect.gather [hbm4b:s4+s18], $0x80, s10, s18, $0xb8;
	[tilespmem:$0x1CC00] =	vst v63  }
0xef: {  	_ =	swait.ge [sflag:s20], $0x4000  }
0xf0: {  	[sflag:s20] =	ssyncset.done $0x0  }
0xf1: {  	s10 =	rddreg [dreg:$0x6];
	[sflag:s20] =	ssyncadd.s32 $0xFFFFC000  }
0xf2: {  	[spmem:s2] =	stream.indirect.scatter.add.f32 [tilespmem:s15], [sflag:$0x3], $0x80, s10, s18, $0xb8;
	[tilespmem:$0x1CC00] =	vst v63  }
0xf3: {  	_ =	swait.ge [sflag:s16], $0x4000  }
0xf4: {  	[sflag:s16] =	ssyncset.done $0x0  }
0xf5: {  	s10 =	rddreg [dreg:$0x7];
	[sflag:s16] =	ssyncadd.s32 $0xFFFFC000  }
0xf6: {  	[tilespmem:s15], [sflag:$0x1] =	stream.indirect.gather [hbm4b:s4+s18], $0x80, s10, s18, $0xb8;
	[tilespmem:$0x1CC00] =	vst v63  }
0xf7: {  	_ =	swait.ge [sflag:s21], $0x4000  }
0xf8: {  	[sflag:s21] =	ssyncset.done $0x0  }
0xf9: {  	s10 =	rddreg [dreg:$0x8];
	[sflag:s21] =	ssyncadd.s32 $0xFFFFC000  }
0xfa: {  	[spmem:s2] =	stream.indirect.scatter.add.f32 [tilespmem:s19], [sflag:$0x3], $0x80, s10, s18, $0xb8;
	[tilespmem:$0x1CC00] =	vst v63  }
0xfb: {  	_ =	swait.ge [sflag:s16], $0x4000  }
0xfc: {  	[sflag:s16] =	ssyncset.done $0x0  }
0xfd: {  	s10 =	rddreg [dreg:$0x9];
	[sflag:s16] =	ssyncadd.s32 $0xFFFFC000  }
0xfe: {  	[tilespmem:s19], [sflag:$0x2] =	stream.indirect.gather [hbm4b:s4+s18], $0x80, s10, s18, $0xb8;
	[tilespmem:$0x1CC00] =	vst v63  }
0xff: {  	_ =	swait.ge [sflag:s20], $0x4000  }
0x100: {  	[sflag:s20] =	ssyncset.done $0x0  }
0x101: {  	s10 =	rddreg [dreg:$0xa];
	[sflag:s20] =	ssyncadd.s32 $0xFFFFC000  }
0x102: {  	[spmem:s2] =	stream.indirect.scatter.add.f32 [tilespmem:s15], [sflag:$0x3], $0x80, s10, s18, $0xb8;
	[tilespmem:$0x1CC00] =	vst v63  }
0x103: {  	_ =	swait.ge [sflag:s16], $0x4000  }
0x104: {  	[sflag:s16] =	ssyncset.done $0x0  }
0x105: {  	s10 =	rddreg [dreg:$0xb];
	[sflag:s16] =	ssyncadd.s32 $0xFFFFC000  }
0x106: {  	[tilespmem:s15], [sflag:$0x1] =	stream.indirect.gather [hbm4b:s4+s18], $0x80, s10, s18, $0xb8;
	[tilespmem:$0x1CC00] =	vst v63  }
0x107: {  	_ =	swait.ge [sflag:s21], $0x4000  }
0x108: {  	[sflag:s21] =	ssyncset.done $0x0  }
0x109: {  	s10 =	rddreg [dreg:$0xc];
	[sflag:s21] =	ssyncadd.s32 $0xFFFFC000  }
0x10a: {  	[spmem:s2] =	stream.indirect.scatter.add.f32 [tilespmem:s19], [sflag:$0x3], $0x80, s10, s18, $0xb8;
	[tilespmem:$0x1CC00] =	vst v63  }
0x10b: {  	_ =	swait.ge [sflag:s16], $0x4000  }
0x10c: {  	[sflag:s16] =	ssyncset.done $0x0  }
0x10d: {  	s10 =	rddreg [dreg:$0xd];
	[sflag:s16] =	ssyncadd.s32 $0xFFFFC000  }
0x10e: {  	[tilespmem:s19], [sflag:$0x2] =	stream.indirect.gather [hbm4b:s4+s18], $0x80, s10, s18, $0xb8;
	[tilespmem:$0x1CC00] =	vst v63  }
0x10f: {  	_ =	swait.ge [sflag:s20], $0x4000  }
0x110: {  	[sflag:s20] =	ssyncset.done $0x0  }
0x111: {  	s10 =	rddreg [dreg:$0xe];
	[sflag:s20] =	ssyncadd.s32 $0xFFFFC000  }
0x112: {  	[spmem:s2] =	stream.indirect.scatter.add.f32 [tilespmem:s15], [sflag:$0x3], $0x80, s10, s18, $0xb8;
	[tilespmem:$0x1CC00] =	vst v63  }
0x113: {  	_ =	swait.ge [sflag:s16], $0x4000  }
0x114: {  	[sflag:s16] =	ssyncset.done $0x0  }
0x115: {  	s10 =	rddreg [dreg:$0xf];
	[sflag:s16] =	ssyncadd.s32 $0xFFFFC000  }
0x116: {  	[tilespmem:s15], [sflag:$0x1] =	stream.indirect.gather [hbm4b:s4+s18], $0x80, s10, s18, $0xb8;
	[tilespmem:$0x1CC00] =	vst v63  }
0x117: {  	_ =	swait.ge [sflag:s21], $0x4000  }
0x118: {  	[sflag:s21] =	ssyncset.done $0x0  }
0x119: {  	s10 =	rddreg [dreg:$0x10];
	[sflag:s21] =	ssyncadd.s32 $0xFFFFC000  }
0x11a: {  	[spmem:s2] =	stream.indirect.scatter.add.f32 [tilespmem:s19], [sflag:$0x3], $0x80, s10, s18, $0xb8;
	[tilespmem:$0x1CC00] =	vst v63  }
0x11b: {  	_ =	swait.ge [sflag:s16], $0x4000  }
0x11c: {  	[sflag:s16] =	ssyncset.done $0x0  }
0x11d: {  	[sflag:s16] =	ssyncadd.s32 $0xFFFFC000  }
0x11e: {  	[tilespmem:s19], [sflag:$0x2] =	stream.indirect.gather [hbm4b:s4+s18], $0x80, s22, s18, $0xb8;
	[tilespmem:$0x1CC00] =	vst v63  }
0x11f: {  	_ =	swait.ge [sflag:s20], $0x4000  }
0x120: {  	[sflag:s20] =	ssyncset.done $0x0  }
0x121: {  	[sflag:s20] =	ssyncadd.s32 $0xFFFFC000  }
0x122: {  	[spmem:s2] =	stream.indirect.scatter.add.f32 [tilespmem:s15], [sflag:$0x3], $0x80, s23, s18, $0xb8;
	[tilespmem:$0x1CC00] =	vst v63  }
0x123: {  	_ =	swait.ge [sflag:s16], $0x4000  }
0x124: {  	[sflag:s16] =	ssyncset.done $0x0  }
0x125: {  	[sflag:s16] =	ssyncadd.s32 $0xFFFFC000  }
0x126: {  	[tilespmem:s15], [sflag:$0x1] =	stream.indirect.gather [hbm4b:s4+s18], $0x80, s24, s18, $0xb8;
	[tilespmem:$0x1CC00] =	vst v63  }
0x127: {  	_ =	swait.ge [sflag:s21], $0x4000  }
0x128: {  	[sflag:s21] =	ssyncset.done $0x0  }
0x129: {  	[sflag:s21] =	ssyncadd.s32 $0xFFFFC000  }
0x12a: {  	[spmem:s2] =	stream.indirect.scatter.add.f32 [tilespmem:s19], [sflag:$0x3], $0x80, s25, s18, $0xb8;
	[tilespmem:$0x1CC00] =	vst v63  }
0x12b: {  	_ =	swait.ge [sflag:s16], $0x4000  }
0x12c: {  	[sflag:s16] =	ssyncset.done $0x0  }
0x12d: {  	[sflag:s16] =	ssyncadd.s32 $0xFFFFC000  }
0x12e: {  	[tilespmem:s19], [sflag:$0x2] =	stream.indirect.gather [hbm4b:s4+s18], $0x80, s26, s18, $0xb8;
	[tilespmem:$0x1CC00] =	vst v63  }
0x12f: {  	_ =	swait.ge [sflag:s20], $0x4000  }
0x130: {  	[sflag:s20] =	ssyncset.done $0x0  }
0x131: {  	[sflag:s20] =	ssyncadd.s32 $0xFFFFC000  }
0x132: {  	[spmem:s2] =	stream.indirect.scatter.add.f32 [tilespmem:s15], [sflag:$0x3], $0x80, s28, s18, $0xb8;
	[tilespmem:$0x1CC00] =	vst v63  }
0x133: {  	_ =	swait.ge [sflag:s16], $0x4000  }
0x134: {  	[sflag:s16] =	ssyncset.done $0x0  }
0x135: {  	[sflag:s16] =	ssyncadd.s32 $0xFFFFC000  }
0x136: {  	[tilespmem:s15], [sflag:$0x1] =	stream.indirect.gather [hbm4b:s4+s18], $0x80, s29, s18, $0xb8;
	[tilespmem:$0x1CC00] =	vst v63  }
0x137: {  	_ =	swait.ge [sflag:s21], $0x4000  }
0x138: {  	[sflag:s21] =	ssyncset.done $0x0  }
0x139: {  	[sflag:s21] =	ssyncadd.s32 $0xFFFFC000  }
0x13a: {  	[spmem:s2] =	stream.indirect.scatter.add.f32 [tilespmem:s19], [sflag:$0x3], $0x80, s30, s18, $0xb8;
	[tilespmem:$0x1CC00] =	vst v63  }
0x13b: {  	_ =	swait.ge [sflag:s16], $0x4000  }
0x13c: {  	[sflag:s16] =	ssyncset.done $0x0  }
0x13d: {  	[sflag:s16] =	ssyncadd.s32 $0xFFFFC000  }
0x13e: {  	[tilespmem:s19], [sflag:$0x2] =	stream.indirect.gather [hbm4b:s4+s18], $0x80, s31, s18, $0xb8;
	[tilespmem:$0x1CC00] =	vst v63  }
0x13f: {  	_ =	swait.ge [sflag:s20], $0x4000  }
0x140: {  	[sflag:s20] =	ssyncset.done $0x0  }
0x141: {  	[sflag:s20] =	ssyncadd.s32 $0xFFFFC000  }
0x142: {  	[spmem:s2] =	stream.indirect.scatter.add.f32 [tilespmem:s15], [sflag:$0x3], $0x80, s0, s18, $0xb8;
	[tilespmem:$0x1CC00] =	vst v63  }
0x143: {  	_ =	swait.ge [sflag:s16], $0x4000  }
0x144: {  	[sflag:s16] =	ssyncset.done $0x0  }
0x145: {  	[sflag:s16] =	ssyncadd.s32 $0xFFFFC000  }
0x146: {  	[tilespmem:s15], [sflag:$0x1] =	stream.indirect.gather [hbm4b:s4+s18], $0x80, s1, s18, $0xb8;
	[tilespmem:$0x1CC00] =	vst v63  }
0x147: {  	_ =	swait.ge [sflag:s21], $0x4000  }
0x148: {  	[sflag:s21] =	ssyncset.done $0x0  }
0x149: {  	[sflag:s21] =	ssyncadd.s32 $0xFFFFC000  }
0x14a: {  	[spmem:s2] =	stream.indirect.scatter.add.f32 [tilespmem:s19], [sflag:$0x3], $0x80, s6, s18, $0xb8;
	[tilespmem:$0x1CC00] =	vst v63  }
0x14b: {  	_ =	swait.ge [sflag:s16], $0x4000  }
0x14c: {  	[sflag:s16] =	ssyncset.done $0x0  }
0x14d: {  	[sflag:s16] =	ssyncadd.s32 $0xFFFFC000  }
0x14e: {  	[tilespmem:s19], [sflag:$0x2] =	stream.indirect.gather [hbm4b:s4+s18], $0x80, s7, s18, $0xb8;
	[tilespmem:$0x1CC00] =	vst v63  }
0x14f: {  	_ =	swait.ge [sflag:s20], $0x4000  }
0x150: {  	[sflag:s20] =	ssyncset.done $0x0  }
0x151: {  	[sflag:s20] =	ssyncadd.s32 $0xFFFFC000  }
0x152: {  	[spmem:s2] =	stream.indirect.scatter.add.f32 [tilespmem:s15], [sflag:$0x3], $0x80, s8, s18, $0xb8;
	[tilespmem:$0x1CC00] =	vst v63  }
0x153: {  	_ =	swait.ge [sflag:s16], $0x4000  }
0x154: {  	[sflag:s16] =	ssyncset.done $0x0  }
0x155: {  	[sflag:s16] =	ssyncadd.s32 $0xFFFFC000  }
0x156: {  	p0 =	sne.s32 s12, $0x1;
	_ =	swait.ge [sflag:s21], $0x4000  }
.Ltmp2:
0x157: {  	[sflag:s21] =	ssyncset.done $0x0;
	(pc) =	sbr.rel @p0 .LBB2_4-.Ltmp2, $4  }
0x158: {  	[sflag:s21] =	ssyncadd.s32 $0xFFFFC000  }
0x159: {  	[spmem:s2] =	stream.indirect.scatter.add.f32 [tilespmem:s19], [sflag:$0x3], $0x80, s9, s18, $0xb8;
	[tilespmem:$0x1CC00] =	vst v63  }
0x15a: {  	_ =	swait.ge [sflag:s16], $0x4000  }
0x15b: {  	s12 =	sadd.s32 $0xFFFFFFFF, s12;
	[sflag:s16] =	ssyncset.done $0x0  }
.LBB2_5:
0x15c: {  	[sflag:s16] =	ssyncadd.s32 $0xFFFFC000;
	s10 =	stileid.u32  }
0x15d: {  	s10 =	sshll.u32 s10, $0x6;
	[bflag:$0x0] =	sbarrier.arrive $0xFFFF  }
0x15e: {  	s12 =	sshrl.u32 s5, $0x3;
	s10 =	sor.u32 $0x1C03, s10;
	s13 =	rddreg [dreg:$0x16]  }
0x15f: {  	[hbm:s13], [sflag:s10] =	dma.local [spmem:s12], $0x2780  }
0x160: {  	_ =	swait.ge [sflag:s16], $0x2780  }
0x161: {  	s11 =	sadd.s32 $0x1, s11;
	s14 =	rddreg [dreg:$0x17]  }
0x162: {  	p0 =	sne.s32 s11, s14  }
.Ltmp3:
0x163: {  	_ = 	snop;
	(pc) =	sbr.rel @p0 .LBB2_1-.Ltmp3, $3  }
0x164: {  	_ =	sdelay $0x1  }
0x165: {  	[sflag:s16] =	ssyncset.done $0x0  }
0x166: {  	[sflag:s16] =	ssyncadd.s32 $0xFFFFD880  }
0x167: {  	_ =	sfence.sel $0x180000  }
0x168: {  	[bflag:$0x0] =	sbarrier.arrive $0xFFFF  }
0x169: {  	_ =	strace $0x9000004A  }
0x16a: {  	s0 =	stileid.u32;
	[bflag:$0x2] =	sbarrier.arrive $0xFFFF  }
0x16b: {  	p0 =	sne.s32 s0, $0x0;
	s0 =	rddreg [dreg:$0x2]  }
0x16c: {  	s0 =	sadd.s32 @!p0 $0x100000, s0  }
0x16d: {  	[sflag:s0] =	ssyncadd.tile.s32 @!p0 $0x1;
	_ =	shalt  }
.Lfunc_end2:
_tile_overlayer_lowered:
.L_overlay_start_2:
0x16e: {  	(tag) =	ssettag $0x2  }
0x16f: {  	s0 =	rddreg [dreg:$0x0];
	s2 =	stileid.u32  }
0x170: {  	s1 =	rddreg [dreg:$0x1];
	p0 =	sne.s32 s2, $0x0  }
0x171: {  	s3 =	rddreg [dreg:$0x2];
	[bflag:$0x3] =	sbarrier.arrive $0xFFFF;
	s2 =	simm.s32 @!p0 $0x1C03  }
0x172: {  	[timem:s3], [sflag:s2] =	dma.local @!p0 [hbm:s0], s1  }
0x173: {  	s0 =	simm.s32 @!p0 $0x3  }
0x174: {  	_ =	swait.ge @!p0 [sflag:s0], s1  }
0x175: {  	s1 =	ssub.s32 @!p0 $0x0, s1;
	[sflag:s0] =	ssyncset.done @!p0 $0x0  }
0x176: {  	[sflag:s0] =	ssyncadd.s32 @!p0 s1  }
0x177: {  	[bflag:$0x3] =	sbarrier.arrive $0xFFFF  }
0x178: {  	_ =	shalt  }

// kernel: kernel.14.cloned.1.call-start
scs
__scs_entry_jumppad:
0x0: {  	(pc) =	sbr.rel $0x88, $3  }
0x1: {  	(tag) =	ssettag $0x0;
	lr =	simm.s32 $0x1  }
0x2: {  	[smem:$0x3F91] =	sst lr;
	_ =	strace $0xD0000000  }
0x3: {  	_ = 	snop  }
0x4: {  	_ = 	snop  }
0x5: {  	_ = 	snop  }
0x6: {  	_ = 	snop  }
0x7: {  	_ = 	snop  }
__scs_overlays_trampoline_lowered:
0x8: {  	[smem:$0x3FA0] =	sst s0  }
0x9: {  	[smem:$0x3FA1] =	sst s1  }
0xa: {  	[smem:$0x3FA2] =	sst s2  }
0xb: {  	[smem:$0x3FA3] =	sst s3  }
0xc: {  	[smem:$0x3FA4] =	sst s4  }
0xd: {  	[smem:$0x3FA5] =	sst s5  }
0xe: {  	[smem:$0x3FA6] =	sst s6  }
0xf: {  	[smem:$0x3FA7] =	sst s7  }
0x10: {  	[smem:$0x3FA8] =	sst s8  }
0x11: {  	[smem:$0x3FA9] =	sst s9;
	s0 =	simm.s32 @!p0 $0x0  }
0x12: {  	s1 =	sld [smem:$0x3F8F];
	s0 =	simm.s32 @p0 $0x1  }
0x13: {  	[smem:$0x3FAA] =	sst s0;
	s0 =	simm.s32 @!p1 $0x0  }
0x14: {  	s2 =	sld [smem:$0x3F8E];
	s0 =	simm.s32 @p1 $0x1  }
0x15: {  	[smem:$0x3FAB] =	sst s0;
	s0 =	simm.s32 @!p2 $0x0  }
0x16: {  	s3 =	sld [smem:$0x3FDB];
	s0 =	simm.s32 @p2 $0x1  }
0x17: {  	s4 =	simm.s32 $0x1BF5;
	[smem:$0x3FAD] =	sst s0  }
0x18: {  	s0 =	sld [smem:$0x3F90];
	_ =	swait.ge [sflag:s4], $0x0  }
0x19: {  	s7 =	sld [smem:$0x3F91]  }
0x1a: {  	s8 =	sadd.s32 $0xFFFFE003, lr  }
0x1b: {  	s9 =	sadd.s32 $0xFFFFFEF7, lr;
	s5 =	simm.s32 $0xFFFFFFFF;
	p2 =	slt.u32 s8, $0xFFFFF086  }
0x1c: {  	p1 =	slt.u32 s9, $0xF7A;
	s5 =	simm.s32 @!p2 $0x0  }
0x1d: {  	s5 =	simm.s32 @p1 $0x1;
	p0 =	seq.s32 s7, s2  }
0x1e: {  	s7 =	smul.u32 @!p0 $0xF7A, s2;
	p2 =	seq.s32 @!p0 s5, $0x0  }
0x1f: {  	s9 =	smul.u32 $0xF7A, s1;
	s8 =	simm.s32 @!p0 $0x1BF5;
	p2 =	por !p2, p0  }
0x20: {  	[sflag:s8] =	ssyncset.s32 @!p0 $0xFFFFF086;
	s6 =	sadd.s32 @!p0 s3, s7;
	s7 =	simm.s32 @!p0 $0x108  }
0x21: {  	s3 =	sadd.s32 s3, s9;
	s6 =	sadd.s32 @!p0 $0x88, s6;
	s7 =	simm.s32 @p2 $0x1082  }
0x22: {  	[simem:s7], [sflag:s8] =	dma.local @!p0 [hbm:s6], $0xF7A  }
0x23: {  	s9 =	sor.u32 $0xD0000000, s2;
	s6 =	simm.s32 $0x108;
	_ =	swait.ge @!p0 [sflag:s8], $0x0  }
0x24: {  	s3 =	sadd.s32 $0x88, s3;
	s6 =	simm.s32 @!p1 $0x1082;
	[sflag:s4] =	ssyncset.s32 $0xFFFFF086  }
0x25: {  	[simem:s6], [sflag:s4] =	dma.local [hbm:s3], $0xF7A  }
0x26: {  	[smem:$0x3F91] =	sst s1;
	(tag) =	ssettag s2;
	_ =	strace s9  }
0x27: {  	s1 =	sld [smem:$0x3FA1]  }
0x28: {  	s2 =	sld [smem:$0x3FA2]  }
0x29: {  	s4 =	sld [smem:$0x3FA4]  }
0x2a: {  	p0 =	seq.s32 s5, $0x0;
	s5 =	sld [smem:$0x3FA5]  }
0x2b: {  	s6 =	sld [smem:$0x3FA6]  }
0x2c: {  	s7 =	sld [smem:$0x3FA7]  }
0x2d: {  	s3 =	simm.s32 $0x108;
	s8 =	sld [smem:$0x3FA8]  }
0x2e: {  	s3 =	simm.s32 @!p0 $0x1082;
	s9 =	sld [smem:$0x3FA9]  }
0x2f: {  	lr =	sadd.s32 s0, s3;
	s0 =	sld [smem:$0x3FA0]  }
0x30: {  	s3 =	sld [smem:$0x3FA3]  }
0x31: {  	[smem:$0x3FAC] =	sst s10  }
0x32: {  	s10 =	sld [smem:$0x3FAA];
	_ =	sdelay $0x3  }
0x33: {  	p0 =	seq.s32 s10, $0x1;
	s10 =	sld [smem:$0x3FAC];
	_ =	sdelay $0x3  }
0x34: {  	[smem:$0x3FAC] =	sst s10  }
0x35: {  	s10 =	sld [smem:$0x3FAB];
	_ =	sdelay $0x3  }
0x36: {  	p1 =	seq.s32 s10, $0x1;
	s10 =	sld [smem:$0x3FAC];
	_ =	sdelay $0x3  }
0x37: {  	[smem:$0x3FAC] =	sst s10  }
0x38: {  	s10 =	sld [smem:$0x3FAD]  }
0x39: {  	_ = 	snop;
	(pc) =	sbr.ind lr, $3  }
0x3a: {  	_ = 	snop  }
0x3b: {  	_ = 	snop  }
0x3c: {  	p2 =	seq.s32 s10, $0x1;
	s10 =	sld [smem:$0x3FAC]  }
0x3d: {  	_ =	shalt  }
0x3e: {  	_ =	shalt  }
0x3f: {  	_ =	shalt  }
0x40: {  	_ =	shalt  }
0x41: {  	_ =	shalt  }
0x42: {  	_ =	shalt  }
0x43: {  	_ =	shalt  }
0x44: {  	_ =	shalt  }
0x45: {  	_ =	shalt  }
0x46: {  	_ =	shalt  }
0x47: {  	_ =	shalt  }
0x48: {  	_ =	shalt  }
0x49: {  	_ =	shalt  }
0x4a: {  	_ =	shalt  }
0x4b: {  	_ =	shalt  }
0x4c: {  	_ =	shalt  }
0x4d: {  	_ =	shalt  }
0x4e: {  	_ =	shalt  }
0x4f: {  	_ =	shalt  }
0x50: {  	_ =	shalt  }
0x51: {  	_ =	shalt  }
0x52: {  	_ =	shalt  }
0x53: {  	_ =	shalt  }
0x54: {  	_ =	shalt  }
0x55: {  	_ =	shalt  }
0x56: {  	_ =	shalt  }
0x57: {  	_ =	shalt  }
0x58: {  	_ =	shalt  }
0x59: {  	_ =	shalt  }
0x5a: {  	_ =	shalt  }
0x5b: {  	_ =	shalt  }
0x5c: {  	_ =	shalt  }
0x5d: {  	_ =	shalt  }
0x5e: {  	_ =	shalt  }
0x5f: {  	_ =	shalt  }
0x60: {  	_ =	shalt  }
0x61: {  	_ =	shalt  }
0x62: {  	_ =	shalt  }
0x63: {  	_ =	shalt  }
0x64: {  	_ =	shalt  }
0x65: {  	_ =	shalt  }
0x66: {  	_ =	shalt  }
0x67: {  	_ =	shalt  }
0x68: {  	_ =	shalt  }
0x69: {  	_ =	shalt  }
0x6a: {  	_ =	shalt  }
0x6b: {  	_ =	shalt  }
0x6c: {  	_ =	shalt  }
0x6d: {  	_ =	shalt  }
0x6e: {  	_ =	shalt  }
0x6f: {  	_ =	shalt  }
0x70: {  	_ =	shalt  }
0x71: {  	_ =	shalt  }
0x72: {  	_ =	shalt  }
0x73: {  	_ =	shalt  }
0x74: {  	_ =	shalt  }
0x75: {  	_ =	shalt  }
0x76: {  	_ =	shalt  }
0x77: {  	_ =	shalt  }
0x78: {  	_ =	shalt  }
0x79: {  	_ =	shalt  }
0x7a: {  	_ =	shalt  }
0x7b: {  	_ =	shalt  }
0x7c: {  	_ =	shalt  }
0x7d: {  	_ =	shalt  }
0x7e: {  	_ =	shalt  }
0x7f: {  	_ =	shalt  }
0x80: {  	_ =	shalt  }
0x81: {  	_ =	shalt  }
0x82: {  	_ =	shalt  }
0x83: {  	_ =	shalt  }
0x84: {  	_ =	shalt  }
0x85: {  	_ =	shalt  }
0x86: {  	_ =	shalt  }
0x87: {  	_ =	shalt  }
.Lfunc_end0:
.L_simem_size_0:
called_computation.2_lowered:
.L_overlay_start_0:
0x88: {  	s2 =	sld [smem:$0x3FD9]  }
0x89: {  	s3 =	sld [smem:$0x3FFE];
	_ =	sdelay $0x1  }
0x8a: {  	s1 =	srdreg.scid  }
0x8b: {  	s0 =	sand.u32 $0x1, s1  }
0x8c: {  	s16 =	sshll.u32 s0, $0xA;
	s2 =	sadd.s32 s3, s2  }
0x8d: {  	s2 =	sadd.s32 s2, s16  }
0x8e: {  	[smem:$0x3FB8] =	sst s2  }
0x8f: {  	_ = 	snop  }
0x90: {  	(tm) =	ssettm $0x1  }
0x91: {  	s17 =	sld [smem:$0x3FFB];
	_ =	sdelay $0x3  }
0x92: {  	_ =	strace s17  }
0x93: {  	s2 =	sld [smem:$0x3FFC];
	_ =	sdelay $0x3  }
0x94: {  	_ =	strace s2  }
0x95: {  	s2 =	sld [smem:$0x3FFD];
	_ =	sdelay $0x3  }
0x96: {  	_ =	strace s2  }
0x97: {  	_ =	strace $0x8FFFFFFF  }
0x98: {  	s18 =	sld [smem:$0x3FDB];
	_ =	sdelay $0x1  }
0x99: {  	s19 =	simm.s32 $_scs_section_size  }
0x9a: {  	s4 =	simm.s32 $_size__tile_overlayer_lowered;
	s5 =	simm.s32 $_tile_overlayer_lowered  }
0x9b: {  	s22 =	simm.s32 $0x1BFF;
	s21 =	sshll.u32 s5, $0x1;
	s2 =	sadd.s32 s19, s18  }
0x9c: {  	s6 =	simm.s32 $0x0;
	s20 =	sshll.u32 s4, $0x1;
	s4 =	sadd.s32 s21, s2  }
0x9d: {  	[timem:s6], [sflag:s22] =	dma.local [hbm:s4], s20  }
0x9e: {  	_ =	swait.ge [sflag:s22], s20  }
0x9f: {  	s3 =	ssub.s32 $0x0, s20;
	[sflag:s22] =	ssyncset.done $0x0  }
0xa0: {  	[sflag:s22] =	ssyncadd.s32 s3;
	_ =	sdelay $0x1  }
0xa1: {  	s23 =	simm.s32 $0x1B8B  }
0xa2: {  	_ =	swait.ge [sflag:s23], $0x1  }
0xa3: {  	[sflag:s23] =	ssyncset.done $0x0  }
0xa4: {  	s25 =	simm.s32 $0x1B8E;
	s24 =	sld [smem:$0x3FFE];
	[sflag:s23] =	ssyncadd.s32 $0xFFFFFFFF  }
0xa5: {  	s26 =	simm.s32 $execute0_lowered;
	[smem:$0x3FD2] =	sst s25  }
0xa6: {  	s4 =	sshll.u32 s26, $0x1;
	_ =	strace $0x8000004C;
	[dreg:$0x1] =	wrdreg $0xFFFFFFFF  }
0xa7: {  	s28 =	simm.s32 $_size_execute0_lowered;
	s2 =	sadd.s32 s2, s4;
	[dreg:$0x0] =	wrdreg $0x0  }
0xa8: {  	s4 =	sshll.u32 s28, $0x1;
	[dreg:$0x2] =	wrdreg s2  }
0xa9: {  	[dreg:$0x3] =	wrdreg s4  }
0xaa: {  	[dreg:$0x4] =	wrdreg $0xC0  }
0xab: {  	_ =	task [dreg:s6], $0x5FFFF  }
0xac: {  	[dreg:$0x1] =	wrdreg $0xFFFFFFFF  }
0xad: {  	[dreg:$0x0] =	wrdreg $0x60  }
0xae: {  	[dreg:$0x2] =	wrdreg s24  }
0xaf: {  	[dreg:$0x3] =	wrdreg $0x90000  }
0xb0: {  	[dreg:$0x4] =	wrdreg $0x9  }
0xb1: {  	_ =	task.clear_ibuf [dreg:s6], $0x5FFFF;
	_ =	strace $0x9000004C  }
0xb2: {  	s29 =	simm.s32 $0x9;
	_ =	strace $0x8000004E  }
0xb3: {  	_ =	swait.ge [sflag:s29], $0x1  }
0xb4: {  	[sflag:s29] =	ssyncadd.s32 $0xFFFFFFFF  }
0xb5: {  	_ =	strace $0x9000004E  }
0xb6: {  	_ =	sfence  }
0xb7: {  	s30 =	sld [smem:$0x0];
	_ =	sdelay $0x2  }
0xb8: {  	s31 =	sshll.u32 s1, $0xD;
	s1 =	sshrl.u32 s1, $0x2  }
0xb9: {  	s3 =	sand.u32 $0x4000, s31;
	s1 =	sadd.s32 s1, s30  }
0xba: {  	s0 =	sor.u32 s3, s0;
	s1 =	sshll.u32 s1, $0x11  }
0xbb: {  	s0 =	sor.u32 s1, s0  }
0xbc: {  	s0 =	sadd.s32 $0x8F2B, s0  }
0xbd: {  	[sflag:s0] =	ssyncadd.remote.s32 $0x1  }
0xbe: {  	_ =	sfence.sel $0xFFFF  }
0xbf: {  	[dreg:$0x0] =	wrdreg $0xFFFFFFFF;
	(pc) =	sbr.abs _section_cstart, $3  }
0xc0: {  	[dreg:$0x1] =	wrdreg $0xFFFFFFFF  }
0xc1: {  	_ =	task.clear_ibuf [dreg:s6], $0x2FFFF;
	_ =	strace $0x9FFFFFFF  }
0xc2: {  	(tm) =	ssettm $0x7FFFFFFF  }
0xc3: {  	_ =	shalt  }
tec
execute0_lowered:
.L_overlay_start_1:
0x0: {  	(tag) =	ssettag $0x1  }
0x1: {  	s0 =	rddreg [dreg:$0x0];
	s1 =	srdreg.scid  }
0x2: {  	s2 =	rddreg [dreg:$0x1];
	s8 =	stileid.u32  }
0x3: {  	s10 =	simm.s32 $0x100;
	s12 =	simm.s32 $0x880;
	s13 =	simm.s32 $0x180  }
0x4: {  	s14 =	simm.s32 $0x900;
	s15 =	simm.s32 $0x200;
	s16 =	simm.s32 $0x980  }
0x5: {  	s18 =	simm.s32 $0x280;
	s20 =	simm.s32 $0xA00;
	s3 =	sshll.u32 s8, $0x1  }
0x6: {  	s21 =	simm.s32 $0x300;
	s5 =	sor.u32 $0x80, s3;
	s3 =	simm.s32 $0x0  }
0x7: {  	s22 =	simm.s32 $0xA80;
	s23 =	simm.s32 $0x380;
	[smem:$0x7FF] =	sst s3  }
0x8: {  	s28 =	simm.s32 $0xD00;
	_ =	strace $0x8000004D;
	[dreg:$0x3] =	wrdreg s10  }
0x9: {  	s29 =	simm.s32 $0x600;
	s30 =	simm.s32 $0xD80;
	[dreg:$0x4] =	wrdreg s12  }
0xa: {  	s31 =	simm.s32 $0x680;
	s1 =	sand.u32 $0x1, s1;
	[dreg:$0x5] =	wrdreg s13  }
0xb: {  	s4 =	sshll.u32 s8, $0x3;
	s7 =	smul.u32 $0x13C00, s8;
	[dreg:$0x6] =	wrdreg s14  }
0xc: {  	s8 =	smul.u32 $0x4F000, s8;
	p0 =	seq.s32 s1, $0x0;
	[dreg:$0x7] =	wrdreg s15  }
0xd: {  	s6 =	smul.u32 $0x13C000, s1;
	s1 =	ssub.s32 $0x2, s1;
	[dreg:$0x8] =	wrdreg s16  }
0xe: {  	s5 =	smov.u32 @p0 s4;
	s4 =	sadd.s32 $0x16E00, s0;
	[dreg:$0x9] =	wrdreg s18  }
0xf: {  	s25 =	sshrl.u32 s8, $0x2;
	s26 =	sshrl.u32 s1, $0x1;
	[dreg:$0xa] =	wrdreg s20  }
0x10: {  	s5 =	sshll.u32 s5, $0x8;
	s24 =	sadd.s32 s7, s6;
	[dreg:$0xb] =	wrdreg s21  }
0x11: {  	s1 =	ssub.s32 s1, s26;
	s15 =	simm.s32 $0x1000;
	[dreg:$0xc] =	wrdreg s22  }
0x12: {  	s16 =	simm.s32 $0x3;
	s18 =	simm.s32 $0x80;
	[dreg:$0xd] =	wrdreg s23  }
0x13: {  	s20 =	simm.s32 $0x1;
	s26 =	simm.s32 $0xB80;
	s21 =	simm.s32 $0x2  }
0x14: {  	s22 =	simm.s32 $0x480;
	s23 =	simm.s32 $0xC00;
	s9 =	sadd.s32 s5, s0  }
0x15: {  	s7 =	sshrl.u32 s24, $0x3;
	s1 =	smax.u32 s1, $0x1;
	[dreg:$0x10] =	wrdreg s26  }
0x16: {  	s5 =	sadd.s32 s25, s2;
	s24 =	simm.s32 $0xB00;
	[dreg:$0x17] =	wrdreg s1  }
0x17: {  	s25 =	simm.s32 $0x400;
	s26 =	simm.s32 $0x580;
	[dreg:$0xe] =	wrdreg s24  }
0x18: {  	s0 =	sadd.s32 s7, s0;
	s6 =	sadd.s32 $0x4000, s5;
	[dreg:$0xf] =	wrdreg s25  }
0x19: {  	s7 =	sadd.s32 $0x8000, s5;
	s8 =	sadd.s32 $0xC000, s5;
	[dreg:$0x11] =	wrdreg s6  }
0x1a: {  	s11 =	sadd.s32 $0x10000, s5;
	s17 =	sadd.s32 $0xCE00, s9;
	[dreg:$0x12] =	wrdreg s7  }
0x1b: {  	s19 =	sadd.s32 $0x2E00, s9;
	s24 =	simm.s32 $0x500;
	[dreg:$0x13] =	wrdreg s8  }
0x1c: {  	s25 =	simm.s32 $0xC80;
	s1 =	simm.s32 $0x700;
	[dreg:$0x14] =	wrdreg s11  }
0x1d: {  	s9 =	simm.s32 $0xF80;
	s7 =	simm.s32 $0x8;
	[dreg:$0x18] =	wrdreg s17  }
0x1e: {  	s0 =	sadd.s32 $0x3E000, s0;
	[dreg:$0x19] =	wrdreg s19;
	s17 =	simm.s32 $0x800  }
0x1f: {  	s19 =	simm.s32 $0x5000;
	s6 =	simm.s32 $0xE80;
	s8 =	simm.s32 $0xF00  }
0x20: {  	s11 =	simm.s32 $0x0;
	s7 =	simm.s32 @!p0 $0x2;
	[dreg:$0x16] =	wrdreg s0  }
0x21: {  	v0 =	vimm.f32 $0.0e+00;
	s0 =	simm.s32 $0xE00;
	[dreg:$0x15] =	wrdreg s7;
	s7 =	simm.s32 $0x780  }
.LBB2_1:
0x22: {  	s12 =	simm.s32 $0x0;
	s13 =	simm.s32 $0x200  }
.LBB2_2:
0x23: {  	p0 =	sne.s32 s13, $0xFE00;
	[tilespmem:s12+$0x1070] =	vst v0  }
0x24: {  	[tilespmem:s12+$0x1000] =	vst v0  }
0x25: {  	[tilespmem:s12+$0x1010] =	vst v0  }
.Ltmp0:
0x26: {  	[tilespmem:s12+$0x1020] =	vst v0;
	(pc) =	sbr.rel @p0 .LBB2_2-.Ltmp0, $4  }
0x27: {  	[tilespmem:s12+$0x1030] =	vst v0  }
0x28: {  	[tilespmem:s12+$0x1040] =	vst v0  }
0x29: {  	[tilespmem:s12+$0x1050] =	vst v0  }
0x2a: {  	[tilespmem:s12+$0x1060] =	vst v0;
	s12 =	sshra.s32 s13, $0x2;
	s13 =	sadd.s32 $0x200, s13  }
0x2b: {  	[tilespmem:s12+$0x1070] =	vst v0  }
0x2c: {  	[tilespmem:s12+$0x1000] =	vst v0  }
0x2d: {  	[tilespmem:s12+$0x1010] =	vst v0  }
0x2e: {  	[tilespmem:s12+$0x1020] =	vst v0  }
0x2f: {  	[tilespmem:s12+$0x1030] =	vst v0  }
0x30: {  	[tilespmem:s12+$0x1040] =	vst v0  }
0x31: {  	[tilespmem:s12+$0x1050] =	vst v0  }
0x32: {  	[tilespmem:s12+$0x1060] =	vst v0  }
0x33: {  	[spmem:s5] =	stream.linear.scatter [tilespmem:s15], [sflag:$0x3], $0x4000, $0x38;
	[tilespmem:$0x1CC00] =	vst v63  }
0x34: {  	_ =	swait.ge [sflag:s16], $0x4000  }
0x35: {  	[sflag:s16] =	ssyncset.done $0x0  }
0x36: {  	s10 =	rddreg [dreg:$0x11];
	[sflag:s16] =	ssyncadd.s32 $0xFFFFC000  }
0x37: {  	[spmem:s10] =	stream.linear.scatter [tilespmem:s15], [sflag:$0x3], $0x4000, $0x38;
	[tilespmem:$0x1CC00] =	vst v63  }
0x38: {  	_ =	swait.ge [sflag:s16], $0x4000  }
0x39: {  	[sflag:s16] =	ssyncset.done $0x0  }
0x3a: {  	s12 =	rddreg [dreg:$0x12];
	[sflag:s16] =	ssyncadd.s32 $0xFFFFC000  }
0x3b: {  	[spmem:s12] =	stream.linear.scatter [tilespmem:s15], [sflag:$0x3], $0x4000, $0x38;
	[tilespmem:$0x1CC00] =	vst v63  }
0x3c: {  	_ =	swait.ge [sflag:s16], $0x4000  }
0x3d: {  	[sflag:s16] =	ssyncset.done $0x0  }
0x3e: {  	s13 =	rddreg [dreg:$0x13];
	[sflag:s16] =	ssyncadd.s32 $0xFFFFC000  }
0x3f: {  	[spmem:s13] =	stream.linear.scatter [tilespmem:s15], [sflag:$0x3], $0x4000, $0x38;
	[tilespmem:$0x1CC00] =	vst v63  }
0x40: {  	_ =	swait.ge [sflag:s16], $0x4000  }
0x41: {  	[sflag:s16] =	ssyncset.done $0x0  }
0x42: {  	s14 =	rddreg [dreg:$0x14];
	[sflag:s16] =	ssyncadd.s32 $0xFFFFC000  }
0x43: {  	[spmem:s14] =	stream.linear.scatter [tilespmem:s15], [sflag:$0x3], $0x3C00, $0x38;
	[tilespmem:$0x1CC00] =	vst v63  }
0x44: {  	_ =	swait.ge [sflag:s16], $0x3C00  }
0x45: {  	[sflag:s16] =	ssyncset.done $0x0  }
0x46: {  	[sflag:s16] =	ssyncadd.s32 $0xFFFFC400  }
0x47: {  	[bflag:$0x0] =	sbarrier.arrive $0xFFFF  }
0x48: {  	s14 =	rddreg [dreg:$0x19]  }
0x49: {  	[tilespmem:s3], [sflag:$0x3] =	stream.linear.gather [hbm4b:s14+s3], $0x800, $0x38;
	[tilespmem:$0x1CC00] =	vst v63  }
0x4a: {  	_ =	swait.ge [sflag:s16], $0x800  }
0x4b: {  	[sflag:s16] =	ssyncset.done $0x0  }
0x4c: {  	s13 =	rddreg [dreg:$0x18];
	[sflag:s16] =	ssyncadd.s32 $0xFFFFF800  }
0x4d: {  	[tilespmem:s17], [sflag:$0x3] =	stream.linear.gather [hbm4b:s13+s3], $0x800, $0x38;
	[tilespmem:$0x1CC00] =	vst v63  }
0x4e: {  	_ =	swait.ge [sflag:s16], $0x800  }
0x4f: {  	[sflag:s16] =	ssyncset.done $0x0  }
0x50: {  	[sflag:s16] =	ssyncadd.s32 $0xFFFFF800  }
0x51: {  	[tilespmem:s15], [sflag:$0x1] =	stream.indirect.gather [hbm4b:s4+s18], $0x80, s3, s18, $0xb8;
	[tilespmem:$0x1CC00] =	vst v63  }
0x52: {  	_ = 	snop  }
0x53: {  	[tilespmem:s19], [sflag:$0x2] =	stream.indirect.gather [hbm4b:s4+s18], $0x80, s18, s18, $0xb8;
	[tilespmem:$0x1CC00] =	vst v63  }
0x54: {  	_ =	swait.ge [sflag:s20], $0x4000  }
0x55: {  	[sflag:s20] =	ssyncset.done $0x0  }
0x56: {  	[sflag:s20] =	ssyncadd.s32 $0xFFFFC000  }
0x57: {  	[spmem:s2] =	stream.indirect.scatter.add.f32 [tilespmem:s15], [sflag:$0x3], $0x80, s17, s18, $0xb8;
	[tilespmem:$0x1CC00] =	vst v63  }
0x58: {  	_ =	swait.ge [sflag:s16], $0x4000  }
0x59: {  	[sflag:s16] =	ssyncset.done $0x0  }
0x5a: {  	s10 =	rddreg [dreg:$0x3];
	[sflag:s16] =	ssyncadd.s32 $0xFFFFC000  }
0x5b: {  	[tilespmem:s15], [sflag:$0x1] =	stream.indirect.gather [hbm4b:s4+s18], $0x80, s10, s18, $0xb8;
	[tilespmem:$0x1CC00] =	vst v63  }
0x5c: {  	_ =	swait.ge [sflag:s21], $0x4000  }
0x5d: {  	[sflag:s21] =	ssyncset.done $0x0  }
0x5e: {  	s10 =	rddreg [dreg:$0x4];
	[sflag:s21] =	ssyncadd.s32 $0xFFFFC000  }
0x5f: {  	[spmem:s2] =	stream.indirect.scatter.add.f32 [tilespmem:s19], [sflag:$0x3], $0x80, s10, s18, $0xb8;
	[tilespmem:$0x1CC00] =	vst v63  }
0x60: {  	_ =	swait.ge [sflag:s16], $0x4000  }
0x61: {  	[sflag:s16] =	ssyncset.done $0x0  }
0x62: {  	s10 =	rddreg [dreg:$0x5];
	[sflag:s16] =	ssyncadd.s32 $0xFFFFC000  }
0x63: {  	[tilespmem:s19], [sflag:$0x2] =	stream.indirect.gather [hbm4b:s4+s18], $0x80, s10, s18, $0xb8;
	[tilespmem:$0x1CC00] =	vst v63  }
0x64: {  	_ =	swait.ge [sflag:s20], $0x4000  }
0x65: {  	[sflag:s20] =	ssyncset.done $0x0  }
0x66: {  	s10 =	rddreg [dreg:$0x6];
	[sflag:s20] =	ssyncadd.s32 $0xFFFFC000  }
0x67: {  	[spmem:s2] =	stream.indirect.scatter.add.f32 [tilespmem:s15], [sflag:$0x3], $0x80, s10, s18, $0xb8;
	[tilespmem:$0x1CC00] =	vst v63  }
0x68: {  	_ =	swait.ge [sflag:s16], $0x4000  }
0x69: {  	[sflag:s16] =	ssyncset.done $0x0  }
0x6a: {  	s10 =	rddreg [dreg:$0x7];
	[sflag:s16] =	ssyncadd.s32 $0xFFFFC000  }
0x6b: {  	[tilespmem:s15], [sflag:$0x1] =	stream.indirect.gather [hbm4b:s4+s18], $0x80, s10, s18, $0xb8;
	[tilespmem:$0x1CC00] =	vst v63  }
0x6c: {  	_ =	swait.ge [sflag:s21], $0x4000  }
0x6d: {  	[sflag:s21] =	ssyncset.done $0x0  }
0x6e: {  	s10 =	rddreg [dreg:$0x8];
	[sflag:s21] =	ssyncadd.s32 $0xFFFFC000  }
0x6f: {  	[spmem:s2] =	stream.indirect.scatter.add.f32 [tilespmem:s19], [sflag:$0x3], $0x80, s10, s18, $0xb8;
	[tilespmem:$0x1CC00] =	vst v63  }
0x70: {  	_ =	swait.ge [sflag:s16], $0x4000  }
0x71: {  	[sflag:s16] =	ssyncset.done $0x0  }
0x72: {  	s10 =	rddreg [dreg:$0x9];
	[sflag:s16] =	ssyncadd.s32 $0xFFFFC000  }
0x73: {  	[tilespmem:s19], [sflag:$0x2] =	stream.indirect.gather [hbm4b:s4+s18], $0x80, s10, s18, $0xb8;
	[tilespmem:$0x1CC00] =	vst v63  }
0x74: {  	_ =	swait.ge [sflag:s20], $0x4000  }
0x75: {  	[sflag:s20] =	ssyncset.done $0x0  }
0x76: {  	s10 =	rddreg [dreg:$0xa];
	[sflag:s20] =	ssyncadd.s32 $0xFFFFC000  }
0x77: {  	[spmem:s2] =	stream.indirect.scatter.add.f32 [tilespmem:s15], [sflag:$0x3], $0x80, s10, s18, $0xb8;
	[tilespmem:$0x1CC00] =	vst v63  }
0x78: {  	_ =	swait.ge [sflag:s16], $0x4000  }
0x79: {  	[sflag:s16] =	ssyncset.done $0x0  }
0x7a: {  	s10 =	rddreg [dreg:$0xb];
	[sflag:s16] =	ssyncadd.s32 $0xFFFFC000  }
0x7b: {  	[tilespmem:s15], [sflag:$0x1] =	stream.indirect.gather [hbm4b:s4+s18], $0x80, s10, s18, $0xb8;
	[tilespmem:$0x1CC00] =	vst v63  }
0x7c: {  	_ =	swait.ge [sflag:s21], $0x4000  }
0x7d: {  	[sflag:s21] =	ssyncset.done $0x0  }
0x7e: {  	s10 =	rddreg [dreg:$0xc];
	[sflag:s21] =	ssyncadd.s32 $0xFFFFC000  }
0x7f: {  	[spmem:s2] =	stream.indirect.scatter.add.f32 [tilespmem:s19], [sflag:$0x3], $0x80, s10, s18, $0xb8;
	[tilespmem:$0x1CC00] =	vst v63  }
0x80: {  	_ =	swait.ge [sflag:s16], $0x4000  }
0x81: {  	[sflag:s16] =	ssyncset.done $0x0  }
0x82: {  	s10 =	rddreg [dreg:$0xd];
	[sflag:s16] =	ssyncadd.s32 $0xFFFFC000  }
0x83: {  	[tilespmem:s19], [sflag:$0x2] =	stream.indirect.gather [hbm4b:s4+s18], $0x80, s10, s18, $0xb8;
	[tilespmem:$0x1CC00] =	vst v63  }
0x84: {  	_ =	swait.ge [sflag:s20], $0x4000  }
0x85: {  	[sflag:s20] =	ssyncset.done $0x0  }
0x86: {  	s10 =	rddreg [dreg:$0xe];
	[sflag:s20] =	ssyncadd.s32 $0xFFFFC000  }
0x87: {  	[spmem:s2] =	stream.indirect.scatter.add.f32 [tilespmem:s15], [sflag:$0x3], $0x80, s10, s18, $0xb8;
	[tilespmem:$0x1CC00] =	vst v63  }
0x88: {  	_ =	swait.ge [sflag:s16], $0x4000  }
0x89: {  	[sflag:s16] =	ssyncset.done $0x0  }
0x8a: {  	s10 =	rddreg [dreg:$0xf];
	[sflag:s16] =	ssyncadd.s32 $0xFFFFC000  }
0x8b: {  	[tilespmem:s15], [sflag:$0x1] =	stream.indirect.gather [hbm4b:s4+s18], $0x80, s10, s18, $0xb8;
	[tilespmem:$0x1CC00] =	vst v63  }
0x8c: {  	_ =	swait.ge [sflag:s21], $0x4000  }
0x8d: {  	[sflag:s21] =	ssyncset.done $0x0  }
0x8e: {  	s10 =	rddreg [dreg:$0x10];
	[sflag:s21] =	ssyncadd.s32 $0xFFFFC000  }
0x8f: {  	[spmem:s2] =	stream.indirect.scatter.add.f32 [tilespmem:s19], [sflag:$0x3], $0x80, s10, s18, $0xb8;
	[tilespmem:$0x1CC00] =	vst v63  }
0x90: {  	_ =	swait.ge [sflag:s16], $0x4000  }
0x91: {  	[sflag:s16] =	ssyncset.done $0x0  }
0x92: {  	[sflag:s16] =	ssyncadd.s32 $0xFFFFC000  }
0x93: {  	[tilespmem:s19], [sflag:$0x2] =	stream.indirect.gather [hbm4b:s4+s18], $0x80, s22, s18, $0xb8;
	[tilespmem:$0x1CC00] =	vst v63  }
0x94: {  	_ =	swait.ge [sflag:s20], $0x4000  }
0x95: {  	[sflag:s20] =	ssyncset.done $0x0  }
0x96: {  	[sflag:s20] =	ssyncadd.s32 $0xFFFFC000  }
0x97: {  	[spmem:s2] =	stream.indirect.scatter.add.f32 [tilespmem:s15], [sflag:$0x3], $0x80, s23, s18, $0xb8;
	[tilespmem:$0x1CC00] =	vst v63  }
0x98: {  	_ =	swait.ge [sflag:s16], $0x4000  }
0x99: {  	[sflag:s16] =	ssyncset.done $0x0  }
0x9a: {  	[sflag:s16] =	ssyncadd.s32 $0xFFFFC000  }
0x9b: {  	[tilespmem:s15], [sflag:$0x1] =	stream.indirect.gather [hbm4b:s4+s18], $0x80, s24, s18, $0xb8;
	[tilespmem:$0x1CC00] =	vst v63  }
0x9c: {  	_ =	swait.ge [sflag:s21], $0x4000  }
0x9d: {  	[sflag:s21] =	ssyncset.done $0x0  }
0x9e: {  	[sflag:s21] =	ssyncadd.s32 $0xFFFFC000  }
0x9f: {  	[spmem:s2] =	stream.indirect.scatter.add.f32 [tilespmem:s19], [sflag:$0x3], $0x80, s25, s18, $0xb8;
	[tilespmem:$0x1CC00] =	vst v63  }
0xa0: {  	_ =	swait.ge [sflag:s16], $0x4000  }
0xa1: {  	[sflag:s16] =	ssyncset.done $0x0  }
0xa2: {  	[sflag:s16] =	ssyncadd.s32 $0xFFFFC000  }
0xa3: {  	[tilespmem:s19], [sflag:$0x2] =	stream.indirect.gather [hbm4b:s4+s18], $0x80, s26, s18, $0xb8;
	[tilespmem:$0x1CC00] =	vst v63  }
0xa4: {  	_ =	swait.ge [sflag:s20], $0x4000  }
0xa5: {  	[sflag:s20] =	ssyncset.done $0x0  }
0xa6: {  	[sflag:s20] =	ssyncadd.s32 $0xFFFFC000  }
0xa7: {  	[spmem:s2] =	stream.indirect.scatter.add.f32 [tilespmem:s15], [sflag:$0x3], $0x80, s28, s18, $0xb8;
	[tilespmem:$0x1CC00] =	vst v63  }
0xa8: {  	_ =	swait.ge [sflag:s16], $0x4000  }
0xa9: {  	[sflag:s16] =	ssyncset.done $0x0  }
0xaa: {  	[sflag:s16] =	ssyncadd.s32 $0xFFFFC000  }
0xab: {  	[tilespmem:s15], [sflag:$0x1] =	stream.indirect.gather [hbm4b:s4+s18], $0x80, s29, s18, $0xb8;
	[tilespmem:$0x1CC00] =	vst v63  }
0xac: {  	_ =	swait.ge [sflag:s21], $0x4000  }
0xad: {  	[sflag:s21] =	ssyncset.done $0x0  }
0xae: {  	[sflag:s21] =	ssyncadd.s32 $0xFFFFC000  }
0xaf: {  	[spmem:s2] =	stream.indirect.scatter.add.f32 [tilespmem:s19], [sflag:$0x3], $0x80, s30, s18, $0xb8;
	[tilespmem:$0x1CC00] =	vst v63  }
0xb0: {  	_ =	swait.ge [sflag:s16], $0x4000  }
0xb1: {  	[sflag:s16] =	ssyncset.done $0x0  }
0xb2: {  	[sflag:s16] =	ssyncadd.s32 $0xFFFFC000  }
0xb3: {  	[tilespmem:s19], [sflag:$0x2] =	stream.indirect.gather [hbm4b:s4+s18], $0x80, s31, s18, $0xb8;
	[tilespmem:$0x1CC00] =	vst v63  }
0xb4: {  	_ =	swait.ge [sflag:s20], $0x4000  }
0xb5: {  	[sflag:s20] =	ssyncset.done $0x0  }
0xb6: {  	[sflag:s20] =	ssyncadd.s32 $0xFFFFC000  }
0xb7: {  	[spmem:s2] =	stream.indirect.scatter.add.f32 [tilespmem:s15], [sflag:$0x3], $0x80, s0, s18, $0xb8;
	[tilespmem:$0x1CC00] =	vst v63  }
0xb8: {  	_ =	swait.ge [sflag:s16], $0x4000  }
0xb9: {  	[sflag:s16] =	ssyncset.done $0x0  }
0xba: {  	[sflag:s16] =	ssyncadd.s32 $0xFFFFC000  }
0xbb: {  	[tilespmem:s15], [sflag:$0x1] =	stream.indirect.gather [hbm4b:s4+s18], $0x80, s1, s18, $0xb8;
	[tilespmem:$0x1CC00] =	vst v63  }
0xbc: {  	_ =	swait.ge [sflag:s21], $0x4000  }
0xbd: {  	[sflag:s21] =	ssyncset.done $0x0  }
0xbe: {  	[sflag:s21] =	ssyncadd.s32 $0xFFFFC000  }
0xbf: {  	[spmem:s2] =	stream.indirect.scatter.add.f32 [tilespmem:s19], [sflag:$0x3], $0x80, s6, s18, $0xb8;
	[tilespmem:$0x1CC00] =	vst v63  }
0xc0: {  	_ =	swait.ge [sflag:s16], $0x4000  }
0xc1: {  	[sflag:s16] =	ssyncset.done $0x0  }
0xc2: {  	[sflag:s16] =	ssyncadd.s32 $0xFFFFC000  }
0xc3: {  	[tilespmem:s19], [sflag:$0x2] =	stream.indirect.gather [hbm4b:s4+s18], $0x80, s7, s18, $0xb8;
	[tilespmem:$0x1CC00] =	vst v63  }
0xc4: {  	_ =	swait.ge [sflag:s20], $0x4000  }
0xc5: {  	[sflag:s20] =	ssyncset.done $0x0  }
0xc6: {  	[sflag:s20] =	ssyncadd.s32 $0xFFFFC000  }
0xc7: {  	[spmem:s2] =	stream.indirect.scatter.add.f32 [tilespmem:s15], [sflag:$0x3], $0x80, s8, s18, $0xb8;
	[tilespmem:$0x1CC00] =	vst v63  }
0xc8: {  	_ =	swait.ge [sflag:s16], $0x4000  }
0xc9: {  	[sflag:s16] =	ssyncset.done $0x0  }
0xca: {  	[sflag:s16] =	ssyncadd.s32 $0xFFFFC000  }
0xcb: {  	_ =	swait.ge [sflag:s21], $0x4000  }
0xcc: {  	s12 =	rddreg [dreg:$0x15]  }
0xcd: {  	p0 =	sne.s32 s12, $0x1  }
.Ltmp1:
0xce: {  	[sflag:s21] =	ssyncset.done $0x0;
	(pc) =	sbr.rel @!p0 .LBB2_5-.Ltmp1, $4  }
0xcf: {  	[sflag:s21] =	ssyncadd.s32 $0xFFFFC000  }
0xd0: {  	[spmem:s2] =	stream.indirect.scatter.add.f32 [tilespmem:s19], [sflag:$0x3], $0x80, s9, s18, $0xb8;
	[tilespmem:$0x1CC00] =	vst v63  }
0xd1: {  	_ =	swait.ge [sflag:s16], $0x4000  }
0xd2: {  	s12 =	sadd.s32 $0xFFFFFFFF, s12;
	[sflag:s16] =	ssyncset.done $0x0  }
.LBB2_4:
0xd3: {  	[sflag:s16] =	ssyncadd.s32 $0xFFFFC000;
	s14 =	sadd.s32 $0x100, s14  }
0xd4: {  	[tilespmem:s3], [sflag:$0x3] =	stream.linear.gather [hbm4b:s14+s3], $0x800, $0x38;
	[tilespmem:$0x1CC00] =	vst v63  }
0xd5: {  	_ =	swait.ge [sflag:s16], $0x800  }
0xd6: {  	[sflag:s16] =	ssyncset.done $0x0  }
0xd7: {  	s13 =	sadd.s32 $0x100, s13;
	[sflag:s16] =	ssyncadd.s32 $0xFFFFF800  }
0xd8: {  	[tilespmem:s17], [sflag:$0x3] =	stream.linear.gather [hbm4b:s13+s3], $0x800, $0x38;
	[tilespmem:$0x1CC00] =	vst v63  }
0xd9: {  	_ =	swait.ge [sflag:s16], $0x800  }
0xda: {  	[sflag:s16] =	ssyncset.done $0x0  }
0xdb: {  	[sflag:s16] =	ssyncadd.s32 $0xFFFFF800  }
0xdc: {  	[tilespmem:s15], [sflag:$0x1] =	stream.indirect.gather [hbm4b:s4+s18], $0x80, s3, s18, $0xb8;
	[tilespmem:$0x1CC00] =	vst v63  }
0xdd: {  	_ = 	snop  }
0xde: {  	[tilespmem:s19], [sflag:$0x2] =	stream.indirect.gather [hbm4b:s4+s18], $0x80, s18, s18, $0xb8;
	[tilespmem:$0x1CC00] =	vst v63  }
0xdf: {  	_ =	swait.ge [sflag:s20], $0x4000  }
0xe0: {  	[sflag:s20] =	ssyncset.done $0x0  }
0xe1: {  	[sflag:s20] =	ssyncadd.s32 $0xFFFFC000  }
0xe2: {  	[spmem:s2] =	stream.indirect.scatter.add.f32 [tilespmem:s15], [sflag:$0x3], $0x80, s17, s18, $0xb8;
	[tilespmem:$0x1CC00] =	vst v63  }
0xe3: {  	_ =	swait.ge [sflag:s16], $0x4000  }
0xe4: {  	[sflag:s16] =	ssyncset.done $0x0  }
0xe5: {  	s10 =	rddreg [dreg:$0x3];
	[sflag:s16] =	ssyncadd.s32 $0xFFFFC000  }
0xe6: {  	[tilespmem:s15], [sflag:$0x1] =	stream.indirect.gather [hbm4b:s4+s18], $0x80, s10, s18, $0xb8;
	[tilespmem:$0x1CC00] =	vst v63  }
0xe7: {  	_ =	swait.ge [sflag:s21], $0x4000  }
0xe8: {  	[sflag:s21] =	ssyncset.done $0x0  }
0xe9: {  	s10 =	rddreg [dreg:$0x4];
	[sflag:s21] =	ssyncadd.s32 $0xFFFFC000  }
0xea: {  	[spmem:s2] =	stream.indirect.scatter.add.f32 [tilespmem:s19], [sflag:$0x3], $0x80, s10, s18, $0xb8;
	[tilespmem:$0x1CC00] =	vst v63  }
0xeb: {  	_ =	swait.ge [sflag:s16], $0x4000  }
0xec: {  	[sflag:s16] =	ssyncset.done $0x0  }
0xed: {  	s10 =	rddreg [dreg:$0x5];
	[sflag:s16] =	ssyncadd.s32 $0xFFFFC000  }
0xee: {  	[tilespmem:s19], [sflag:$0x2] =	stream.indirect.gather [hbm4b:s4+s18], $0x80, s10, s18, $0xb8;
	[tilespmem:$0x1CC00] =	vst v63  }
0xef: {  	_ =	swait.ge [sflag:s20], $0x4000  }
0xf0: {  	[sflag:s20] =	ssyncset.done $0x0  }
0xf1: {  	s10 =	rddreg [dreg:$0x6];
	[sflag:s20] =	ssyncadd.s32 $0xFFFFC000  }
0xf2: {  	[spmem:s2] =	stream.indirect.scatter.add.f32 [tilespmem:s15], [sflag:$0x3], $0x80, s10, s18, $0xb8;
	[tilespmem:$0x1CC00] =	vst v63  }
0xf3: {  	_ =	swait.ge [sflag:s16], $0x4000  }
0xf4: {  	[sflag:s16] =	ssyncset.done $0x0  }
0xf5: {  	s10 =	rddreg [dreg:$0x7];
	[sflag:s16] =	ssyncadd.s32 $0xFFFFC000  }
0xf6: {  	[tilespmem:s15], [sflag:$0x1] =	stream.indirect.gather [hbm4b:s4+s18], $0x80, s10, s18, $0xb8;
	[tilespmem:$0x1CC00] =	vst v63  }
0xf7: {  	_ =	swait.ge [sflag:s21], $0x4000  }
0xf8: {  	[sflag:s21] =	ssyncset.done $0x0  }
0xf9: {  	s10 =	rddreg [dreg:$0x8];
	[sflag:s21] =	ssyncadd.s32 $0xFFFFC000  }
0xfa: {  	[spmem:s2] =	stream.indirect.scatter.add.f32 [tilespmem:s19], [sflag:$0x3], $0x80, s10, s18, $0xb8;
	[tilespmem:$0x1CC00] =	vst v63  }
0xfb: {  	_ =	swait.ge [sflag:s16], $0x4000  }
0xfc: {  	[sflag:s16] =	ssyncset.done $0x0  }
0xfd: {  	s10 =	rddreg [dreg:$0x9];
	[sflag:s16] =	ssyncadd.s32 $0xFFFFC000  }
0xfe: {  	[tilespmem:s19], [sflag:$0x2] =	stream.indirect.gather [hbm4b:s4+s18], $0x80, s10, s18, $0xb8;
	[tilespmem:$0x1CC00] =	vst v63  }
0xff: {  	_ =	swait.ge [sflag:s20], $0x4000  }
0x100: {  	[sflag:s20] =	ssyncset.done $0x0  }
0x101: {  	s10 =	rddreg [dreg:$0xa];
	[sflag:s20] =	ssyncadd.s32 $0xFFFFC000  }
0x102: {  	[spmem:s2] =	stream.indirect.scatter.add.f32 [tilespmem:s15], [sflag:$0x3], $0x80, s10, s18, $0xb8;
	[tilespmem:$0x1CC00] =	vst v63  }
0x103: {  	_ =	swait.ge [sflag:s16], $0x4000  }
0x104: {  	[sflag:s16] =	ssyncset.done $0x0  }
0x105: {  	s10 =	rddreg [dreg:$0xb];
	[sflag:s16] =	ssyncadd.s32 $0xFFFFC000  }
0x106: {  	[tilespmem:s15], [sflag:$0x1] =	stream.indirect.gather [hbm4b:s4+s18], $0x80, s10, s18, $0xb8;
	[tilespmem:$0x1CC00] =	vst v63  }
0x107: {  	_ =	swait.ge [sflag:s21], $0x4000  }
0x108: {  	[sflag:s21] =	ssyncset.done $0x0  }
0x109: {  	s10 =	rddreg [dreg:$0xc];
	[sflag:s21] =	ssyncadd.s32 $0xFFFFC000  }
0x10a: {  	[spmem:s2] =	stream.indirect.scatter.add.f32 [tilespmem:s19], [sflag:$0x3], $0x80, s10, s18, $0xb8;
	[tilespmem:$0x1CC00] =	vst v63  }
0x10b: {  	_ =	swait.ge [sflag:s16], $0x4000  }
0x10c: {  	[sflag:s16] =	ssyncset.done $0x0  }
0x10d: {  	s10 =	rddreg [dreg:$0xd];
	[sflag:s16] =	ssyncadd.s32 $0xFFFFC000  }
0x10e: {  	[tilespmem:s19], [sflag:$0x2] =	stream.indirect.gather [hbm4b:s4+s18], $0x80, s10, s18, $0xb8;
	[tilespmem:$0x1CC00] =	vst v63  }
0x10f: {  	_ =	swait.ge [sflag:s20], $0x4000  }
0x110: {  	[sflag:s20] =	ssyncset.done $0x0  }
0x111: {  	s10 =	rddreg [dreg:$0xe];
	[sflag:s20] =	ssyncadd.s32 $0xFFFFC000  }
0x112: {  	[spmem:s2] =	stream.indirect.scatter.add.f32 [tilespmem:s15], [sflag:$0x3], $0x80, s10, s18, $0xb8;
	[tilespmem:$0x1CC00] =	vst v63  }
0x113: {  	_ =	swait.ge [sflag:s16], $0x4000  }
0x114: {  	[sflag:s16] =	ssyncset.done $0x0  }
0x115: {  	s10 =	rddreg [dreg:$0xf];
	[sflag:s16] =	ssyncadd.s32 $0xFFFFC000  }
0x116: {  	[tilespmem:s15], [sflag:$0x1] =	stream.indirect.gather [hbm4b:s4+s18], $0x80, s10, s18, $0xb8;
	[tilespmem:$0x1CC00] =	vst v63  }
0x117: {  	_ =	swait.ge [sflag:s21], $0x4000  }
0x118: {  	[sflag:s21] =	ssyncset.done $0x0  }
0x119: {  	s10 =	rddreg [dreg:$0x10];
	[sflag:s21] =	ssyncadd.s32 $0xFFFFC000  }
0x11a: {  	[spmem:s2] =	stream.indirect.scatter.add.f32 [tilespmem:s19], [sflag:$0x3], $0x80, s10, s18, $0xb8;
	[tilespmem:$0x1CC00] =	vst v63  }
0x11b: {  	_ =	swait.ge [sflag:s16], $0x4000  }
0x11c: {  	[sflag:s16] =	ssyncset.done $0x0  }
0x11d: {  	[sflag:s16] =	ssyncadd.s32 $0xFFFFC000  }
0x11e: {  	[tilespmem:s19], [sflag:$0x2] =	stream.indirect.gather [hbm4b:s4+s18], $0x80, s22, s18, $0xb8;
	[tilespmem:$0x1CC00] =	vst v63  }
0x11f: {  	_ =	swait.ge [sflag:s20], $0x4000  }
0x120: {  	[sflag:s20] =	ssyncset.done $0x0  }
0x121: {  	[sflag:s20] =	ssyncadd.s32 $0xFFFFC000  }
0x122: {  	[spmem:s2] =	stream.indirect.scatter.add.f32 [tilespmem:s15], [sflag:$0x3], $0x80, s23, s18, $0xb8;
	[tilespmem:$0x1CC00] =	vst v63  }
0x123: {  	_ =	swait.ge [sflag:s16], $0x4000  }
0x124: {  	[sflag:s16] =	ssyncset.done $0x0  }
0x125: {  	[sflag:s16] =	ssyncadd.s32 $0xFFFFC000  }
0x126: {  	[tilespmem:s15], [sflag:$0x1] =	stream.indirect.gather [hbm4b:s4+s18], $0x80, s24, s18, $0xb8;
	[tilespmem:$0x1CC00] =	vst v63  }
0x127: {  	_ =	swait.ge [sflag:s21], $0x4000  }
0x128: {  	[sflag:s21] =	ssyncset.done $0x0  }
0x129: {  	[sflag:s21] =	ssyncadd.s32 $0xFFFFC000  }
0x12a: {  	[spmem:s2] =	stream.indirect.scatter.add.f32 [tilespmem:s19], [sflag:$0x3], $0x80, s25, s18, $0xb8;
	[tilespmem:$0x1CC00] =	vst v63  }
0x12b: {  	_ =	swait.ge [sflag:s16], $0x4000  }
0x12c: {  	[sflag:s16] =	ssyncset.done $0x0  }
0x12d: {  	[sflag:s16] =	ssyncadd.s32 $0xFFFFC000  }
0x12e: {  	[tilespmem:s19], [sflag:$0x2] =	stream.indirect.gather [hbm4b:s4+s18], $0x80, s26, s18, $0xb8;
	[tilespmem:$0x1CC00] =	vst v63  }
0x12f: {  	_ =	swait.ge [sflag:s20], $0x4000  }
0x130: {  	[sflag:s20] =	ssyncset.done $0x0  }
0x131: {  	[sflag:s20] =	ssyncadd.s32 $0xFFFFC000  }
0x132: {  	[spmem:s2] =	stream.indirect.scatter.add.f32 [tilespmem:s15], [sflag:$0x3], $0x80, s28, s18, $0xb8;
	[tilespmem:$0x1CC00] =	vst v63  }
0x133: {  	_ =	swait.ge [sflag:s16], $0x4000  }
0x134: {  	[sflag:s16] =	ssyncset.done $0x0  }
0x135: {  	[sflag:s16] =	ssyncadd.s32 $0xFFFFC000  }
0x136: {  	[tilespmem:s15], [sflag:$0x1] =	stream.indirect.gather [hbm4b:s4+s18], $0x80, s29, s18, $0xb8;
	[tilespmem:$0x1CC00] =	vst v63  }
0x137: {  	_ =	swait.ge [sflag:s21], $0x4000  }
0x138: {  	[sflag:s21] =	ssyncset.done $0x0  }
0x139: {  	[sflag:s21] =	ssyncadd.s32 $0xFFFFC000  }
0x13a: {  	[spmem:s2] =	stream.indirect.scatter.add.f32 [tilespmem:s19], [sflag:$0x3], $0x80, s30, s18, $0xb8;
	[tilespmem:$0x1CC00] =	vst v63  }
0x13b: {  	_ =	swait.ge [sflag:s16], $0x4000  }
0x13c: {  	[sflag:s16] =	ssyncset.done $0x0  }
0x13d: {  	[sflag:s16] =	ssyncadd.s32 $0xFFFFC000  }
0x13e: {  	[tilespmem:s19], [sflag:$0x2] =	stream.indirect.gather [hbm4b:s4+s18], $0x80, s31, s18, $0xb8;
	[tilespmem:$0x1CC00] =	vst v63  }
0x13f: {  	_ =	swait.ge [sflag:s20], $0x4000  }
0x140: {  	[sflag:s20] =	ssyncset.done $0x0  }
0x141: {  	[sflag:s20] =	ssyncadd.s32 $0xFFFFC000  }
0x142: {  	[spmem:s2] =	stream.indirect.scatter.add.f32 [tilespmem:s15], [sflag:$0x3], $0x80, s0, s18, $0xb8;
	[tilespmem:$0x1CC00] =	vst v63  }
0x143: {  	_ =	swait.ge [sflag:s16], $0x4000  }
0x144: {  	[sflag:s16] =	ssyncset.done $0x0  }
0x145: {  	[sflag:s16] =	ssyncadd.s32 $0xFFFFC000  }
0x146: {  	[tilespmem:s15], [sflag:$0x1] =	stream.indirect.gather [hbm4b:s4+s18], $0x80, s1, s18, $0xb8;
	[tilespmem:$0x1CC00] =	vst v63  }
0x147: {  	_ =	swait.ge [sflag:s21], $0x4000  }
0x148: {  	[sflag:s21] =	ssyncset.done $0x0  }
0x149: {  	[sflag:s21] =	ssyncadd.s32 $0xFFFFC000  }
0x14a: {  	[spmem:s2] =	stream.indirect.scatter.add.f32 [tilespmem:s19], [sflag:$0x3], $0x80, s6, s18, $0xb8;
	[tilespmem:$0x1CC00] =	vst v63  }
0x14b: {  	_ =	swait.ge [sflag:s16], $0x4000  }
0x14c: {  	[sflag:s16] =	ssyncset.done $0x0  }
0x14d: {  	[sflag:s16] =	ssyncadd.s32 $0xFFFFC000  }
0x14e: {  	[tilespmem:s19], [sflag:$0x2] =	stream.indirect.gather [hbm4b:s4+s18], $0x80, s7, s18, $0xb8;
	[tilespmem:$0x1CC00] =	vst v63  }
0x14f: {  	_ =	swait.ge [sflag:s20], $0x4000  }
0x150: {  	[sflag:s20] =	ssyncset.done $0x0  }
0x151: {  	[sflag:s20] =	ssyncadd.s32 $0xFFFFC000  }
0x152: {  	[spmem:s2] =	stream.indirect.scatter.add.f32 [tilespmem:s15], [sflag:$0x3], $0x80, s8, s18, $0xb8;
	[tilespmem:$0x1CC00] =	vst v63  }
0x153: {  	_ =	swait.ge [sflag:s16], $0x4000  }
0x154: {  	[sflag:s16] =	ssyncset.done $0x0  }
0x155: {  	[sflag:s16] =	ssyncadd.s32 $0xFFFFC000  }
0x156: {  	p0 =	sne.s32 s12, $0x1;
	_ =	swait.ge [sflag:s21], $0x4000  }
.Ltmp2:
0x157: {  	[sflag:s21] =	ssyncset.done $0x0;
	(pc) =	sbr.rel @p0 .LBB2_4-.Ltmp2, $4  }
0x158: {  	[sflag:s21] =	ssyncadd.s32 $0xFFFFC000  }
0x159: {  	[spmem:s2] =	stream.indirect.scatter.add.f32 [tilespmem:s19], [sflag:$0x3], $0x80, s9, s18, $0xb8;
	[tilespmem:$0x1CC00] =	vst v63  }
0x15a: {  	_ =	swait.ge [sflag:s16], $0x4000  }
0x15b: {  	s12 =	sadd.s32 $0xFFFFFFFF, s12;
	[sflag:s16] =	ssyncset.done $0x0  }
.LBB2_5:
0x15c: {  	[sflag:s16] =	ssyncadd.s32 $0xFFFFC000;
	s10 =	stileid.u32  }
0x15d: {  	s10 =	sshll.u32 s10, $0x6;
	[bflag:$0x0] =	sbarrier.arrive $0xFFFF  }
0x15e: {  	s12 =	sshrl.u32 s5, $0x3;
	s10 =	sor.u32 $0x1C03, s10;
	s13 =	rddreg [dreg:$0x16]  }
0x15f: {  	[hbm:s13], [sflag:s10] =	dma.local [spmem:s12], $0x2780  }
0x160: {  	_ =	swait.ge [sflag:s16], $0x2780  }
0x161: {  	s11 =	sadd.s32 $0x1, s11;
	s14 =	rddreg [dreg:$0x17]  }
0x162: {  	p0 =	sne.s32 s11, s14  }
.Ltmp3:
0x163: {  	_ = 	snop;
	(pc) =	sbr.rel @p0 .LBB2_1-.Ltmp3, $3  }
0x164: {  	_ =	sdelay $0x1  }
0x165: {  	[sflag:s16] =	ssyncset.done $0x0  }
0x166: {  	[sflag:s16] =	ssyncadd.s32 $0xFFFFD880  }
0x167: {  	_ =	sfence.sel $0x180000  }
0x168: {  	[bflag:$0x0] =	sbarrier.arrive $0xFFFF  }
0x169: {  	_ =	strace $0x9000004D  }
0x16a: {  	s0 =	stileid.u32;
	[bflag:$0x2] =	sbarrier.arrive $0xFFFF  }
0x16b: {  	p0 =	sne.s32 s0, $0x0;
	s0 =	rddreg [dreg:$0x2]  }
0x16c: {  	s0 =	sadd.s32 @!p0 $0x100000, s0  }
0x16d: {  	[sflag:s0] =	ssyncadd.tile.s32 @!p0 $0x1;
	_ =	shalt  }
.Lfunc_end2:
_tile_overlayer_lowered:
.L_overlay_start_2:
0x16e: {  	(tag) =	ssettag $0x2  }
0x16f: {  	s0 =	rddreg [dreg:$0x0];
	s2 =	stileid.u32  }
0x170: {  	s1 =	rddreg [dreg:$0x1];
	p0 =	sne.s32 s2, $0x0  }
0x171: {  	s3 =	rddreg [dreg:$0x2];
	[bflag:$0x3] =	sbarrier.arrive $0xFFFF;
	s2 =	simm.s32 @!p0 $0x1C03  }
0x172: {  	[timem:s3], [sflag:s2] =	dma.local @!p0 [hbm:s0], s1  }
0x173: {  	s0 =	simm.s32 @!p0 $0x3  }
0x174: {  	_ =	swait.ge @!p0 [sflag:s0], s1  }
0x175: {  	s1 =	ssub.s32 @!p0 $0x0, s1;
	[sflag:s0] =	ssyncset.done @!p0 $0x0  }
0x176: {  	[sflag:s0] =	ssyncadd.s32 @!p0 s1  }
0x177: {  	[bflag:$0x3] =	sbarrier.arrive $0xFFFF  }
0x178: {  	_ =	shalt  }

// kernel: kernel.8.cloned.1.call-start
scs
__scs_entry_jumppad:
0x0: {  	(pc) =	sbr.rel $0x88, $3  }
0x1: {  	(tag) =	ssettag $0x0;
	lr =	simm.s32 $0x1  }
0x2: {  	[smem:$0x3F91] =	sst lr;
	_ =	strace $0xD0000000  }
0x3: {  	_ = 	snop  }
0x4: {  	_ = 	snop  }
0x5: {  	_ = 	snop  }
0x6: {  	_ = 	snop  }
0x7: {  	_ = 	snop  }
__scs_overlays_trampoline_lowered:
0x8: {  	[smem:$0x3FA0] =	sst s0  }
0x9: {  	[smem:$0x3FA1] =	sst s1  }
0xa: {  	[smem:$0x3FA2] =	sst s2  }
0xb: {  	[smem:$0x3FA3] =	sst s3  }
0xc: {  	[smem:$0x3FA4] =	sst s4  }
0xd: {  	[smem:$0x3FA5] =	sst s5  }
0xe: {  	[smem:$0x3FA6] =	sst s6  }
0xf: {  	[smem:$0x3FA7] =	sst s7  }
0x10: {  	[smem:$0x3FA8] =	sst s8  }
0x11: {  	[smem:$0x3FA9] =	sst s9;
	s0 =	simm.s32 @!p0 $0x0  }
0x12: {  	s1 =	sld [smem:$0x3F8F];
	s0 =	simm.s32 @p0 $0x1  }
0x13: {  	[smem:$0x3FAA] =	sst s0;
	s0 =	simm.s32 @!p1 $0x0  }
0x14: {  	s2 =	sld [smem:$0x3F8E];
	s0 =	simm.s32 @p1 $0x1  }
0x15: {  	[smem:$0x3FAB] =	sst s0;
	s0 =	simm.s32 @!p2 $0x0  }
0x16: {  	s3 =	sld [smem:$0x3FDB];
	s0 =	simm.s32 @p2 $0x1  }
0x17: {  	s4 =	simm.s32 $0x1BF5;
	[smem:$0x3FAD] =	sst s0  }
0x18: {  	s0 =	sld [smem:$0x3F90];
	_ =	swait.ge [sflag:s4], $0x0  }
0x19: {  	s7 =	sld [smem:$0x3F91]  }
0x1a: {  	s8 =	sadd.s32 $0xFFFFE003, lr  }
0x1b: {  	s9 =	sadd.s32 $0xFFFFFEF7, lr;
	s5 =	simm.s32 $0xFFFFFFFF;
	p2 =	slt.u32 s8, $0xFFFFF086  }
0x1c: {  	p1 =	slt.u32 s9, $0xF7A;
	s5 =	simm.s32 @!p2 $0x0  }
0x1d: {  	s5 =	simm.s32 @p1 $0x1;
	p0 =	seq.s32 s7, s2  }
0x1e: {  	s7 =	smul.u32 @!p0 $0xF7A, s2;
	p2 =	seq.s32 @!p0 s5, $0x0  }
0x1f: {  	s9 =	smul.u32 $0xF7A, s1;
	s8 =	simm.s32 @!p0 $0x1BF5;
	p2 =	por !p2, p0  }
0x20: {  	[sflag:s8] =	ssyncset.s32 @!p0 $0xFFFFF086;
	s6 =	sadd.s32 @!p0 s3, s7;
	s7 =	simm.s32 @!p0 $0x108  }
0x21: {  	s3 =	sadd.s32 s3, s9;
	s6 =	sadd.s32 @!p0 $0x88, s6;
	s7 =	simm.s32 @p2 $0x1082  }
0x22: {  	[simem:s7], [sflag:s8] =	dma.local @!p0 [hbm:s6], $0xF7A  }
0x23: {  	s9 =	sor.u32 $0xD0000000, s2;
	s6 =	simm.s32 $0x108;
	_ =	swait.ge @!p0 [sflag:s8], $0x0  }
0x24: {  	s3 =	sadd.s32 $0x88, s3;
	s6 =	simm.s32 @!p1 $0x1082;
	[sflag:s4] =	ssyncset.s32 $0xFFFFF086  }
0x25: {  	[simem:s6], [sflag:s4] =	dma.local [hbm:s3], $0xF7A  }
0x26: {  	[smem:$0x3F91] =	sst s1;
	(tag) =	ssettag s2;
	_ =	strace s9  }
0x27: {  	s1 =	sld [smem:$0x3FA1]  }
0x28: {  	s2 =	sld [smem:$0x3FA2]  }
0x29: {  	s4 =	sld [smem:$0x3FA4]  }
0x2a: {  	p0 =	seq.s32 s5, $0x0;
	s5 =	sld [smem:$0x3FA5]  }
0x2b: {  	s6 =	sld [smem:$0x3FA6]  }
0x2c: {  	s7 =	sld [smem:$0x3FA7]  }
0x2d: {  	s3 =	simm.s32 $0x108;
	s8 =	sld [smem:$0x3FA8]  }
0x2e: {  	s3 =	simm.s32 @!p0 $0x1082;
	s9 =	sld [smem:$0x3FA9]  }
0x2f: {  	lr =	sadd.s32 s0, s3;
	s0 =	sld [smem:$0x3FA0]  }
0x30: {  	s3 =	sld [smem:$0x3FA3]  }
0x31: {  	[smem:$0x3FAC] =	sst s10  }
0x32: {  	s10 =	sld [smem:$0x3FAA];
	_ =	sdelay $0x3  }
0x33: {  	p0 =	seq.s32 s10, $0x1;
	s10 =	sld [smem:$0x3FAC];
	_ =	sdelay $0x3  }
0x34: {  	[smem:$0x3FAC] =	sst s10  }
0x35: {  	s10 =	sld [smem:$0x3FAB];
	_ =	sdelay $0x3  }
0x36: {  	p1 =	seq.s32 s10, $0x1;
	s10 =	sld [smem:$0x3FAC];
	_ =	sdelay $0x3  }
0x37: {  	[smem:$0x3FAC] =	sst s10  }
0x38: {  	s10 =	sld [smem:$0x3FAD]  }
0x39: {  	_ = 	snop;
	(pc) =	sbr.ind lr, $3  }
0x3a: {  	_ = 	snop  }
0x3b: {  	_ = 	snop  }
0x3c: {  	p2 =	seq.s32 s10, $0x1;
	s10 =	sld [smem:$0x3FAC]  }
0x3d: {  	_ =	shalt  }
0x3e: {  	_ =	shalt  }
0x3f: {  	_ =	shalt  }
0x40: {  	_ =	shalt  }
0x41: {  	_ =	shalt  }
0x42: {  	_ =	shalt  }
0x43: {  	_ =	shalt  }
0x44: {  	_ =	shalt  }
0x45: {  	_ =	shalt  }
0x46: {  	_ =	shalt  }
0x47: {  	_ =	shalt  }
0x48: {  	_ =	shalt  }
0x49: {  	_ =	shalt  }
0x4a: {  	_ =	shalt  }
0x4b: {  	_ =	shalt  }
0x4c: {  	_ =	shalt  }
0x4d: {  	_ =	shalt  }
0x4e: {  	_ =	shalt  }
0x4f: {  	_ =	shalt  }
0x50: {  	_ =	shalt  }
0x51: {  	_ =	shalt  }
0x52: {  	_ =	shalt  }
0x53: {  	_ =	shalt  }
0x54: {  	_ =	shalt  }
0x55: {  	_ =	shalt  }
0x56: {  	_ =	shalt  }
0x57: {  	_ =	shalt  }
0x58: {  	_ =	shalt  }
0x59: {  	_ =	shalt  }
0x5a: {  	_ =	shalt  }
0x5b: {  	_ =	shalt  }
0x5c: {  	_ =	shalt  }
0x5d: {  	_ =	shalt  }
0x5e: {  	_ =	shalt  }
0x5f: {  	_ =	shalt  }
0x60: {  	_ =	shalt  }
0x61: {  	_ =	shalt  }
0x62: {  	_ =	shalt  }
0x63: {  	_ =	shalt  }
0x64: {  	_ =	shalt  }
0x65: {  	_ =	shalt  }
0x66: {  	_ =	shalt  }
0x67: {  	_ =	shalt  }
0x68: {  	_ =	shalt  }
0x69: {  	_ =	shalt  }
0x6a: {  	_ =	shalt  }
0x6b: {  	_ =	shalt  }
0x6c: {  	_ =	shalt  }
0x6d: {  	_ =	shalt  }
0x6e: {  	_ =	shalt  }
0x6f: {  	_ =	shalt  }
0x70: {  	_ =	shalt  }
0x71: {  	_ =	shalt  }
0x72: {  	_ =	shalt  }
0x73: {  	_ =	shalt  }
0x74: {  	_ =	shalt  }
0x75: {  	_ =	shalt  }
0x76: {  	_ =	shalt  }
0x77: {  	_ =	shalt  }
0x78: {  	_ =	shalt  }
0x79: {  	_ =	shalt  }
0x7a: {  	_ =	shalt  }
0x7b: {  	_ =	shalt  }
0x7c: {  	_ =	shalt  }
0x7d: {  	_ =	shalt  }
0x7e: {  	_ =	shalt  }
0x7f: {  	_ =	shalt  }
0x80: {  	_ =	shalt  }
0x81: {  	_ =	shalt  }
0x82: {  	_ =	shalt  }
0x83: {  	_ =	shalt  }
0x84: {  	_ =	shalt  }
0x85: {  	_ =	shalt  }
0x86: {  	_ =	shalt  }
0x87: {  	_ =	shalt  }
.Lfunc_end0:
.L_simem_size_0:
called_computation_lowered:
.L_overlay_start_0:
0x88: {  	s2 =	sld [smem:$0x3FD9]  }
0x89: {  	s3 =	sld [smem:$0x3FFE];
	_ =	sdelay $0x1  }
0x8a: {  	s1 =	srdreg.scid  }
0x8b: {  	s0 =	sand.u32 $0x1, s1  }
0x8c: {  	s16 =	sshll.u32 s0, $0xA;
	s2 =	sadd.s32 s3, s2  }
0x8d: {  	s2 =	sadd.s32 s2, s16  }
0x8e: {  	[smem:$0x3FB8] =	sst s2  }
0x8f: {  	_ = 	snop  }
0x90: {  	(tm) =	ssettm $0x1  }
0x91: {  	s17 =	sld [smem:$0x3FFB];
	_ =	sdelay $0x3  }
0x92: {  	_ =	strace s17  }
0x93: {  	s2 =	sld [smem:$0x3FFC];
	_ =	sdelay $0x3  }
0x94: {  	_ =	strace s2  }
0x95: {  	s2 =	sld [smem:$0x3FFD];
	_ =	sdelay $0x3  }
0x96: {  	_ =	strace s2  }
0x97: {  	_ =	strace $0x8FFFFFFF  }
0x98: {  	s18 =	sld [smem:$0x3FDB];
	_ =	sdelay $0x1  }
0x99: {  	s19 =	simm.s32 $_scs_section_size  }
0x9a: {  	s4 =	simm.s32 $_size__tile_overlayer_lowered;
	s5 =	simm.s32 $_tile_overlayer_lowered  }
0x9b: {  	s22 =	simm.s32 $0x1BFF;
	s21 =	sshll.u32 s5, $0x1;
	s2 =	sadd.s32 s19, s18  }
0x9c: {  	s6 =	simm.s32 $0x0;
	s20 =	sshll.u32 s4, $0x1;
	s4 =	sadd.s32 s21, s2  }
0x9d: {  	[timem:s6], [sflag:s22] =	dma.local [hbm:s4], s20  }
0x9e: {  	_ =	swait.ge [sflag:s22], s20  }
0x9f: {  	s3 =	ssub.s32 $0x0, s20;
	[sflag:s22] =	ssyncset.done $0x0  }
0xa0: {  	[sflag:s22] =	ssyncadd.s32 s3;
	_ =	sdelay $0x1  }
0xa1: {  	s23 =	simm.s32 $0x1B8B  }
0xa2: {  	_ =	swait.ge [sflag:s23], $0x1  }
0xa3: {  	[sflag:s23] =	ssyncset.done $0x0  }
0xa4: {  	s25 =	simm.s32 $0x1B8E;
	s24 =	sld [smem:$0x3FFE];
	[sflag:s23] =	ssyncadd.s32 $0xFFFFFFFF  }
0xa5: {  	s26 =	simm.s32 $execute0_lowered;
	[smem:$0x3FD2] =	sst s25  }
0xa6: {  	s4 =	sshll.u32 s26, $0x1;
	_ =	strace $0x80000046;
	[dreg:$0x1] =	wrdreg $0xFFFFFFFF  }
0xa7: {  	s28 =	simm.s32 $_size_execute0_lowered;
	s2 =	sadd.s32 s2, s4;
	[dreg:$0x0] =	wrdreg $0x0  }
0xa8: {  	s4 =	sshll.u32 s28, $0x1;
	[dreg:$0x2] =	wrdreg s2  }
0xa9: {  	[dreg:$0x3] =	wrdreg s4  }
0xaa: {  	[dreg:$0x4] =	wrdreg $0xC0  }
0xab: {  	_ =	task [dreg:s6], $0x5FFFF  }
0xac: {  	[dreg:$0x1] =	wrdreg $0xFFFFFFFF  }
0xad: {  	[dreg:$0x0] =	wrdreg $0x60  }
0xae: {  	[dreg:$0x2] =	wrdreg s24  }
0xaf: {  	[dreg:$0x3] =	wrdreg $0x9  }
0xb0: {  	_ =	task.clear_ibuf [dreg:s6], $0x4FFFF;
	_ =	strace $0x90000046  }
0xb1: {  	s29 =	simm.s32 $0x9;
	_ =	strace $0x80000048  }
0xb2: {  	_ =	swait.ge [sflag:s29], $0x1  }
0xb3: {  	[sflag:s29] =	ssyncadd.s32 $0xFFFFFFFF  }
0xb4: {  	_ =	strace $0x90000048  }
0xb5: {  	_ =	sfence  }
0xb6: {  	s30 =	sld [smem:$0x0];
	_ =	sdelay $0x2  }
0xb7: {  	s31 =	sshll.u32 s1, $0xD;
	s1 =	sshrl.u32 s1, $0x2  }
0xb8: {  	s3 =	sand.u32 $0x4000, s31;
	s1 =	sadd.s32 s1, s30  }
0xb9: {  	s0 =	sor.u32 s3, s0;
	s1 =	sshll.u32 s1, $0x11  }
0xba: {  	s0 =	sor.u32 s1, s0  }
0xbb: {  	s0 =	sadd.s32 $0x8F2B, s0  }
0xbc: {  	[sflag:s0] =	ssyncadd.remote.s32 $0x1  }
0xbd: {  	_ =	sfence.sel $0xFFFF  }
0xbe: {  	[dreg:$0x0] =	wrdreg $0xFFFFFFFF;
	(pc) =	sbr.abs _section_cstart, $3  }
0xbf: {  	[dreg:$0x1] =	wrdreg $0xFFFFFFFF  }
0xc0: {  	_ =	task.clear_ibuf [dreg:s6], $0x2FFFF;
	_ =	strace $0x9FFFFFFF  }
0xc1: {  	(tm) =	ssettm $0x7FFFFFFF  }
tec
execute0_lowered:
.L_overlay_start_1:
0x0: {  	(tag) =	ssettag $0x1  }
0x1: {  	s0 =	srdreg.scid  }
0x2: {  	s5 =	rddreg [dreg:$0x0];
	s3 =	sand.u32 $0x1, s0  }
0x3: {  	s2 =	simm.s32 $0x0;
	s0 =	stileid.u32;
	s1 =	sshll.u32 s3, $0x4  }
0x4: {  	s8 =	simm.s32 $0x80;
	s9 =	simm.s32 $0x400;
	s4 =	sor.u32 s0, s1  }
0x5: {  	s10 =	simm.s32 $0x0;
	[smem:$0x7FF] =	sst s2;
	s1 =	sshrl.u32 s4, $0x3  }
0x6: {  	s7 =	sshll.u32 s0, $0x7;
	s3 =	ssub.s32 $0x2, s3;
	s6 =	smul.u32 $0x14000, s1  }
0x7: {  	s7 =	sand.u32 $0x380, s7;
	s31 =	sshrl.u32 s3, $0x1;
	s4 =	smul.u32 $0x500, s4  }
0x8: {  	s1 =	rddreg [dreg:$0x1];
	_ =	strace $0x80000047;
	s6 =	sor.u32 s7, s6  }
0x9: {  	s4 =	sadd.s32 s4, s5;
	s7 =	simm.s32 $0x2800;
	s6 =	sshrl.u32 s6, $0x3  }
0xa: {  	s5 =	sadd.s32 s6, s5;
	s6 =	ssub.s32 s3, s31;
	s3 =	sadd.s32 $0xCE00, s4  }
0xb: {  	v0 =	vimm.f32 $0.0e+00;
	v1 =	vimm.f32 $1.000000000e+00;
	s4 =	sadd.s32 $0x16E00, s5;
	s5 =	smax.u32 s6, $0x1;
	s6 =	simm.s32 $0x1  }
.LBB2_1:
0xc: {  	[tilespmem:s2], [sflag:$0x1] =	stream.linear.gather [hbm4b:s3+s2], $0x2800, $0x38;
	[tilespmem:$0x5000] =	vst v63  }
0xd: {  	_ =	swait.ge [sflag:s6], $0x2800  }
0xe: {  	[sflag:s6] =	ssyncset.done $0x0  }
0xf: {  	s11 =	simm.s32 $0x0;
	[sflag:s6] =	ssyncadd.s32 $0xFFFFD800  }
.LBB2_2:
0x10: {  	p0 =	sne.s32 s11, $0x9FC0  }
.Ltmp0:
0x11: {  	_ = 	snop;
	(pc) =	sbr.rel @p0 .LBB2_2-.Ltmp0, $3  }
0x12: {  	_ =	sdelay $0x1  }
0x13: {  	s12 =	sshra.s32 s11, $0x2  }
0x14: {  	s11 =	sadd.s32 $0x40, s11;
	[tilespmem:s12+$0x2800] =	vst v0  }
0x15: {  	s11 =	simm.s32 $0x0  }
.LBB2_4:
0x16: {  	s12 =	sshra.s32 s11, $0x2  }
0x17: {  	v2 =	vld [tilespmem:s12+$0x0];
	_ =	sdelay $0x7  }
0x18: {  	[tilespmem:v2+s7+$0x0] =	vst.idx.add.f32.msk $0xffff, v1  }
0x19: {  	v2 =	vld [tilespmem:s12+$0x10];
	_ =	sdelay $0x7  }
0x1a: {  	[tilespmem:v2+s7+$0x0] =	vst.idx.add.f32.msk $0xffff, v1  }
0x1b: {  	v2 =	vld [tilespmem:s12+$0x20];
	_ =	sdelay $0x7  }
0x1c: {  	[tilespmem:v2+s7+$0x0] =	vst.idx.add.f32.msk $0xffff, v1  }
0x1d: {  	v2 =	vld [tilespmem:s12+$0x30];
	_ =	sdelay $0x7  }
0x1e: {  	[tilespmem:v2+s7+$0x0] =	vst.idx.add.f32.msk $0xffff, v1  }
0x1f: {  	v2 =	vld [tilespmem:s12+$0x40];
	_ =	sdelay $0x7  }
0x20: {  	[tilespmem:v2+s7+$0x0] =	vst.idx.add.f32.msk $0xffff, v1  }
0x21: {  	v2 =	vld [tilespmem:s12+$0x50];
	_ =	sdelay $0x7  }
0x22: {  	[tilespmem:v2+s7+$0x0] =	vst.idx.add.f32.msk $0xffff, v1  }
0x23: {  	v2 =	vld [tilespmem:s12+$0x60];
	_ =	sdelay $0x7  }
0x24: {  	[tilespmem:v2+s7+$0x0] =	vst.idx.add.f32.msk $0xffff, v1  }
0x25: {  	v2 =	vld [tilespmem:s12+$0x70];
	_ =	sdelay $0x2  }
0x26: {  	p0 =	sne.s32 s11, $0x9E00  }
.Ltmp1:
0x27: {  	_ = 	snop;
	(pc) =	sbr.rel @p0 .LBB2_4-.Ltmp1, $2  }
0x28: {  	_ =	sdelay $0x2  }
0x29: {  	s11 =	sadd.s32 $0x200, s11;
	[tilespmem:v2+s7+$0x0] =	vst.idx.add.f32.msk $0xffff, v1  }
0x2a: {  	s10 =	sadd.s32 $0x1, s10  }
0x2b: {  	p0 =	sne.s32 s10, s5  }
.Ltmp2:
0x2c: {  	_ = 	snop;
	(pc) =	sbr.rel @p0 .LBB2_1-.Ltmp2, $4  }
0x2d: {  	[hbm4b:s4+s8] =	stream.strided.scatter [tilespmem:s7], [sflag:$0x1], $0x2800, s9, s8, $0x38;
	[tilespmem:$0x5000] =	vst v63  }
0x2e: {  	_ =	swait.ge [sflag:s6], $0x2800  }
0x2f: {  	[sflag:s6] =	ssyncset.done $0x0  }
0x30: {  	[sflag:s6] =	ssyncadd.s32 $0xFFFFD800  }
0x31: {  	_ =	sfence.sel $0x180000  }
0x32: {  	[bflag:$0x0] =	sbarrier.arrive $0xFFFF  }
0x33: {  	p0 =	sne.s32 s0, $0x0;
	_ =	strace $0x90000047  }
0x34: {  	s0 =	sadd.s32 @!p0 $0x100000, s1;
	[bflag:$0x2] =	sbarrier.arrive $0xFFFF  }
0x35: {  	[sflag:s0] =	ssyncadd.tile.s32 @!p0 $0x1;
	_ =	shalt  }
.Lfunc_end2:
_tile_overlayer_lowered:
.L_overlay_start_2:
0x36: {  	(tag) =	ssettag $0x2  }
0x37: {  	s0 =	rddreg [dreg:$0x0];
	s2 =	stileid.u32  }
0x38: {  	s1 =	rddreg [dreg:$0x1];
	p0 =	sne.s32 s2, $0x0  }
0x39: {  	s3 =	rddreg [dreg:$0x2];
	[bflag:$0x3] =	sbarrier.arrive $0xFFFF;
	s2 =	simm.s32 @!p0 $0x1C01  }
0x3a: {  	[timem:s3], [sflag:s2] =	dma.local @!p0 [hbm:s0], s1  }
0x3b: {  	s0 =	simm.s32 @!p0 $0x1  }
0x3c: {  	_ =	swait.ge @!p0 [sflag:s0], s1  }
0x3d: {  	s1 =	ssub.s32 @!p0 $0x0, s1;
	[sflag:s0] =	ssyncset.done @!p0 $0x0  }
0x3e: {  	[sflag:s0] =	ssyncadd.s32 @!p0 s1  }
0x3f: {  	[bflag:$0x3] =	sbarrier.arrive $0xFFFF  }
0x40: {  	_ =	shalt  }

</sc_bundles>
